<compile_context>
chip_gen: v7x
topology: tpu7x:2x2x1
jax: 0.10.2.dev20260603
libtpu: 0.0.44.dev20260713+nightly
codegen_flags: <defaults>
</compile_context>

<pallas_src>
import functools

import jax
import jax.numpy as jnp
from jax import lax
from jax.experimental import pallas as pl
from jax.experimental.pallas import tpu as pltpu
from jax.experimental.pallas import tpu_sc as plsc

VOCAB_ROWS = 100000
DIM = 64

_NUM_CORES = 2
_NUM_SUBCORES = 16
_NUM_WORKERS = _NUM_CORES * _NUM_SUBCORES
_WCHUNK = 3128
_LAST = VOCAB_ROWS - (_NUM_WORKERS - 1) * _WCHUNK
_NBUF = 6
_CROWS = 168
_AHEAD = 2


def _chunk_sizes(total):
    sizes = []
    while total > 0:
        sizes.append(min(_CROWS, total))
        total -= sizes[-1]
    return sizes


@functools.partial(
    pl.kernel,
    mesh=plsc.VectorSubcoreMesh(core_axis_name="c", subcore_axis_name="s"),
    out_type=jax.ShapeDtypeStruct((VOCAB_ROWS, DIM), jnp.float32),
    compiler_params=pltpu.CompilerParams(use_tc_tiling_on_sc=True),
    scratch_types=(
        [pltpu.VMEM((_CROWS, DIM), jnp.float32)] * _NBUF
        + [pltpu.SemaphoreType.DMA] * (2 * _NBUF)
    ),
)
def _copy_kernel(in_hbm, out_hbm, *scratch):
    bufs = scratch[:_NBUF]
    sin = scratch[_NBUF:2 * _NBUF]
    sout = scratch[2 * _NBUF:]
    wid = lax.axis_index("s") * _NUM_CORES + lax.axis_index("c")
    base = pl.multiple_of(wid * _WCHUNK, 8)

    def copy_range(start, total):
        sizes = _chunk_sizes(total)
        n = len(sizes)
        offs = []
        off = 0
        for sz in sizes:
            offs.append(off)
            off += sz
        h_in = [None] * _NBUF
        h_out = [None] * _NBUF
        for j in range(min(_AHEAD, n)):
            h_in[j] = pltpu.async_copy(
                in_hbm.at[pl.ds(start + offs[j], sizes[j])],
                bufs[j].at[pl.ds(0, sizes[j])], sin[j])
        for i in range(n):
            b = i % _NBUF
            h_in[b].wait()
            h_out[b] = pltpu.async_copy(
                bufs[b].at[pl.ds(0, sizes[i])],
                out_hbm.at[pl.ds(start + offs[i], sizes[i])], sout[b])
            j = i + _AHEAD
            if j < n:
                bj = j % _NBUF
                if h_out[bj] is not None:
                    h_out[bj].wait()
                h_in[bj] = pltpu.async_copy(
                    in_hbm.at[pl.ds(start + offs[j], sizes[j])],
                    bufs[bj].at[pl.ds(0, sizes[j])], sin[bj])
        for k in range(max(0, n - _NBUF), n):
            h_out[k % _NBUF].wait()

    @pl.when(wid < _NUM_WORKERS - 1)
    def _():
        copy_range(base, _WCHUNK)

    @pl.when(wid == _NUM_WORKERS - 1)
    def _():
        copy_range((_NUM_WORKERS - 1) * _WCHUNK, _LAST)


def kernel(embeddings):
    return _copy_kernel(embeddings)

# --- scband reference (transcript-rebuilt; emitter-appended) ---
"""Pipeline reference for scband-simple-embedding-model-13297218749151 (READ-ONLY COPY).

The authoritative reference and input builder live on the scoring server;
editing this copy changes nothing except your own understanding.
"""

import jax, jax.numpy as jnp
import numpy as np

VOCAB = 100000
EMBED_DIM = 64

def setup_inputs(seed: int = 0) -> dict:
    key = jax.random.key(seed)
    embeddings = jax.random.normal(key, (VOCAB, EMBED_DIM), dtype=jnp.float32) * 0.01
    return {"embeddings": embeddings}

def reference(embeddings) -> jnp.ndarray:
    # Faithful translation: forward() simply returns the embedding parameter tensor.
    return embeddings

if __name__ == "__main__":
    import jax
    _d = setup_inputs()
    print(jax.jit(kernel)(*tuple(_d.values())))

</pallas_src>

<mosaic_0001>
#map = affine_map<(d0, d1) -> (0, 0)>
module attributes {stable_mosaic.version = 14 : i64} {
  func.func @_copy_kernel(%arg0: i32, %arg1: i32, %arg2: memref<100000x64xf32, #tpu.memory_space<hbm>>, %arg3: memref<100000x64xf32, #tpu.memory_space<hbm>>, %arg4: memref<168x64xf32, #tpu.memory_space<vmem>>, %arg5: memref<168x64xf32, #tpu.memory_space<vmem>>, %arg6: memref<168x64xf32, #tpu.memory_space<vmem>>, %arg7: memref<168x64xf32, #tpu.memory_space<vmem>>, %arg8: memref<168x64xf32, #tpu.memory_space<vmem>>, %arg9: memref<168x64xf32, #tpu.memory_space<vmem>>, %arg10: memref<!tpu.dma_semaphore, #tpu.memory_space<semaphore_mem>>, %arg11: memref<!tpu.dma_semaphore, #tpu.memory_space<semaphore_mem>>, %arg12: memref<!tpu.dma_semaphore, #tpu.memory_space<semaphore_mem>>, %arg13: memref<!tpu.dma_semaphore, #tpu.memory_space<semaphore_mem>>, %arg14: memref<!tpu.dma_semaphore, #tpu.memory_space<semaphore_mem>>, %arg15: memref<!tpu.dma_semaphore, #tpu.memory_space<semaphore_mem>>, %arg16: memref<!tpu.dma_semaphore, #tpu.memory_space<semaphore_mem>>, %arg17: memref<!tpu.dma_semaphore, #tpu.memory_space<semaphore_mem>>, %arg18: memref<!tpu.dma_semaphore, #tpu.memory_space<semaphore_mem>>, %arg19: memref<!tpu.dma_semaphore, #tpu.memory_space<semaphore_mem>>, %arg20: memref<!tpu.dma_semaphore, #tpu.memory_space<semaphore_mem>>, %arg21: memref<!tpu.dma_semaphore, #tpu.memory_space<semaphore_mem>>) attributes {dimension_semantics = [#tpu.dimension_semantics<core_parallel>, #tpu.dimension_semantics<subcore_parallel>], iteration_bounds = array<i64: 2, 16>, scalar_prefetch = 0 : i64, scratch_operands = 18 : i64, tpu.core_type = #tpu.core_type<sc_vector_subcore>, window_params = [{transform_indices = #map}, {transform_indices = #map}]} {
    %mul3A = arith.constant 2 : i32
    %mul3A_0 = arith.muli %arg1, %mul3A : i32
    %add3A = arith.addi %mul3A_0, %arg0 : i32
    %mul3A_1 = arith.constant 3128 : i32
    %mul3A_2 = arith.muli %add3A, %mul3A_1 : i32
    %multiple_of3A = tpu.assume_multiple %mul3A_2, 8 : i32
    %lt3A = arith.constant 31 : i32
    %lt3A_3 = arith.cmpi slt, %add3A, %lt3A : i32
    %convert_element_type3A = arith.extui %lt3A_3 : i1 to i32
    %cond3A = arith.constant 0 : i32
    %cond3A_4 = arith.cmpi ne, %convert_element_type3A, %cond3A : i32
    scf.if %cond3A_4 {
      %add3A_9 = arith.constant 0 : i32
      %add3A_10 = arith.addi %multiple_of3A, %add3A_9 : i32
      %dma_start3A = arith.constant 0 : i32
      %dma_start3A_11 = arith.constant 0 : i32
      %dma_start3A_12 = tpu.memref_slice %arg4[%dma_start3A, %dma_start3A_11] : memref<168x64xf32, #tpu.memory_space<vmem>> -> memref<168x64xf32, #tpu.memory_space<vmem>>
      %dma_start3A_13 = arith.constant 0 : i32
      %dma_start3A_14 = tpu.memref_slice %arg2[%add3A_10, %dma_start3A_13] : memref<100000x64xf32, #tpu.memory_space<hbm>> -> memref<168x64xf32, #tpu.memory_space<hbm>>
      %dma_start3A_15 = arith.constant 0 : i32
      %dma_start3A_16 = arith.constant 0 : i32
      %dma_start3A_17 = tpu.memref_slice %arg4[%dma_start3A_15, %dma_start3A_16] : memref<168x64xf32, #tpu.memory_space<vmem>> -> memref<168x64xf32, #tpu.memory_space<vmem>>
      %dma_start3A_18 = arith.constant 0 : i32
      %dma_start3A_19 = tpu.memref_slice %arg2[%add3A_10, %dma_start3A_18] : memref<100000x64xf32, #tpu.memory_space<hbm>> -> memref<168x64xf32, #tpu.memory_space<hbm>>
      tpu.enqueue_dma source(%dma_start3A_19 : memref<168x64xf32, #tpu.memory_space<hbm>>) target(%dma_start3A_17 : memref<168x64xf32, #tpu.memory_space<vmem>>) target_semaphore(%arg10 : memref<!tpu.dma_semaphore, #tpu.memory_space<semaphore_mem>>)
      %add3A_20 = arith.constant 168 : i32
      %add3A_21 = arith.addi %multiple_of3A, %add3A_20 : i32
      %dma_start3A_22 = arith.constant 0 : i32
      %dma_start3A_23 = arith.constant 0 : i32
      %dma_start3A_24 = tpu.memref_slice %arg5[%dma_start3A_22, %dma_start3A_23] : memref<168x64xf32, #tpu.memory_space<vmem>> -> memref<168x64xf32, #tpu.memory_space<vmem>>
      %dma_start3A_25 = arith.constant 0 : i32
      %dma_start3A_26 = tpu.memref_slice %arg2[%add3A_21, %dma_start3A_25] : memref<100000x64xf32, #tpu.memory_space<hbm>> -> memref<168x64xf32, #tpu.memory_space<hbm>>
      %dma_start3A_27 = arith.constant 0 : i32
      %dma_start3A_28 = arith.constant 0 : i32
      %dma_start3A_29 = tpu.memref_slice %arg5[%dma_start3A_27, %dma_start3A_28] : memref<168x64xf32, #tpu.memory_space<vmem>> -> memref<168x64xf32, #tpu.memory_space<vmem>>
      %dma_start3A_30 = arith.constant 0 : i32
      %dma_start3A_31 = tpu.memref_slice %arg2[%add3A_21, %dma_start3A_30] : memref<100000x64xf32, #tpu.memory_space<hbm>> -> memref<168x64xf32, #tpu.memory_space<hbm>>
      tpu.enqueue_dma source(%dma_start3A_31 : memref<168x64xf32, #tpu.memory_space<hbm>>) target(%dma_start3A_29 : memref<168x64xf32, #tpu.memory_space<vmem>>) target_semaphore(%arg11 : memref<!tpu.dma_semaphore, #tpu.memory_space<semaphore_mem>>)
      %dma_wait3A = arith.constant 0 : i32
      %dma_wait3A_32 = arith.constant 0 : i32
      %dma_wait3A_33 = tpu.memref_slice %arg4[%dma_wait3A, %dma_wait3A_32] : memref<168x64xf32, #tpu.memory_space<vmem>> -> memref<168x64xf32, #tpu.memory_space<vmem>>
      %dma_wait3A_34 = arith.constant 0 : i32
      %dma_wait3A_35 = tpu.memref_slice %arg2[%add3A_10, %dma_wait3A_34] : memref<100000x64xf32, #tpu.memory_space<hbm>> -> memref<168x64xf32, #tpu.memory_space<hbm>>
      %dma_wait3A_36 = arith.constant 0 : i32
      %dma_wait3A_37 = arith.constant 0 : i32
      %dma_wait3A_38 = tpu.memref_slice %arg4[%dma_wait3A_36, %dma_wait3A_37] : memref<168x64xf32, #tpu.memory_space<vmem>> -> memref<168x64xf32, #tpu.memory_space<vmem>>
      %dma_wait3A_39 = arith.constant 0 : i32
      %dma_wait3A_40 = tpu.memref_slice %arg2[%add3A_10, %dma_wait3A_39] : memref<100000x64xf32, #tpu.memory_space<hbm>> -> memref<168x64xf32, #tpu.memory_space<hbm>>
      tpu.wait_dma2 semaphore(%arg10 : memref<!tpu.dma_semaphore, #tpu.memory_space<semaphore_mem>>) src(%dma_wait3A_40 : memref<168x64xf32, #tpu.memory_space<hbm>>) dst(%dma_wait3A_38 : memref<168x64xf32, #tpu.memory_space<vmem>>)
      %add3A_41 = arith.constant 0 : i32
      %add3A_42 = arith.addi %multiple_of3A, %add3A_41 : i32
      %dma_start3A_43 = arith.constant 0 : i32
      %dma_start3A_44 = arith.constant 0 : i32
      %dma_start3A_45 = tpu.memref_slice %arg4[%dma_start3A_43, %dma_start3A_44] : memref<168x64xf32, #tpu.memory_space<vmem>> -> memref<168x64xf32, #tpu.memory_space<vmem>>
      %dma_start3A_46 = arith.constant 0 : i32
      %dma_start3A_47 = tpu.memref_slice %arg3[%add3A_42, %dma_start3A_46] : memref<100000x64xf32, #tpu.memory_space<hbm>> -> memref<168x64xf32, #tpu.memory_space<hbm>>
      %dma_start3A_48 = arith.constant 0 : i32
      %dma_start3A_49 = tpu.memref_slice %arg3[%add3A_42, %dma_start3A_48] : memref<100000x64xf32, #tpu.memory_space<hbm>> -> memref<168x64xf32, #tpu.memory_space<hbm>>
      %dma_start3A_50 = arith.constant 0 : i32
      %dma_start3A_51 = arith.constant 0 : i32
      %dma_start3A_52 = tpu.memref_slice %arg4[%dma_start3A_50, %dma_start3A_51] : memref<168x64xf32, #tpu.memory_space<vmem>> -> memref<168x64xf32, #tpu.memory_space<vmem>>
      tpu.enqueue_dma source(%dma_start3A_52 : memref<168x64xf32, #tpu.memory_space<vmem>>) target(%dma_start3A_49 : memref<168x64xf32, #tpu.memory_space<hbm>>) target_semaphore(%arg16 : memref<!tpu.dma_semaphore, #tpu.memory_space<semaphore_mem>>)
      %add3A_53 = arith.constant 336 : i32
      %add3A_54 = arith.addi %multiple_of3A, %add3A_53 : i32
      %dma_start3A_55 = arith.constant 0 : i32
      %dma_start3A_56 = arith.constant 0 : i32
      %dma_start3A_57 = tpu.memref_slice %arg6[%dma_start3A_55, %dma_start3A_56] : memref<168x64xf32, #tpu.memory_space<vmem>> -> memref<168x64xf32, #tpu.memory_space<vmem>>
      %dma_start3A_58 = arith.constant 0 : i32
      %dma_start3A_59 = tpu.memref_slice %arg2[%add3A_54, %dma_start3A_58] : memref<100000x64xf32, #tpu.memory_space<hbm>> -> memref<168x64xf32, #tpu.memory_space<hbm>>
      %dma_start3A_60 = arith.constant 0 : i32
      %dma_start3A_61 = arith.constant 0 : i32
      %dma_start3A_62 = tpu.memref_slice %arg6[%dma_start3A_60, %dma_start3A_61] : memref<168x64xf32, #tpu.memory_space<vmem>> -> memref<168x64xf32, #tpu.memory_space<vmem>>
      %dma_start3A_63 = arith.constant 0 : i32
      %dma_start3A_64 = tpu.memref_slice %arg2[%add3A_54, %dma_start3A_63] : memref<100000x64xf32, #tpu.memory_space<hbm>> -> memref<168x64xf32, #tpu.memory_space<hbm>>
      tpu.enqueue_dma source(%dma_start3A_64 : memref<168x64xf32, #tpu.memory_space<hbm>>) target(%dma_start3A_62 : memref<168x64xf32, #tpu.memory_space<vmem>>) target_semaphore(%arg12 : memref<!tpu.dma_semaphore, #tpu.memory_space<semaphore_mem>>)
      %dma_wait3A_65 = arith.constant 0 : i32
      %dma_wait3A_66 = arith.constant 0 : i32
      %dma_wait3A_67 = tpu.memref_slice %arg5[%dma_wait3A_65, %dma_wait3A_66] : memref<168x64xf32, #tpu.memory_space<vmem>> -> memref<168x64xf32, #tpu.memory_space<vmem>>
      %dma_wait3A_68 = arith.constant 0 : i32
      %dma_wait3A_69 = tpu.memref_slice %arg2[%add3A_21, %dma_wait3A_68] : memref<100000x64xf32, #tpu.memory_space<hbm>> -> memref<168x64xf32, #tpu.memory_space<hbm>>
      %dma_wait3A_70 = arith.constant 0 : i32
      %dma_wait3A_71 = arith.constant 0 : i32
      %dma_wait3A_72 = tpu.memref_slice %arg5[%dma_wait3A_70, %dma_wait3A_71] : memref<168x64xf32, #tpu.memory_space<vmem>> -> memref<168x64xf32, #tpu.memory_space<vmem>>
      %dma_wait3A_73 = arith.constant 0 : i32
      %dma_wait3A_74 = tpu.memref_slice %arg2[%add3A_21, %dma_wait3A_73] : memref<100000x64xf32, #tpu.memory_space<hbm>> -> memref<168x64xf32, #tpu.memory_space<hbm>>
      tpu.wait_dma2 semaphore(%arg11 : memref<!tpu.dma_semaphore, #tpu.memory_space<semaphore_mem>>) src(%dma_wait3A_74 : memref<168x64xf32, #tpu.memory_space<hbm>>) dst(%dma_wait3A_72 : memref<168x64xf32, #tpu.memory_space<vmem>>)
      %add3A_75 = arith.constant 168 : i32
      %add3A_76 = arith.addi %multiple_of3A, %add3A_75 : i32
      %dma_start3A_77 = arith.constant 0 : i32
      %dma_start3A_78 = arith.constant 0 : i32
      %dma_start3A_79 = tpu.memref_slice %arg5[%dma_start3A_77, %dma_start3A_78] : memref<168x64xf32, #tpu.memory_space<vmem>> -> memref<168x64xf32, #tpu.memory_space<vmem>>
      %dma_start3A_80 = arith.constant 0 : i32
      %dma_start3A_81 = tpu.memref_slice %arg3[%add3A_76, %dma_start3A_80] : memref<100000x64xf32, #tpu.memory_space<hbm>> -> memref<168x64xf32, #tpu.memory_space<hbm>>
      %dma_start3A_82 = arith.constant 0 : i32
      %dma_start3A_83 = tpu.memref_slice %arg3[%add3A_76, %dma_start3A_82] : memref<100000x64xf32, #tpu.memory_space<hbm>> -> memref<168x64xf32, #tpu.memory_space<hbm>>
      %dma_start3A_84 = arith.constant 0 : i32
      %dma_start3A_85 = arith.constant 0 : i32
      %dma_start3A_86 = tpu.memref_slice %arg5[%dma_start3A_84, %dma_start3A_85] : memref<168x64xf32, #tpu.memory_space<vmem>> -> memref<168x64xf32, #tpu.memory_space<vmem>>
      tpu.enqueue_dma source(%dma_start3A_86 : memref<168x64xf32, #tpu.memory_space<vmem>>) target(%dma_start3A_83 : memref<168x64xf32, #tpu.memory_space<hbm>>) target_semaphore(%arg17 : memref<!tpu.dma_semaphore, #tpu.memory_space<semaphore_mem>>)
      %add3A_87 = arith.constant 504 : i32
      %add3A_88 = arith.addi %multiple_of3A, %add3A_87 : i32
      %dma_start3A_89 = arith.constant 0 : i32
      %dma_start3A_90 = arith.constant 0 : i32
      %dma_start3A_91 = tpu.memref_slice %arg7[%dma_start3A_89, %dma_start3A_90] : memref<168x64xf32, #tpu.memory_space<vmem>> -> memref<168x64xf32, #tpu.memory_space<vmem>>
      %dma_start3A_92 = arith.constant 0 : i32
      %dma_start3A_93 = tpu.memref_slice %arg2[%add3A_88, %dma_start3A_92] : memref<100000x64xf32, #tpu.memory_space<hbm>> -> memref<168x64xf32, #tpu.memory_space<hbm>>
      %dma_start3A_94 = arith.constant 0 : i32
      %dma_start3A_95 = arith.constant 0 : i32
      %dma_start3A_96 = tpu.memref_slice %arg7[%dma_start3A_94, %dma_start3A_95] : memref<168x64xf32, #tpu.memory_space<vmem>> -> memref<168x64xf32, #tpu.memory_space<vmem>>
      %dma_start3A_97 = arith.constant 0 : i32
      %dma_start3A_98 = tpu.memref_slice %arg2[%add3A_88, %dma_start3A_97] : memref<100000x64xf32, #tpu.memory_space<hbm>> -> memref<168x64xf32, #tpu.memory_space<hbm>>
      tpu.enqueue_dma source(%dma_start3A_98 : memref<168x64xf32, #tpu.memory_space<hbm>>) target(%dma_start3A_96 : memref<168x64xf32, #tpu.memory_space<vmem>>) target_semaphore(%arg13 : memref<!tpu.dma_semaphore, #tpu.memory_space<semaphore_mem>>)
      %dma_wait3A_99 = arith.constant 0 : i32
      %dma_wait3A_100 = arith.constant 0 : i32
      %dma_wait3A_101 = tpu.memref_slice %arg6[%dma_wait3A_99, %dma_wait3A_100] : memref<168x64xf32, #tpu.memory_space<vmem>> -> memref<168x64xf32, #tpu.memory_space<vmem>>
      %dma_wait3A_102 = arith.constant 0 : i32
      %dma_wait3A_103 = tpu.memref_slice %arg2[%add3A_54, %dma_wait3A_102] : memref<100000x64xf32, #tpu.memory_space<hbm>> -> memref<168x64xf32, #tpu.memory_space<hbm>>
      %dma_wait3A_104 = arith.constant 0 : i32
      %dma_wait3A_105 = arith.constant 0 : i32
      %dma_wait3A_106 = tpu.memref_slice %arg6[%dma_wait3A_104, %dma_wait3A_105] : memref<168x64xf32, #tpu.memory_space<vmem>> -> memref<168x64xf32, #tpu.memory_space<vmem>>
      %dma_wait3A_107 = arith.constant 0 : i32
      %dma_wait3A_108 = tpu.memref_slice %arg2[%add3A_54, %dma_wait3A_107] : memref<100000x64xf32, #tpu.memory_space<hbm>> -> memref<168x64xf32, #tpu.memory_space<hbm>>
      tpu.wait_dma2 semaphore(%arg12 : memref<!tpu.dma_semaphore, #tpu.memory_space<semaphore_mem>>) src(%dma_wait3A_108 : memref<168x64xf32, #tpu.memory_space<hbm>>) dst(%dma_wait3A_106 : memref<168x64xf32, #tpu.memory_space<vmem>>)
      %add3A_109 = arith.constant 336 : i32
      %add3A_110 = arith.addi %multiple_of3A, %add3A_109 : i32
      %dma_start3A_111 = arith.constant 0 : i32
      %dma_start3A_112 = arith.constant 0 : i32
      %dma_start3A_113 = tpu.memref_slice %arg6[%dma_start3A_111, %dma_start3A_112] : memref<168x64xf32, #tpu.memory_space<vmem>> -> memref<168x64xf32, #tpu.memory_space<vmem>>
      %dma_start3A_114 = arith.constant 0 : i32
      %dma_start3A_115 = tpu.memref_slice %arg3[%add3A_110, %dma_start3A_114] : memref<100000x64xf32, #tpu.memory_space<hbm>> -> memref<168x64xf32, #tpu.memory_space<hbm>>
      %dma_start3A_116 = arith.constant 0 : i32
      %dma_start3A_117 = tpu.memref_slice %arg3[%add3A_110, %dma_start3A_116] : memref<100000x64xf32, #tpu.memory_space<hbm>> -> memref<168x64xf32, #tpu.memory_space<hbm>>
      %dma_start3A_118 = arith.constant 0 : i32
      %dma_start3A_119 = arith.constant 0 : i32
      %dma_start3A_120 = tpu.memref_slice %arg6[%dma_start3A_118, %dma_start3A_119] : memref<168x64xf32, #tpu.memory_space<vmem>> -> memref<168x64xf32, #tpu.memory_space<vmem>>
      tpu.enqueue_dma source(%dma_start3A_120 : memref<168x64xf32, #tpu.memory_space<vmem>>) target(%dma_start3A_117 : memref<168x64xf32, #tpu.memory_space<hbm>>) target_semaphore(%arg18 : memref<!tpu.dma_semaphore, #tpu.memory_space<semaphore_mem>>)
      %add3A_121 = arith.constant 672 : i32
      %add3A_122 = arith.addi %multiple_of3A, %add3A_121 : i32
      %dma_start3A_123 = arith.constant 0 : i32
      %dma_start3A_124 = arith.constant 0 : i32
      %dma_start3A_125 = tpu.memref_slice %arg8[%dma_start3A_123, %dma_start3A_124] : memref<168x64xf32, #tpu.memory_space<vmem>> -> memref<168x64xf32, #tpu.memory_space<vmem>>
      %dma_start3A_126 = arith.constant 0 : i32
      %dma_start3A_127 = tpu.memref_slice %arg2[%add3A_122, %dma_start3A_126] : memref<100000x64xf32, #tpu.memory_space<hbm>> -> memref<168x64xf32, #tpu.memory_space<hbm>>
      %dma_start3A_128 = arith.constant 0 : i32
      %dma_start3A_129 = arith.constant 0 : i32
      %dma_start3A_130 = tpu.memref_slice %arg8[%dma_start3A_128, %dma_start3A_129] : memref<168x64xf32, #tpu.memory_space<vmem>> -> memref<168x64xf32, #tpu.memory_space<vmem>>
      %dma_start3A_131 = arith.constant 0 : i32
      %dma_start3A_132 = tpu.memref_slice %arg2[%add3A_122, %dma_start3A_131] : memref<100000x64xf32, #tpu.memory_space<hbm>> -> memref<168x64xf32, #tpu.memory_space<hbm>>
      tpu.enqueue_dma source(%dma_start3A_132 : memref<168x64xf32, #tpu.memory_space<hbm>>) target(%dma_start3A_130 : memref<168x64xf32, #tpu.memory_space<vmem>>) target_semaphore(%arg14 : memref<!tpu.dma_semaphore, #tpu.memory_space<semaphore_mem>>)
      %dma_wait3A_133 = arith.constant 0 : i32
      %dma_wait3A_134 = arith.constant 0 : i32
      %dma_wait3A_135 = tpu.memref_slice %arg7[%dma_wait3A_133, %dma_wait3A_134] : memref<168x64xf32, #tpu.memory_space<vmem>> -> memref<168x64xf32, #tpu.memory_space<vmem>>
      %dma_wait3A_136 = arith.constant 0 : i32
      %dma_wait3A_137 = tpu.memref_slice %arg2[%add3A_88, %dma_wait3A_136] : memref<100000x64xf32, #tpu.memory_space<hbm>> -> memref<168x64xf32, #tpu.memory_space<hbm>>
      %dma_wait3A_138 = arith.constant 0 : i32
      %dma_wait3A_139 = arith.constant 0 : i32
      %dma_wait3A_140 = tpu.memref_slice %arg7[%dma_wait3A_138, %dma_wait3A_139] : memref<168x64xf32, #tpu.memory_space<vmem>> -> memref<168x64xf32, #tpu.memory_space<vmem>>
      %dma_wait3A_141 = arith.constant 0 : i32
      %dma_wait3A_142 = tpu.memref_slice %arg2[%add3A_88, %dma_wait3A_141] : memref<100000x64xf32, #tpu.memory_space<hbm>> -> memref<168x64xf32, #tpu.memory_space<hbm>>
      tpu.wait_dma2 semaphore(%arg13 : memref<!tpu.dma_semaphore, #tpu.memory_space<semaphore_mem>>) src(%dma_wait3A_142 : memref<168x64xf32, #tpu.memory_space<hbm>>) dst(%dma_wait3A_140 : memref<168x64xf32, #tpu.memory_space<vmem>>)
      %add3A_143 = arith.constant 504 : i32
      %add3A_144 = arith.addi %multiple_of3A, %add3A_143 : i32
      %dma_start3A_145 = arith.constant 0 : i32
      %dma_start3A_146 = arith.constant 0 : i32
      %dma_start3A_147 = tpu.memref_slice %arg7[%dma_start3A_145, %dma_start3A_146] : memref<168x64xf32, #tpu.memory_space<vmem>> -> memref<168x64xf32, #tpu.memory_space<vmem>>
      %dma_start3A_148 = arith.constant 0 : i32
      %dma_start3A_149 = tpu.memref_slice %arg3[%add3A_144, %dma_start3A_148] : memref<100000x64xf32, #tpu.memory_space<hbm>> -> memref<168x64xf32, #tpu.memory_space<hbm>>
      %dma_start3A_150 = arith.constant 0 : i32
      %dma_start3A_151 = tpu.memref_slice %arg3[%add3A_144, %dma_start3A_150] : memref<100000x64xf32, #tpu.memory_space<hbm>> -> memref<168x64xf32, #tpu.memory_space<hbm>>
      %dma_start3A_152 = arith.constant 0 : i32
      %dma_start3A_153 = arith.constant 0 : i32
      %dma_start3A_154 = tpu.memref_slice %arg7[%dma_start3A_152, %dma_start3A_153] : memref<168x64xf32, #tpu.memory_space<vmem>> -> memref<168x64xf32, #tpu.memory_space<vmem>>
      tpu.enqueue_dma source(%dma_start3A_154 : memref<168x64xf32, #tpu.memory_space<vmem>>) target(%dma_start3A_151 : memref<168x64xf32, #tpu.memory_space<hbm>>) target_semaphore(%arg19 : memref<!tpu.dma_semaphore, #tpu.memory_space<semaphore_mem>>)
      %add3A_155 = arith.constant 840 : i32
      %add3A_156 = arith.addi %multiple_of3A, %add3A_155 : i32
      %dma_start3A_157 = arith.constant 0 : i32
      %dma_start3A_158 = arith.constant 0 : i32
      %dma_start3A_159 = tpu.memref_slice %arg9[%dma_start3A_157, %dma_start3A_158] : memref<168x64xf32, #tpu.memory_space<vmem>> -> memref<168x64xf32, #tpu.memory_space<vmem>>
      %dma_start3A_160 = arith.constant 0 : i32
      %dma_start3A_161 = tpu.memref_slice %arg2[%add3A_156, %dma_start3A_160] : memref<100000x64xf32, #tpu.memory_space<hbm>> -> memref<168x64xf32, #tpu.memory_space<hbm>>
      %dma_start3A_162 = arith.constant 0 : i32
      %dma_start3A_163 = arith.constant 0 : i32
      %dma_start3A_164 = tpu.memref_slice %arg9[%dma_start3A_162, %dma_start3A_163] : memref<168x64xf32, #tpu.memory_space<vmem>> -> memref<168x64xf32, #tpu.memory_space<vmem>>
      %dma_start3A_165 = arith.constant 0 : i32
      %dma_start3A_166 = tpu.memref_slice %arg2[%add3A_156, %dma_start3A_165] : memref<100000x64xf32, #tpu.memory_space<hbm>> -> memref<168x64xf32, #tpu.memory_space<hbm>>
      tpu.enqueue_dma source(%dma_start3A_166 : memref<168x64xf32, #tpu.memory_space<hbm>>) target(%dma_start3A_164 : memref<168x64xf32, #tpu.memory_space<vmem>>) target_semaphore(%arg15 : memref<!tpu.dma_semaphore, #tpu.memory_space<semaphore_mem>>)
      %dma_wait3A_167 = arith.constant 0 : i32
      %dma_wait3A_168 = arith.constant 0 : i32
      %dma_wait3A_169 = tpu.memref_slice %arg8[%dma_wait3A_167, %dma_wait3A_168] : memref<168x64xf32, #tpu.memory_space<vmem>> -> memref<168x64xf32, #tpu.memory_space<vmem>>
      %dma_wait3A_170 = arith.constant 0 : i32
      %dma_wait3A_171 = tpu.memref_slice %arg2[%add3A_122, %dma_wait3A_170] : memref<100000x64xf32, #tpu.memory_space<hbm>> -> memref<168x64xf32, #tpu.memory_space<hbm>>
      %dma_wait3A_172 = arith.constant 0 : i32
      %dma_wait3A_173 = arith.constant 0 : i32
      %dma_wait3A_174 = tpu.memref_slice %arg8[%dma_wait3A_172, %dma_wait3A_173] : memref<168x64xf32, #tpu.memory_space<vmem>> -> memref<168x64xf32, #tpu.memory_space<vmem>>
      %dma_wait3A_175 = arith.constant 0 : i32
      %dma_wait3A_176 = tpu.memref_slice %arg2[%add3A_122, %dma_wait3A_175] : memref<100000x64xf32, #tpu.memory_space<hbm>> -> memref<168x64xf32, #tpu.memory_space<hbm>>
      tpu.wait_dma2 semaphore(%arg14 : memref<!tpu.dma_semaphore, #tpu.memory_space<semaphore_mem>>) src(%dma_wait3A_176 : memref<168x64xf32, #tpu.memory_space<hbm>>) dst(%dma_wait3A_174 : memref<168x64xf32, #tpu.memory_space<vmem>>)
      %add3A_177 = arith.constant 672 : i32
      %add3A_178 = arith.addi %multiple_of3A, %add3A_177 : i32
      %dma_start3A_179 = arith.constant 0 : i32
      %dma_start3A_180 = arith.constant 0 : i32
      %dma_start3A_181 = tpu.memref_slice %arg8[%dma_start3A_179, %dma_start3A_180] : memref<168x64xf32, #tpu.memory_space<vmem>> -> memref<168x64xf32, #tpu.memory_space<vmem>>
      %dma_start3A_182 = arith.constant 0 : i32
      %dma_start3A_183 = tpu.memref_slice %arg3[%add3A_178, %dma_start3A_182] : memref<100000x64xf32, #tpu.memory_space<hbm>> -> memref<168x64xf32, #tpu.memory_space<hbm>>
      %dma_start3A_184 = arith.constant 0 : i32
      %dma_start3A_185 = tpu.memref_slice %arg3[%add3A_178, %dma_start3A_184] : memref<100000x64xf32, #tpu.memory_space<hbm>> -> memref<168x64xf32, #tpu.memory_space<hbm>>
      %dma_start3A_186 = arith.constant 0 : i32
      %dma_start3A_187 = arith.constant 0 : i32
      %dma_start3A_188 = tpu.memref_slice %arg8[%dma_start3A_186, %dma_start3A_187] : memref<168x64xf32, #tpu.memory_space<vmem>> -> memref<168x64xf32, #tpu.memory_space<vmem>>
      tpu.enqueue_dma source(%dma_start3A_188 : memref<168x64xf32, #tpu.memory_space<vmem>>) target(%dma_start3A_185 : memref<168x64xf32, #tpu.memory_space<hbm>>) target_semaphore(%arg20 : memref<!tpu.dma_semaphore, #tpu.memory_space<semaphore_mem>>)
      %dma_wait3A_189 = arith.constant 0 : i32
      %dma_wait3A_190 = arith.constant 0 : i32
      %dma_wait3A_191 = tpu.memref_slice %arg4[%dma_wait3A_189, %dma_wait3A_190] : memref<168x64xf32, #tpu.memory_space<vmem>> -> memref<168x64xf32, #tpu.memory_space<vmem>>
      %dma_wait3A_192 = arith.constant 0 : i32
      %dma_wait3A_193 = tpu.memref_slice %arg3[%add3A_42, %dma_wait3A_192] : memref<100000x64xf32, #tpu.memory_space<hbm>> -> memref<168x64xf32, #tpu.memory_space<hbm>>
      %dma_wait3A_194 = arith.constant 0 : i32
      %dma_wait3A_195 = tpu.memref_slice %arg3[%add3A_42, %dma_wait3A_194] : memref<100000x64xf32, #tpu.memory_space<hbm>> -> memref<168x64xf32, #tpu.memory_space<hbm>>
      %dma_wait3A_196 = arith.constant 0 : i32
      %dma_wait3A_197 = arith.constant 0 : i32
      %dma_wait3A_198 = tpu.memref_slice %arg4[%dma_wait3A_196, %dma_wait3A_197] : memref<168x64xf32, #tpu.memory_space<vmem>> -> memref<168x64xf32, #tpu.memory_space<vmem>>
      tpu.wait_dma2 semaphore(%arg16 : memref<!tpu.dma_semaphore, #tpu.memory_space<semaphore_mem>>) src(%dma_wait3A_198 : memref<168x64xf32, #tpu.memory_space<vmem>>) dst(%dma_wait3A_195 : memref<168x64xf32, #tpu.memory_space<hbm>>)
      %add3A_199 = arith.constant 1008 : i32
      %add3A_200 = arith.addi %multiple_of3A, %add3A_199 : i32
      %dma_start3A_201 = arith.constant 0 : i32
      %dma_start3A_202 = arith.constant 0 : i32
      %dma_start3A_203 = tpu.memref_slice %arg4[%dma_start3A_201, %dma_start3A_202] : memref<168x64xf32, #tpu.memory_space<vmem>> -> memref<168x64xf32, #tpu.memory_space<vmem>>
      %dma_start3A_204 = arith.constant 0 : i32
      %dma_start3A_205 = tpu.memref_slice %arg2[%add3A_200, %dma_start3A_204] : memref<100000x64xf32, #tpu.memory_space<hbm>> -> memref<168x64xf32, #tpu.memory_space<hbm>>
      %dma_start3A_206 = arith.constant 0 : i32
      %dma_start3A_207 = arith.constant 0 : i32
      %dma_start3A_208 = tpu.memref_slice %arg4[%dma_start3A_206, %dma_start3A_207] : memref<168x64xf32, #tpu.memory_space<vmem>> -> memref<168x64xf32, #tpu.memory_space<vmem>>
      %dma_start3A_209 = arith.constant 0 : i32
      %dma_start3A_210 = tpu.memref_slice %arg2[%add3A_200, %dma_start3A_209] : memref<100000x64xf32, #tpu.memory_space<hbm>> -> memref<168x64xf32, #tpu.memory_space<hbm>>
      tpu.enqueue_dma source(%dma_start3A_210 : memref<168x64xf32, #tpu.memory_space<hbm>>) target(%dma_start3A_208 : memref<168x64xf32, #tpu.memory_space<vmem>>) target_semaphore(%arg10 : memref<!tpu.dma_semaphore, #tpu.memory_space<semaphore_mem>>)
      %dma_wait3A_211 = arith.constant 0 : i32
      %dma_wait3A_212 = arith.constant 0 : i32
      %dma_wait3A_213 = tpu.memref_slice %arg9[%dma_wait3A_211, %dma_wait3A_212] : memref<168x64xf32, #tpu.memory_space<vmem>> -> memref<168x64xf32, #tpu.memory_space<vmem>>
      %dma_wait3A_214 = arith.constant 0 : i32
      %dma_wait3A_215 = tpu.memref_slice %arg2[%add3A_156, %dma_wait3A_214] : memref<100000x64xf32, #tpu.memory_space<hbm>> -> memref<168x64xf32, #tpu.memory_space<hbm>>
      %dma_wait3A_216 = arith.constant 0 : i32
      %dma_wait3A_217 = arith.constant 0 : i32
      %dma_wait3A_218 = tpu.memref_slice %arg9[%dma_wait3A_216, %dma_wait3A_217] : memref<168x64xf32, #tpu.memory_space<vmem>> -> memref<168x64xf32, #tpu.memory_space<vmem>>
      %dma_wait3A_219 = arith.constant 0 : i32
      %dma_wait3A_220 = tpu.memref_slice %arg2[%add3A_156, %dma_wait3A_219] : memref<100000x64xf32, #tpu.memory_space<hbm>> -> memref<168x64xf32, #tpu.memory_space<hbm>>
      tpu.wait_dma2 semaphore(%arg15 : memref<!tpu.dma_semaphore, #tpu.memory_space<semaphore_mem>>) src(%dma_wait3A_220 : memref<168x64xf32, #tpu.memory_space<hbm>>) dst(%dma_wait3A_218 : memref<168x64xf32, #tpu.memory_space<vmem>>)
      %add3A_221 = arith.constant 840 : i32
      %add3A_222 = arith.addi %multiple_of3A, %add3A_221 : i32
      %dma_start3A_223 = arith.constant 0 : i32
      %dma_start3A_224 = arith.constant 0 : i32
      %dma_start3A_225 = tpu.memref_slice %arg9[%dma_start3A_223, %dma_start3A_224] : memref<168x64xf32, #tpu.memory_space<vmem>> -> memref<168x64xf32, #tpu.memory_space<vmem>>
      %dma_start3A_226 = arith.constant 0 : i32
      %dma_start3A_227 = tpu.memref_slice %arg3[%add3A_222, %dma_start3A_226] : memref<100000x64xf32, #tpu.memory_space<hbm>> -> memref<168x64xf32, #tpu.memory_space<hbm>>
      %dma_start3A_228 = arith.constant 0 : i32
      %dma_start3A_229 = tpu.memref_slice %arg3[%add3A_222, %dma_start3A_228] : memref<100000x64xf32, #tpu.memory_space<hbm>> -> memref<168x64xf32, #tpu.memory_space<hbm>>
      %dma_start3A_230 = arith.constant 0 : i32
      %dma_start3A_231 = arith.constant 0 : i32
      %dma_start3A_232 = tpu.memref_slice %arg9[%dma_start3A_230, %dma_start3A_231] : memref<168x64xf32, #tpu.memory_space<vmem>> -> memref<168x64xf32, #tpu.memory_space<vmem>>
      tpu.enqueue_dma source(%dma_start3A_232 : memref<168x64xf32, #tpu.memory_space<vmem>>) target(%dma_start3A_229 : memref<168x64xf32, #tpu.memory_space<hbm>>) target_semaphore(%arg21 : memref<!tpu.dma_semaphore, #tpu.memory_space<semaphore_mem>>)
      %dma_wait3A_233 = arith.constant 0 : i32
      %dma_wait3A_234 = arith.constant 0 : i32
      %dma_wait3A_235 = tpu.memref_slice %arg5[%dma_wait3A_233, %dma_wait3A_234] : memref<168x64xf32, #tpu.memory_space<vmem>> -> memref<168x64xf32, #tpu.memory_space<vmem>>
      %dma_wait3A_236 = arith.constant 0 : i32
      %dma_wait3A_237 = tpu.memref_slice %arg3[%add3A_76, %dma_wait3A_236] : memref<100000x64xf32, #tpu.memory_space<hbm>> -> memref<168x64xf32, #tpu.memory_space<hbm>>
      %dma_wait3A_238 = arith.constant 0 : i32
      %dma_wait3A_239 = tpu.memref_slice %arg3[%add3A_76, %dma_wait3A_238] : memref<100000x64xf32, #tpu.memory_space<hbm>> -> memref<168x64xf32, #tpu.memory_space<hbm>>
      %dma_wait3A_240 = arith.constant 0 : i32
      %dma_wait3A_241 = arith.constant 0 : i32
      %dma_wait3A_242 = tpu.memref_slice %arg5[%dma_wait3A_240, %dma_wait3A_241] : memref<168x64xf32, #tpu.memory_space<vmem>> -> memref<168x64xf32, #tpu.memory_space<vmem>>
      tpu.wait_dma2 semaphore(%arg17 : memref<!tpu.dma_semaphore, #tpu.memory_space<semaphore_mem>>) src(%dma_wait3A_242 : memref<168x64xf32, #tpu.memory_space<vmem>>) dst(%dma_wait3A_239 : memref<168x64xf32, #tpu.memory_space<hbm>>)
      %add3A_243 = arith.constant 1176 : i32
      %add3A_244 = arith.addi %multiple_of3A, %add3A_243 : i32
      %dma_start3A_245 = arith.constant 0 : i32
      %dma_start3A_246 = arith.constant 0 : i32
      %dma_start3A_247 = tpu.memref_slice %arg5[%dma_start3A_245, %dma_start3A_246] : memref<168x64xf32, #tpu.memory_space<vmem>> -> memref<168x64xf32, #tpu.memory_space<vmem>>
      %dma_start3A_248 = arith.constant 0 : i32
      %dma_start3A_249 = tpu.memref_slice %arg2[%add3A_244, %dma_start3A_248] : memref<100000x64xf32, #tpu.memory_space<hbm>> -> memref<168x64xf32, #tpu.memory_space<hbm>>
      %dma_start3A_250 = arith.constant 0 : i32
      %dma_start3A_251 = arith.constant 0 : i32
      %dma_start3A_252 = tpu.memref_slice %arg5[%dma_start3A_250, %dma_start3A_251] : memref<168x64xf32, #tpu.memory_space<vmem>> -> memref<168x64xf32, #tpu.memory_space<vmem>>
      %dma_start3A_253 = arith.constant 0 : i32
      %dma_start3A_254 = tpu.memref_slice %arg2[%add3A_244, %dma_start3A_253] : memref<100000x64xf32, #tpu.memory_space<hbm>> -> memref<168x64xf32, #tpu.memory_space<hbm>>
      tpu.enqueue_dma source(%dma_start3A_254 : memref<168x64xf32, #tpu.memory_space<hbm>>) target(%dma_start3A_252 : memref<168x64xf32, #tpu.memory_space<vmem>>) target_semaphore(%arg11 : memref<!tpu.dma_semaphore, #tpu.memory_space<semaphore_mem>>)
      %dma_wait3A_255 = arith.constant 0 : i32
      %dma_wait3A_256 = arith.constant 0 : i32
      %dma_wait3A_257 = tpu.memref_slice %arg4[%dma_wait3A_255, %dma_wait3A_256] : memref<168x64xf32, #tpu.memory_space<vmem>> -> memref<168x64xf32, #tpu.memory_space<vmem>>
      %dma_wait3A_258 = arith.constant 0 : i32
      %dma_wait3A_259 = tpu.memref_slice %arg2[%add3A_200, %dma_wait3A_258] : memref<100000x64xf32, #tpu.memory_space<hbm>> -> memref<168x64xf32, #tpu.memory_space<hbm>>
      %dma_wait3A_260 = arith.constant 0 : i32
      %dma_wait3A_261 = arith.constant 0 : i32
      %dma_wait3A_262 = tpu.memref_slice %arg4[%dma_wait3A_260, %dma_wait3A_261] : memref<168x64xf32, #tpu.memory_space<vmem>> -> memref<168x64xf32, #tpu.memory_space<vmem>>
      %dma_wait3A_263 = arith.constant 0 : i32
      %dma_wait3A_264 = tpu.memref_slice %arg2[%add3A_200, %dma_wait3A_263] : memref<100000x64xf32, #tpu.memory_space<hbm>> -> memref<168x64xf32, #tpu.memory_space<hbm>>
      tpu.wait_dma2 semaphore(%arg10 : memref<!tpu.dma_semaphore, #tpu.memory_space<semaphore_mem>>) src(%dma_wait3A_264 : memref<168x64xf32, #tpu.memory_space<hbm>>) dst(%dma_wait3A_262 : memref<168x64xf32, #tpu.memory_space<vmem>>)
      %add3A_265 = arith.constant 1008 : i32
      %add3A_266 = arith.addi %multiple_of3A, %add3A_265 : i32
      %dma_start3A_267 = arith.constant 0 : i32
      %dma_start3A_268 = arith.constant 0 : i32
      %dma_start3A_269 = tpu.memref_slice %arg4[%dma_start3A_267, %dma_start3A_268] : memref<168x64xf32, #tpu.memory_space<vmem>> -> memref<168x64xf32, #tpu.memory_space<vmem>>
      %dma_start3A_270 = arith.constant 0 : i32
      %dma_start3A_271 = tpu.memref_slice %arg3[%add3A_266, %dma_start3A_270] : memref<100000x64xf32, #tpu.memory_space<hbm>> -> memref<168x64xf32, #tpu.memory_space<hbm>>
      %dma_start3A_272 = arith.constant 0 : i32
      %dma_start3A_273 = tpu.memref_slice %arg3[%add3A_266, %dma_start3A_272] : memref<100000x64xf32, #tpu.memory_space<hbm>> -> memref<168x64xf32, #tpu.memory_space<hbm>>
      %dma_start3A_274 = arith.constant 0 : i32
      %dma_start3A_275 = arith.constant 0 : i32
      %dma_start3A_276 = tpu.memref_slice %arg4[%dma_start3A_274, %dma_start3A_275] : memref<168x64xf32, #tpu.memory_space<vmem>> -> memref<168x64xf32, #tpu.memory_space<vmem>>
      tpu.enqueue_dma source(%dma_start3A_276 : memref<168x64xf32, #tpu.memory_space<vmem>>) target(%dma_start3A_273 : memref<168x64xf32, #tpu.memory_space<hbm>>) target_semaphore(%arg16 : memref<!tpu.dma_semaphore, #tpu.memory_space<semaphore_mem>>)
      %dma_wait3A_277 = arith.constant 0 : i32
      %dma_wait3A_278 = arith.constant 0 : i32
      %dma_wait3A_279 = tpu.memref_slice %arg6[%dma_wait3A_277, %dma_wait3A_278] : memref<168x64xf32, #tpu.memory_space<vmem>> -> memref<168x64xf32, #tpu.memory_space<vmem>>
      %dma_wait3A_280 = arith.constant 0 : i32
      %dma_wait3A_281 = tpu.memref_slice %arg3[%add3A_110, %dma_wait3A_280] : memref<100000x64xf32, #tpu.memory_space<hbm>> -> memref<168x64xf32, #tpu.memory_space<hbm>>
      %dma_wait3A_282 = arith.constant 0 : i32
      %dma_wait3A_283 = tpu.memref_slice %arg3[%add3A_110, %dma_wait3A_282] : memref<100000x64xf32, #tpu.memory_space<hbm>> -> memref<168x64xf32, #tpu.memory_space<hbm>>
      %dma_wait3A_284 = arith.constant 0 : i32
      %dma_wait3A_285 = arith.constant 0 : i32
      %dma_wait3A_286 = tpu.memref_slice %arg6[%dma_wait3A_284, %dma_wait3A_285] : memref<168x64xf32, #tpu.memory_space<vmem>> -> memref<168x64xf32, #tpu.memory_space<vmem>>
      tpu.wait_dma2 semaphore(%arg18 : memref<!tpu.dma_semaphore, #tpu.memory_space<semaphore_mem>>) src(%dma_wait3A_286 : memref<168x64xf32, #tpu.memory_space<vmem>>) dst(%dma_wait3A_283 : memref<168x64xf32, #tpu.memory_space<hbm>>)
      %add3A_287 = arith.constant 1344 : i32
      %add3A_288 = arith.addi %multiple_of3A, %add3A_287 : i32
      %dma_start3A_289 = arith.constant 0 : i32
      %dma_start3A_290 = arith.constant 0 : i32
      %dma_start3A_291 = tpu.memref_slice %arg6[%dma_start3A_289, %dma_start3A_290] : memref<168x64xf32, #tpu.memory_space<vmem>> -> memref<168x64xf32, #tpu.memory_space<vmem>>
      %dma_start3A_292 = arith.constant 0 : i32
      %dma_start3A_293 = tpu.memref_slice %arg2[%add3A_288, %dma_start3A_292] : memref<100000x64xf32, #tpu.memory_space<hbm>> -> memref<168x64xf32, #tpu.memory_space<hbm>>
      %dma_start3A_294 = arith.constant 0 : i32
      %dma_start3A_295 = arith.constant 0 : i32
      %dma_start3A_296 = tpu.memref_slice %arg6[%dma_start3A_294, %dma_start3A_295] : memref<168x64xf32, #tpu.memory_space<vmem>> -> memref<168x64xf32, #tpu.memory_space<vmem>>
      %dma_start3A_297 = arith.constant 0 : i32
      %dma_start3A_298 = tpu.memref_slice %arg2[%add3A_288, %dma_start3A_297] : memref<100000x64xf32, #tpu.memory_space<hbm>> -> memref<168x64xf32, #tpu.memory_space<hbm>>
      tpu.enqueue_dma source(%dma_start3A_298 : memref<168x64xf32, #tpu.memory_space<hbm>>) target(%dma_start3A_296 : memref<168x64xf32, #tpu.memory_space<vmem>>) target_semaphore(%arg12 : memref<!tpu.dma_semaphore, #tpu.memory_space<semaphore_mem>>)
      %dma_wait3A_299 = arith.constant 0 : i32
      %dma_wait3A_300 = arith.constant 0 : i32
      %dma_wait3A_301 = tpu.memref_slice %arg5[%dma_wait3A_299, %dma_wait3A_300] : memref<168x64xf32, #tpu.memory_space<vmem>> -> memref<168x64xf32, #tpu.memory_space<vmem>>
      %dma_wait3A_302 = arith.constant 0 : i32
      %dma_wait3A_303 = tpu.memref_slice %arg2[%add3A_244, %dma_wait3A_302] : memref<100000x64xf32, #tpu.memory_space<hbm>> -> memref<168x64xf32, #tpu.memory_space<hbm>>
      %dma_wait3A_304 = arith.constant 0 : i32
      %dma_wait3A_305 = arith.constant 0 : i32
      %dma_wait3A_306 = tpu.memref_slice %arg5[%dma_wait3A_304, %dma_wait3A_305] : memref<168x64xf32, #tpu.memory_space<vmem>> -> memref<168x64xf32, #tpu.memory_space<vmem>>
      %dma_wait3A_307 = arith.constant 0 : i32
      %dma_wait3A_308 = tpu.memref_slice %arg2[%add3A_244, %dma_wait3A_307] : memref<100000x64xf32, #tpu.memory_space<hbm>> -> memref<168x64xf32, #tpu.memory_space<hbm>>
      tpu.wait_dma2 semaphore(%arg11 : memref<!tpu.dma_semaphore, #tpu.memory_space<semaphore_mem>>) src(%dma_wait3A_308 : memref<168x64xf32, #tpu.memory_space<hbm>>) dst(%dma_wait3A_306 : memref<168x64xf32, #tpu.memory_space<vmem>>)
      %add3A_309 = arith.constant 1176 : i32
      %add3A_310 = arith.addi %multiple_of3A, %add3A_309 : i32
      %dma_start3A_311 = arith.constant 0 : i32
      %dma_start3A_312 = arith.constant 0 : i32
      %dma_start3A_313 = tpu.memref_slice %arg5[%dma_start3A_311, %dma_start3A_312] : memref<168x64xf32, #tpu.memory_space<vmem>> -> memref<168x64xf32, #tpu.memory_space<vmem>>
      %dma_start3A_314 = arith.constant 0 : i32
      %dma_start3A_315 = tpu.memref_slice %arg3[%add3A_310, %dma_start3A_314] : memref<100000x64xf32, #tpu.memory_space<hbm>> -> memref<168x64xf32, #tpu.memory_space<hbm>>
      %dma_start3A_316 = arith.constant 0 : i32
      %dma_start3A_317 = tpu.memref_slice %arg3[%add3A_310, %dma_start3A_316] : memref<100000x64xf32, #tpu.memory_space<hbm>> -> memref<168x64xf32, #tpu.memory_space<hbm>>
      %dma_start3A_318 = arith.constant 0 : i32
      %dma_start3A_319 = arith.constant 0 : i32
      %dma_start3A_320 = tpu.memref_slice %arg5[%dma_start3A_318, %dma_start3A_319] : memref<168x64xf32, #tpu.memory_space<vmem>> -> memref<168x64xf32, #tpu.memory_space<vmem>>
      tpu.enqueue_dma source(%dma_start3A_320 : memref<168x64xf32, #tpu.memory_space<vmem>>) target(%dma_start3A_317 : memref<168x64xf32, #tpu.memory_space<hbm>>) target_semaphore(%arg17 : memref<!tpu.dma_semaphore, #tpu.memory_space<semaphore_mem>>)
      %dma_wait3A_321 = arith.constant 0 : i32
      %dma_wait3A_322 = arith.constant 0 : i32
      %dma_wait3A_323 = tpu.memref_slice %arg7[%dma_wait3A_321, %dma_wait3A_322] : memref<168x64xf32, #tpu.memory_space<vmem>> -> memref<168x64xf32, #tpu.memory_space<vmem>>
      %dma_wait3A_324 = arith.constant 0 : i32
      %dma_wait3A_325 = tpu.memref_slice %arg3[%add3A_144, %dma_wait3A_324] : memref<100000x64xf32, #tpu.memory_space<hbm>> -> memref<168x64xf32, #tpu.memory_space<hbm>>
      %dma_wait3A_326 = arith.constant 0 : i32
      %dma_wait3A_327 = tpu.memref_slice %arg3[%add3A_144, %dma_wait3A_326] : memref<100000x64xf32, #tpu.memory_space<hbm>> -> memref<168x64xf32, #tpu.memory_space<hbm>>
      %dma_wait3A_328 = arith.constant 0 : i32
      %dma_wait3A_329 = arith.constant 0 : i32
      %dma_wait3A_330 = tpu.memref_slice %arg7[%dma_wait3A_328, %dma_wait3A_329] : memref<168x64xf32, #tpu.memory_space<vmem>> -> memref<168x64xf32, #tpu.memory_space<vmem>>
      tpu.wait_dma2 semaphore(%arg19 : memref<!tpu.dma_semaphore, #tpu.memory_space<semaphore_mem>>) src(%dma_wait3A_330 : memref<168x64xf32, #tpu.memory_space<vmem>>) dst(%dma_wait3A_327 : memref<168x64xf32, #tpu.memory_space<hbm>>)
      %add3A_331 = arith.constant 1512 : i32
      %add3A_332 = arith.addi %multiple_of3A, %add3A_331 : i32
      %dma_start3A_333 = arith.constant 0 : i32
      %dma_start3A_334 = arith.constant 0 : i32
      %dma_start3A_335 = tpu.memref_slice %arg7[%dma_start3A_333, %dma_start3A_334] : memref<168x64xf32, #tpu.memory_space<vmem>> -> memref<168x64xf32, #tpu.memory_space<vmem>>
      %dma_start3A_336 = arith.constant 0 : i32
      %dma_start3A_337 = tpu.memref_slice %arg2[%add3A_332, %dma_start3A_336] : memref<100000x64xf32, #tpu.memory_space<hbm>> -> memref<168x64xf32, #tpu.memory_space<hbm>>
      %dma_start3A_338 = arith.constant 0 : i32
      %dma_start3A_339 = arith.constant 0 : i32
      %dma_start3A_340 = tpu.memref_slice %arg7[%dma_start3A_338, %dma_start3A_339] : memref<168x64xf32, #tpu.memory_space<vmem>> -> memref<168x64xf32, #tpu.memory_space<vmem>>
      %dma_start3A_341 = arith.constant 0 : i32
      %dma_start3A_342 = tpu.memref_slice %arg2[%add3A_332, %dma_start3A_341] : memref<100000x64xf32, #tpu.memory_space<hbm>> -> memref<168x64xf32, #tpu.memory_space<hbm>>
      tpu.enqueue_dma source(%dma_start3A_342 : memref<168x64xf32, #tpu.memory_space<hbm>>) target(%dma_start3A_340 : memref<168x64xf32, #tpu.memory_space<vmem>>) target_semaphore(%arg13 : memref<!tpu.dma_semaphore, #tpu.memory_space<semaphore_mem>>)
      %dma_wait3A_343 = arith.constant 0 : i32
      %dma_wait3A_344 = arith.constant 0 : i32
      %dma_wait3A_345 = tpu.memref_slice %arg6[%dma_wait3A_343, %dma_wait3A_344] : memref<168x64xf32, #tpu.memory_space<vmem>> -> memref<168x64xf32, #tpu.memory_space<vmem>>
      %dma_wait3A_346 = arith.constant 0 : i32
      %dma_wait3A_347 = tpu.memref_slice %arg2[%add3A_288, %dma_wait3A_346] : memref<100000x64xf32, #tpu.memory_space<hbm>> -> memref<168x64xf32, #tpu.memory_space<hbm>>
      %dma_wait3A_348 = arith.constant 0 : i32
      %dma_wait3A_349 = arith.constant 0 : i32
      %dma_wait3A_350 = tpu.memref_slice %arg6[%dma_wait3A_348, %dma_wait3A_349] : memref<168x64xf32, #tpu.memory_space<vmem>> -> memref<168x64xf32, #tpu.memory_space<vmem>>
      %dma_wait3A_351 = arith.constant 0 : i32
      %dma_wait3A_352 = tpu.memref_slice %arg2[%add3A_288, %dma_wait3A_351] : memref<100000x64xf32, #tpu.memory_space<hbm>> -> memref<168x64xf32, #tpu.memory_space<hbm>>
      tpu.wait_dma2 semaphore(%arg12 : memref<!tpu.dma_semaphore, #tpu.memory_space<semaphore_mem>>) src(%dma_wait3A_352 : memref<168x64xf32, #tpu.memory_space<hbm>>) dst(%dma_wait3A_350 : memref<168x64xf32, #tpu.memory_space<vmem>>)
      %add3A_353 = arith.constant 1344 : i32
      %add3A_354 = arith.addi %multiple_of3A, %add3A_353 : i32
      %dma_start3A_355 = arith.constant 0 : i32
      %dma_start3A_356 = arith.constant 0 : i32
      %dma_start3A_357 = tpu.memref_slice %arg6[%dma_start3A_355, %dma_start3A_356] : memref<168x64xf32, #tpu.memory_space<vmem>> -> memref<168x64xf32, #tpu.memory_space<vmem>>
      %dma_start3A_358 = arith.constant 0 : i32
      %dma_start3A_359 = tpu.memref_slice %arg3[%add3A_354, %dma_start3A_358] : memref<100000x64xf32, #tpu.memory_space<hbm>> -> memref<168x64xf32, #tpu.memory_space<hbm>>
      %dma_start3A_360 = arith.constant 0 : i32
      %dma_start3A_361 = tpu.memref_slice %arg3[%add3A_354, %dma_start3A_360] : memref<100000x64xf32, #tpu.memory_space<hbm>> -> memref<168x64xf32, #tpu.memory_space<hbm>>
      %dma_start3A_362 = arith.constant 0 : i32
      %dma_start3A_363 = arith.constant 0 : i32
      %dma_start3A_364 = tpu.memref_slice %arg6[%dma_start3A_362, %dma_start3A_363] : memref<168x64xf32, #tpu.memory_space<vmem>> -> memref<168x64xf32, #tpu.memory_space<vmem>>
      tpu.enqueue_dma source(%dma_start3A_364 : memref<168x64xf32, #tpu.memory_space<vmem>>) target(%dma_start3A_361 : memref<168x64xf32, #tpu.memory_space<hbm>>) target_semaphore(%arg18 : memref<!tpu.dma_semaphore, #tpu.memory_space<semaphore_mem>>)
      %dma_wait3A_365 = arith.constant 0 : i32
      %dma_wait3A_366 = arith.constant 0 : i32
      %dma_wait3A_367 = tpu.memref_slice %arg8[%dma_wait3A_365, %dma_wait3A_366] : memref<168x64xf32, #tpu.memory_space<vmem>> -> memref<168x64xf32, #tpu.memory_space<vmem>>
      %dma_wait3A_368 = arith.constant 0 : i32
      %dma_wait3A_369 = tpu.memref_slice %arg3[%add3A_178, %dma_wait3A_368] : memref<100000x64xf32, #tpu.memory_space<hbm>> -> memref<168x64xf32, #tpu.memory_space<hbm>>
      %dma_wait3A_370 = arith.constant 0 : i32
      %dma_wait3A_371 = tpu.memref_slice %arg3[%add3A_178, %dma_wait3A_370] : memref<100000x64xf32, #tpu.memory_space<hbm>> -> memref<168x64xf32, #tpu.memory_space<hbm>>
      %dma_wait3A_372 = arith.constant 0 : i32
      %dma_wait3A_373 = arith.constant 0 : i32
      %dma_wait3A_374 = tpu.memref_slice %arg8[%dma_wait3A_372, %dma_wait3A_373] : memref<168x64xf32, #tpu.memory_space<vmem>> -> memref<168x64xf32, #tpu.memory_space<vmem>>
      tpu.wait_dma2 semaphore(%arg20 : memref<!tpu.dma_semaphore, #tpu.memory_space<semaphore_mem>>) src(%dma_wait3A_374 : memref<168x64xf32, #tpu.memory_space<vmem>>) dst(%dma_wait3A_371 : memref<168x64xf32, #tpu.memory_space<hbm>>)
      %add3A_375 = arith.constant 1680 : i32
      %add3A_376 = arith.addi %multiple_of3A, %add3A_375 : i32
      %dma_start3A_377 = arith.constant 0 : i32
      %dma_start3A_378 = arith.constant 0 : i32
      %dma_start3A_379 = tpu.memref_slice %arg8[%dma_start3A_377, %dma_start3A_378] : memref<168x64xf32, #tpu.memory_space<vmem>> -> memref<168x64xf32, #tpu.memory_space<vmem>>
      %dma_start3A_380 = arith.constant 0 : i32
      %dma_start3A_381 = tpu.memref_slice %arg2[%add3A_376, %dma_start3A_380] : memref<100000x64xf32, #tpu.memory_space<hbm>> -> memref<168x64xf32, #tpu.memory_space<hbm>>
      %dma_start3A_382 = arith.constant 0 : i32
      %dma_start3A_383 = arith.constant 0 : i32
      %dma_start3A_384 = tpu.memref_slice %arg8[%dma_start3A_382, %dma_start3A_383] : memref<168x64xf32, #tpu.memory_space<vmem>> -> memref<168x64xf32, #tpu.memory_space<vmem>>
      %dma_start3A_385 = arith.constant 0 : i32
      %dma_start3A_386 = tpu.memref_slice %arg2[%add3A_376, %dma_start3A_385] : memref<100000x64xf32, #tpu.memory_space<hbm>> -> memref<168x64xf32, #tpu.memory_space<hbm>>
      tpu.enqueue_dma source(%dma_start3A_386 : memref<168x64xf32, #tpu.memory_space<hbm>>) target(%dma_start3A_384 : memref<168x64xf32, #tpu.memory_space<vmem>>) target_semaphore(%arg14 : memref<!tpu.dma_semaphore, #tpu.memory_space<semaphore_mem>>)
      %dma_wait3A_387 = arith.constant 0 : i32
      %dma_wait3A_388 = arith.constant 0 : i32
      %dma_wait3A_389 = tpu.memref_slice %arg7[%dma_wait3A_387, %dma_wait3A_388] : memref<168x64xf32, #tpu.memory_space<vmem>> -> memref<168x64xf32, #tpu.memory_space<vmem>>
      %dma_wait3A_390 = arith.constant 0 : i32
      %dma_wait3A_391 = tpu.memref_slice %arg2[%add3A_332, %dma_wait3A_390] : memref<100000x64xf32, #tpu.memory_space<hbm>> -> memref<168x64xf32, #tpu.memory_space<hbm>>
      %dma_wait3A_392 = arith.constant 0 : i32
      %dma_wait3A_393 = arith.constant 0 : i32
      %dma_wait3A_394 = tpu.memref_slice %arg7[%dma_wait3A_392, %dma_wait3A_393] : memref<168x64xf32, #tpu.memory_space<vmem>> -> memref<168x64xf32, #tpu.memory_space<vmem>>
      %dma_wait3A_395 = arith.constant 0 : i32
      %dma_wait3A_396 = tpu.memref_slice %arg2[%add3A_332, %dma_wait3A_395] : memref<100000x64xf32, #tpu.memory_space<hbm>> -> memref<168x64xf32, #tpu.memory_space<hbm>>
      tpu.wait_dma2 semaphore(%arg13 : memref<!tpu.dma_semaphore, #tpu.memory_space<semaphore_mem>>) src(%dma_wait3A_396 : memref<168x64xf32, #tpu.memory_space<hbm>>) dst(%dma_wait3A_394 : memref<168x64xf32, #tpu.memory_space<vmem>>)
      %add3A_397 = arith.constant 1512 : i32
      %add3A_398 = arith.addi %multiple_of3A, %add3A_397 : i32
      %dma_start3A_399 = arith.constant 0 : i32
      %dma_start3A_400 = arith.constant 0 : i32
      %dma_start3A_401 = tpu.memref_slice %arg7[%dma_start3A_399, %dma_start3A_400] : memref<168x64xf32, #tpu.memory_space<vmem>> -> memref<168x64xf32, #tpu.memory_space<vmem>>
      %dma_start3A_402 = arith.constant 0 : i32
      %dma_start3A_403 = tpu.memref_slice %arg3[%add3A_398, %dma_start3A_402] : memref<100000x64xf32, #tpu.memory_space<hbm>> -> memref<168x64xf32, #tpu.memory_space<hbm>>
      %dma_start3A_404 = arith.constant 0 : i32
      %dma_start3A_405 = tpu.memref_slice %arg3[%add3A_398, %dma_start3A_404] : memref<100000x64xf32, #tpu.memory_space<hbm>> -> memref<168x64xf32, #tpu.memory_space<hbm>>
      %dma_start3A_406 = arith.constant 0 : i32
      %dma_start3A_407 = arith.constant 0 : i32
      %dma_start3A_408 = tpu.memref_slice %arg7[%dma_start3A_406, %dma_start3A_407] : memref<168x64xf32, #tpu.memory_space<vmem>> -> memref<168x64xf32, #tpu.memory_space<vmem>>
      tpu.enqueue_dma source(%dma_start3A_408 : memref<168x64xf32, #tpu.memory_space<vmem>>) target(%dma_start3A_405 : memref<168x64xf32, #tpu.memory_space<hbm>>) target_semaphore(%arg19 : memref<!tpu.dma_semaphore, #tpu.memory_space<semaphore_mem>>)
      %dma_wait3A_409 = arith.constant 0 : i32
      %dma_wait3A_410 = arith.constant 0 : i32
      %dma_wait3A_411 = tpu.memref_slice %arg9[%dma_wait3A_409, %dma_wait3A_410] : memref<168x64xf32, #tpu.memory_space<vmem>> -> memref<168x64xf32, #tpu.memory_space<vmem>>
      %dma_wait3A_412 = arith.constant 0 : i32
      %dma_wait3A_413 = tpu.memref_slice %arg3[%add3A_222, %dma_wait3A_412] : memref<100000x64xf32, #tpu.memory_space<hbm>> -> memref<168x64xf32, #tpu.memory_space<hbm>>
      %dma_wait3A_414 = arith.constant 0 : i32
      %dma_wait3A_415 = tpu.memref_slice %arg3[%add3A_222, %dma_wait3A_414] : memref<100000x64xf32, #tpu.memory_space<hbm>> -> memref<168x64xf32, #tpu.memory_space<hbm>>
      %dma_wait3A_416 = arith.constant 0 : i32
      %dma_wait3A_417 = arith.constant 0 : i32
      %dma_wait3A_418 = tpu.memref_slice %arg9[%dma_wait3A_416, %dma_wait3A_417] : memref<168x64xf32, #tpu.memory_space<vmem>> -> memref<168x64xf32, #tpu.memory_space<vmem>>
      tpu.wait_dma2 semaphore(%arg21 : memref<!tpu.dma_semaphore, #tpu.memory_space<semaphore_mem>>) src(%dma_wait3A_418 : memref<168x64xf32, #tpu.memory_space<vmem>>) dst(%dma_wait3A_415 : memref<168x64xf32, #tpu.memory_space<hbm>>)
      %add3A_419 = arith.constant 1848 : i32
      %add3A_420 = arith.addi %multiple_of3A, %add3A_419 : i32
      %dma_start3A_421 = arith.constant 0 : i32
      %dma_start3A_422 = arith.constant 0 : i32
      %dma_start3A_423 = tpu.memref_slice %arg9[%dma_start3A_421, %dma_start3A_422] : memref<168x64xf32, #tpu.memory_space<vmem>> -> memref<168x64xf32, #tpu.memory_space<vmem>>
      %dma_start3A_424 = arith.constant 0 : i32
      %dma_start3A_425 = tpu.memref_slice %arg2[%add3A_420, %dma_start3A_424] : memref<100000x64xf32, #tpu.memory_space<hbm>> -> memref<168x64xf32, #tpu.memory_space<hbm>>
      %dma_start3A_426 = arith.constant 0 : i32
      %dma_start3A_427 = arith.constant 0 : i32
      %dma_start3A_428 = tpu.memref_slice %arg9[%dma_start3A_426, %dma_start3A_427] : memref<168x64xf32, #tpu.memory_space<vmem>> -> memref<168x64xf32, #tpu.memory_space<vmem>>
      %dma_start3A_429 = arith.constant 0 : i32
      %dma_start3A_430 = tpu.memref_slice %arg2[%add3A_420, %dma_start3A_429] : memref<100000x64xf32, #tpu.memory_space<hbm>> -> memref<168x64xf32, #tpu.memory_space<hbm>>
      tpu.enqueue_dma source(%dma_start3A_430 : memref<168x64xf32, #tpu.memory_space<hbm>>) target(%dma_start3A_428 : memref<168x64xf32, #tpu.memory_space<vmem>>) target_semaphore(%arg15 : memref<!tpu.dma_semaphore, #tpu.memory_space<semaphore_mem>>)
      %dma_wait3A_431 = arith.constant 0 : i32
      %dma_wait3A_432 = arith.constant 0 : i32
      %dma_wait3A_433 = tpu.memref_slice %arg8[%dma_wait3A_431, %dma_wait3A_432] : memref<168x64xf32, #tpu.memory_space<vmem>> -> memref<168x64xf32, #tpu.memory_space<vmem>>
      %dma_wait3A_434 = arith.constant 0 : i32
      %dma_wait3A_435 = tpu.memref_slice %arg2[%add3A_376, %dma_wait3A_434] : memref<100000x64xf32, #tpu.memory_space<hbm>> -> memref<168x64xf32, #tpu.memory_space<hbm>>
      %dma_wait3A_436 = arith.constant 0 : i32
      %dma_wait3A_437 = arith.constant 0 : i32
      %dma_wait3A_438 = tpu.memref_slice %arg8[%dma_wait3A_436, %dma_wait3A_437] : memref<168x64xf32, #tpu.memory_space<vmem>> -> memref<168x64xf32, #tpu.memory_space<vmem>>
      %dma_wait3A_439 = arith.constant 0 : i32
      %dma_wait3A_440 = tpu.memref_slice %arg2[%add3A_376, %dma_wait3A_439] : memref<100000x64xf32, #tpu.memory_space<hbm>> -> memref<168x64xf32, #tpu.memory_space<hbm>>
      tpu.wait_dma2 semaphore(%arg14 : memref<!tpu.dma_semaphore, #tpu.memory_space<semaphore_mem>>) src(%dma_wait3A_440 : memref<168x64xf32, #tpu.memory_space<hbm>>) dst(%dma_wait3A_438 : memref<168x64xf32, #tpu.memory_space<vmem>>)
      %add3A_441 = arith.constant 1680 : i32
      %add3A_442 = arith.addi %multiple_of3A, %add3A_441 : i32
      %dma_start3A_443 = arith.constant 0 : i32
      %dma_start3A_444 = arith.constant 0 : i32
      %dma_start3A_445 = tpu.memref_slice %arg8[%dma_start3A_443, %dma_start3A_444] : memref<168x64xf32, #tpu.memory_space<vmem>> -> memref<168x64xf32, #tpu.memory_space<vmem>>
      %dma_start3A_446 = arith.constant 0 : i32
      %dma_start3A_447 = tpu.memref_slice %arg3[%add3A_442, %dma_start3A_446] : memref<100000x64xf32, #tpu.memory_space<hbm>> -> memref<168x64xf32, #tpu.memory_space<hbm>>
      %dma_start3A_448 = arith.constant 0 : i32
      %dma_start3A_449 = tpu.memref_slice %arg3[%add3A_442, %dma_start3A_448] : memref<100000x64xf32, #tpu.memory_space<hbm>> -> memref<168x64xf32, #tpu.memory_space<hbm>>
      %dma_start3A_450 = arith.constant 0 : i32
      %dma_start3A_451 = arith.constant 0 : i32
      %dma_start3A_452 = tpu.memref_slice %arg8[%dma_start3A_450, %dma_start3A_451] : memref<168x64xf32, #tpu.memory_space<vmem>> -> memref<168x64xf32, #tpu.memory_space<vmem>>
      tpu.enqueue_dma source(%dma_start3A_452 : memref<168x64xf32, #tpu.memory_space<vmem>>) target(%dma_start3A_449 : memref<168x64xf32, #tpu.memory_space<hbm>>) target_semaphore(%arg20 : memref<!tpu.dma_semaphore, #tpu.memory_space<semaphore_mem>>)
      %dma_wait3A_453 = arith.constant 0 : i32
      %dma_wait3A_454 = arith.constant 0 : i32
      %dma_wait3A_455 = tpu.memref_slice %arg4[%dma_wait3A_453, %dma_wait3A_454] : memref<168x64xf32, #tpu.memory_space<vmem>> -> memref<168x64xf32, #tpu.memory_space<vmem>>
      %dma_wait3A_456 = arith.constant 0 : i32
      %dma_wait3A_457 = tpu.memref_slice %arg3[%add3A_266, %dma_wait3A_456] : memref<100000x64xf32, #tpu.memory_space<hbm>> -> memref<168x64xf32, #tpu.memory_space<hbm>>
      %dma_wait3A_458 = arith.constant 0 : i32
      %dma_wait3A_459 = tpu.memref_slice %arg3[%add3A_266, %dma_wait3A_458] : memref<100000x64xf32, #tpu.memory_space<hbm>> -> memref<168x64xf32, #tpu.memory_space<hbm>>
      %dma_wait3A_460 = arith.constant 0 : i32
      %dma_wait3A_461 = arith.constant 0 : i32
      %dma_wait3A_462 = tpu.memref_slice %arg4[%dma_wait3A_460, %dma_wait3A_461] : memref<168x64xf32, #tpu.memory_space<vmem>> -> memref<168x64xf32, #tpu.memory_space<vmem>>
      tpu.wait_dma2 semaphore(%arg16 : memref<!tpu.dma_semaphore, #tpu.memory_space<semaphore_mem>>) src(%dma_wait3A_462 : memref<168x64xf32, #tpu.memory_space<vmem>>) dst(%dma_wait3A_459 : memref<168x64xf32, #tpu.memory_space<hbm>>)
      %add3A_463 = arith.constant 2016 : i32
      %add3A_464 = arith.addi %multiple_of3A, %add3A_463 : i32
      %dma_start3A_465 = arith.constant 0 : i32
      %dma_start3A_466 = arith.constant 0 : i32
      %dma_start3A_467 = tpu.memref_slice %arg4[%dma_start3A_465, %dma_start3A_466] : memref<168x64xf32, #tpu.memory_space<vmem>> -> memref<168x64xf32, #tpu.memory_space<vmem>>
      %dma_start3A_468 = arith.constant 0 : i32
      %dma_start3A_469 = tpu.memref_slice %arg2[%add3A_464, %dma_start3A_468] : memref<100000x64xf32, #tpu.memory_space<hbm>> -> memref<168x64xf32, #tpu.memory_space<hbm>>
      %dma_start3A_470 = arith.constant 0 : i32
      %dma_start3A_471 = arith.constant 0 : i32
      %dma_start3A_472 = tpu.memref_slice %arg4[%dma_start3A_470, %dma_start3A_471] : memref<168x64xf32, #tpu.memory_space<vmem>> -> memref<168x64xf32, #tpu.memory_space<vmem>>
      %dma_start3A_473 = arith.constant 0 : i32
      %dma_start3A_474 = tpu.memref_slice %arg2[%add3A_464, %dma_start3A_473] : memref<100000x64xf32, #tpu.memory_space<hbm>> -> memref<168x64xf32, #tpu.memory_space<hbm>>
      tpu.enqueue_dma source(%dma_start3A_474 : memref<168x64xf32, #tpu.memory_space<hbm>>) target(%dma_start3A_472 : memref<168x64xf32, #tpu.memory_space<vmem>>) target_semaphore(%arg10 : memref<!tpu.dma_semaphore, #tpu.memory_space<semaphore_mem>>)
      %dma_wait3A_475 = arith.constant 0 : i32
      %dma_wait3A_476 = arith.constant 0 : i32
      %dma_wait3A_477 = tpu.memref_slice %arg9[%dma_wait3A_475, %dma_wait3A_476] : memref<168x64xf32, #tpu.memory_space<vmem>> -> memref<168x64xf32, #tpu.memory_space<vmem>>
      %dma_wait3A_478 = arith.constant 0 : i32
      %dma_wait3A_479 = tpu.memref_slice %arg2[%add3A_420, %dma_wait3A_478] : memref<100000x64xf32, #tpu.memory_space<hbm>> -> memref<168x64xf32, #tpu.memory_space<hbm>>
      %dma_wait3A_480 = arith.constant 0 : i32
      %dma_wait3A_481 = arith.constant 0 : i32
      %dma_wait3A_482 = tpu.memref_slice %arg9[%dma_wait3A_480, %dma_wait3A_481] : memref<168x64xf32, #tpu.memory_space<vmem>> -> memref<168x64xf32, #tpu.memory_space<vmem>>
      %dma_wait3A_483 = arith.constant 0 : i32
      %dma_wait3A_484 = tpu.memref_slice %arg2[%add3A_420, %dma_wait3A_483] : memref<100000x64xf32, #tpu.memory_space<hbm>> -> memref<168x64xf32, #tpu.memory_space<hbm>>
      tpu.wait_dma2 semaphore(%arg15 : memref<!tpu.dma_semaphore, #tpu.memory_space<semaphore_mem>>) src(%dma_wait3A_484 : memref<168x64xf32, #tpu.memory_space<hbm>>) dst(%dma_wait3A_482 : memref<168x64xf32, #tpu.memory_space<vmem>>)
      %add3A_485 = arith.constant 1848 : i32
      %add3A_486 = arith.addi %multiple_of3A, %add3A_485 : i32
      %dma_start3A_487 = arith.constant 0 : i32
      %dma_start3A_488 = arith.constant 0 : i32
      %dma_start3A_489 = tpu.memref_slice %arg9[%dma_start3A_487, %dma_start3A_488] : memref<168x64xf32, #tpu.memory_space<vmem>> -> memref<168x64xf32, #tpu.memory_space<vmem>>
      %dma_start3A_490 = arith.constant 0 : i32
      %dma_start3A_491 = tpu.memref_slice %arg3[%add3A_486, %dma_start3A_490] : memref<100000x64xf32, #tpu.memory_space<hbm>> -> memref<168x64xf32, #tpu.memory_space<hbm>>
      %dma_start3A_492 = arith.constant 0 : i32
      %dma_start3A_493 = tpu.memref_slice %arg3[%add3A_486, %dma_start3A_492] : memref<100000x64xf32, #tpu.memory_space<hbm>> -> memref<168x64xf32, #tpu.memory_space<hbm>>
      %dma_start3A_494 = arith.constant 0 : i32
      %dma_start3A_495 = arith.constant 0 : i32
      %dma_start3A_496 = tpu.memref_slice %arg9[%dma_start3A_494, %dma_start3A_495] : memref<168x64xf32, #tpu.memory_space<vmem>> -> memref<168x64xf32, #tpu.memory_space<vmem>>
      tpu.enqueue_dma source(%dma_start3A_496 : memref<168x64xf32, #tpu.memory_space<vmem>>) target(%dma_start3A_493 : memref<168x64xf32, #tpu.memory_space<hbm>>) target_semaphore(%arg21 : memref<!tpu.dma_semaphore, #tpu.memory_space<semaphore_mem>>)
      %dma_wait3A_497 = arith.constant 0 : i32
      %dma_wait3A_498 = arith.constant 0 : i32
      %dma_wait3A_499 = tpu.memref_slice %arg5[%dma_wait3A_497, %dma_wait3A_498] : memref<168x64xf32, #tpu.memory_space<vmem>> -> memref<168x64xf32, #tpu.memory_space<vmem>>
      %dma_wait3A_500 = arith.constant 0 : i32
      %dma_wait3A_501 = tpu.memref_slice %arg3[%add3A_310, %dma_wait3A_500] : memref<100000x64xf32, #tpu.memory_space<hbm>> -> memref<168x64xf32, #tpu.memory_space<hbm>>
      %dma_wait3A_502 = arith.constant 0 : i32
      %dma_wait3A_503 = tpu.memref_slice %arg3[%add3A_310, %dma_wait3A_502] : memref<100000x64xf32, #tpu.memory_space<hbm>> -> memref<168x64xf32, #tpu.memory_space<hbm>>
      %dma_wait3A_504 = arith.constant 0 : i32
      %dma_wait3A_505 = arith.constant 0 : i32
      %dma_wait3A_506 = tpu.memref_slice %arg5[%dma_wait3A_504, %dma_wait3A_505] : memref<168x64xf32, #tpu.memory_space<vmem>> -> memref<168x64xf32, #tpu.memory_space<vmem>>
      tpu.wait_dma2 semaphore(%arg17 : memref<!tpu.dma_semaphore, #tpu.memory_space<semaphore_mem>>) src(%dma_wait3A_506 : memref<168x64xf32, #tpu.memory_space<vmem>>) dst(%dma_wait3A_503 : memref<168x64xf32, #tpu.memory_space<hbm>>)
      %add3A_507 = arith.constant 2184 : i32
      %add3A_508 = arith.addi %multiple_of3A, %add3A_507 : i32
      %dma_start3A_509 = arith.constant 0 : i32
      %dma_start3A_510 = arith.constant 0 : i32
      %dma_start3A_511 = tpu.memref_slice %arg5[%dma_start3A_509, %dma_start3A_510] : memref<168x64xf32, #tpu.memory_space<vmem>> -> memref<168x64xf32, #tpu.memory_space<vmem>>
      %dma_start3A_512 = arith.constant 0 : i32
      %dma_start3A_513 = tpu.memref_slice %arg2[%add3A_508, %dma_start3A_512] : memref<100000x64xf32, #tpu.memory_space<hbm>> -> memref<168x64xf32, #tpu.memory_space<hbm>>
      %dma_start3A_514 = arith.constant 0 : i32
      %dma_start3A_515 = arith.constant 0 : i32
      %dma_start3A_516 = tpu.memref_slice %arg5[%dma_start3A_514, %dma_start3A_515] : memref<168x64xf32, #tpu.memory_space<vmem>> -> memref<168x64xf32, #tpu.memory_space<vmem>>
      %dma_start3A_517 = arith.constant 0 : i32
      %dma_start3A_518 = tpu.memref_slice %arg2[%add3A_508, %dma_start3A_517] : memref<100000x64xf32, #tpu.memory_space<hbm>> -> memref<168x64xf32, #tpu.memory_space<hbm>>
      tpu.enqueue_dma source(%dma_start3A_518 : memref<168x64xf32, #tpu.memory_space<hbm>>) target(%dma_start3A_516 : memref<168x64xf32, #tpu.memory_space<vmem>>) target_semaphore(%arg11 : memref<!tpu.dma_semaphore, #tpu.memory_space<semaphore_mem>>)
      %dma_wait3A_519 = arith.constant 0 : i32
      %dma_wait3A_520 = arith.constant 0 : i32
      %dma_wait3A_521 = tpu.memref_slice %arg4[%dma_wait3A_519, %dma_wait3A_520] : memref<168x64xf32, #tpu.memory_space<vmem>> -> memref<168x64xf32, #tpu.memory_space<vmem>>
      %dma_wait3A_522 = arith.constant 0 : i32
      %dma_wait3A_523 = tpu.memref_slice %arg2[%add3A_464, %dma_wait3A_522] : memref<100000x64xf32, #tpu.memory_space<hbm>> -> memref<168x64xf32, #tpu.memory_space<hbm>>
      %dma_wait3A_524 = arith.constant 0 : i32
      %dma_wait3A_525 = arith.constant 0 : i32
      %dma_wait3A_526 = tpu.memref_slice %arg4[%dma_wait3A_524, %dma_wait3A_525] : memref<168x64xf32, #tpu.memory_space<vmem>> -> memref<168x64xf32, #tpu.memory_space<vmem>>
      %dma_wait3A_527 = arith.constant 0 : i32
      %dma_wait3A_528 = tpu.memref_slice %arg2[%add3A_464, %dma_wait3A_527] : memref<100000x64xf32, #tpu.memory_space<hbm>> -> memref<168x64xf32, #tpu.memory_space<hbm>>
      tpu.wait_dma2 semaphore(%arg10 : memref<!tpu.dma_semaphore, #tpu.memory_space<semaphore_mem>>) src(%dma_wait3A_528 : memref<168x64xf32, #tpu.memory_space<hbm>>) dst(%dma_wait3A_526 : memref<168x64xf32, #tpu.memory_space<vmem>>)
      %add3A_529 = arith.constant 2016 : i32
      %add3A_530 = arith.addi %multiple_of3A, %add3A_529 : i32
      %dma_start3A_531 = arith.constant 0 : i32
      %dma_start3A_532 = arith.constant 0 : i32
      %dma_start3A_533 = tpu.memref_slice %arg4[%dma_start3A_531, %dma_start3A_532] : memref<168x64xf32, #tpu.memory_space<vmem>> -> memref<168x64xf32, #tpu.memory_space<vmem>>
      %dma_start3A_534 = arith.constant 0 : i32
      %dma_start3A_535 = tpu.memref_slice %arg3[%add3A_530, %dma_start3A_534] : memref<100000x64xf32, #tpu.memory_space<hbm>> -> memref<168x64xf32, #tpu.memory_space<hbm>>
      %dma_start3A_536 = arith.constant 0 : i32
      %dma_start3A_537 = tpu.memref_slice %arg3[%add3A_530, %dma_start3A_536] : memref<100000x64xf32, #tpu.memory_space<hbm>> -> memref<168x64xf32, #tpu.memory_space<hbm>>
      %dma_start3A_538 = arith.constant 0 : i32
      %dma_start3A_539 = arith.constant 0 : i32
      %dma_start3A_540 = tpu.memref_slice %arg4[%dma_start3A_538, %dma_start3A_539] : memref<168x64xf32, #tpu.memory_space<vmem>> -> memref<168x64xf32, #tpu.memory_space<vmem>>
      tpu.enqueue_dma source(%dma_start3A_540 : memref<168x64xf32, #tpu.memory_space<vmem>>) target(%dma_start3A_537 : memref<168x64xf32, #tpu.memory_space<hbm>>) target_semaphore(%arg16 : memref<!tpu.dma_semaphore, #tpu.memory_space<semaphore_mem>>)
      %dma_wait3A_541 = arith.constant 0 : i32
      %dma_wait3A_542 = arith.constant 0 : i32
      %dma_wait3A_543 = tpu.memref_slice %arg6[%dma_wait3A_541, %dma_wait3A_542] : memref<168x64xf32, #tpu.memory_space<vmem>> -> memref<168x64xf32, #tpu.memory_space<vmem>>
      %dma_wait3A_544 = arith.constant 0 : i32
      %dma_wait3A_545 = tpu.memref_slice %arg3[%add3A_354, %dma_wait3A_544] : memref<100000x64xf32, #tpu.memory_space<hbm>> -> memref<168x64xf32, #tpu.memory_space<hbm>>
      %dma_wait3A_546 = arith.constant 0 : i32
      %dma_wait3A_547 = tpu.memref_slice %arg3[%add3A_354, %dma_wait3A_546] : memref<100000x64xf32, #tpu.memory_space<hbm>> -> memref<168x64xf32, #tpu.memory_space<hbm>>
      %dma_wait3A_548 = arith.constant 0 : i32
      %dma_wait3A_549 = arith.constant 0 : i32
      %dma_wait3A_550 = tpu.memref_slice %arg6[%dma_wait3A_548, %dma_wait3A_549] : memref<168x64xf32, #tpu.memory_space<vmem>> -> memref<168x64xf32, #tpu.memory_space<vmem>>
      tpu.wait_dma2 semaphore(%arg18 : memref<!tpu.dma_semaphore, #tpu.memory_space<semaphore_mem>>) src(%dma_wait3A_550 : memref<168x64xf32, #tpu.memory_space<vmem>>) dst(%dma_wait3A_547 : memref<168x64xf32, #tpu.memory_space<hbm>>)
      %add3A_551 = arith.constant 2352 : i32
      %add3A_552 = arith.addi %multiple_of3A, %add3A_551 : i32
      %dma_start3A_553 = arith.constant 0 : i32
      %dma_start3A_554 = arith.constant 0 : i32
      %dma_start3A_555 = tpu.memref_slice %arg6[%dma_start3A_553, %dma_start3A_554] : memref<168x64xf32, #tpu.memory_space<vmem>> -> memref<168x64xf32, #tpu.memory_space<vmem>>
      %dma_start3A_556 = arith.constant 0 : i32
      %dma_start3A_557 = tpu.memref_slice %arg2[%add3A_552, %dma_start3A_556] : memref<100000x64xf32, #tpu.memory_space<hbm>> -> memref<168x64xf32, #tpu.memory_space<hbm>>
      %dma_start3A_558 = arith.constant 0 : i32
      %dma_start3A_559 = arith.constant 0 : i32
      %dma_start3A_560 = tpu.memref_slice %arg6[%dma_start3A_558, %dma_start3A_559] : memref<168x64xf32, #tpu.memory_space<vmem>> -> memref<168x64xf32, #tpu.memory_space<vmem>>
      %dma_start3A_561 = arith.constant 0 : i32
      %dma_start3A_562 = tpu.memref_slice %arg2[%add3A_552, %dma_start3A_561] : memref<100000x64xf32, #tpu.memory_space<hbm>> -> memref<168x64xf32, #tpu.memory_space<hbm>>
      tpu.enqueue_dma source(%dma_start3A_562 : memref<168x64xf32, #tpu.memory_space<hbm>>) target(%dma_start3A_560 : memref<168x64xf32, #tpu.memory_space<vmem>>) target_semaphore(%arg12 : memref<!tpu.dma_semaphore, #tpu.memory_space<semaphore_mem>>)
      %dma_wait3A_563 = arith.constant 0 : i32
      %dma_wait3A_564 = arith.constant 0 : i32
      %dma_wait3A_565 = tpu.memref_slice %arg5[%dma_wait3A_563, %dma_wait3A_564] : memref<168x64xf32, #tpu.memory_space<vmem>> -> memref<168x64xf32, #tpu.memory_space<vmem>>
      %dma_wait3A_566 = arith.constant 0 : i32
      %dma_wait3A_567 = tpu.memref_slice %arg2[%add3A_508, %dma_wait3A_566] : memref<100000x64xf32, #tpu.memory_space<hbm>> -> memref<168x64xf32, #tpu.memory_space<hbm>>
      %dma_wait3A_568 = arith.constant 0 : i32
      %dma_wait3A_569 = arith.constant 0 : i32
      %dma_wait3A_570 = tpu.memref_slice %arg5[%dma_wait3A_568, %dma_wait3A_569] : memref<168x64xf32, #tpu.memory_space<vmem>> -> memref<168x64xf32, #tpu.memory_space<vmem>>
      %dma_wait3A_571 = arith.constant 0 : i32
      %dma_wait3A_572 = tpu.memref_slice %arg2[%add3A_508, %dma_wait3A_571] : memref<100000x64xf32, #tpu.memory_space<hbm>> -> memref<168x64xf32, #tpu.memory_space<hbm>>
      tpu.wait_dma2 semaphore(%arg11 : memref<!tpu.dma_semaphore, #tpu.memory_space<semaphore_mem>>) src(%dma_wait3A_572 : memref<168x64xf32, #tpu.memory_space<hbm>>) dst(%dma_wait3A_570 : memref<168x64xf32, #tpu.memory_space<vmem>>)
      %add3A_573 = arith.constant 2184 : i32
      %add3A_574 = arith.addi %multiple_of3A, %add3A_573 : i32
      %dma_start3A_575 = arith.constant 0 : i32
      %dma_start3A_576 = arith.constant 0 : i32
      %dma_start3A_577 = tpu.memref_slice %arg5[%dma_start3A_575, %dma_start3A_576] : memref<168x64xf32, #tpu.memory_space<vmem>> -> memref<168x64xf32, #tpu.memory_space<vmem>>
      %dma_start3A_578 = arith.constant 0 : i32
      %dma_start3A_579 = tpu.memref_slice %arg3[%add3A_574, %dma_start3A_578] : memref<100000x64xf32, #tpu.memory_space<hbm>> -> memref<168x64xf32, #tpu.memory_space<hbm>>
      %dma_start3A_580 = arith.constant 0 : i32
      %dma_start3A_581 = tpu.memref_slice %arg3[%add3A_574, %dma_start3A_580] : memref<100000x64xf32, #tpu.memory_space<hbm>> -> memref<168x64xf32, #tpu.memory_space<hbm>>
      %dma_start3A_582 = arith.constant 0 : i32
      %dma_start3A_583 = arith.constant 0 : i32
      %dma_start3A_584 = tpu.memref_slice %arg5[%dma_start3A_582, %dma_start3A_583] : memref<168x64xf32, #tpu.memory_space<vmem>> -> memref<168x64xf32, #tpu.memory_space<vmem>>
      tpu.enqueue_dma source(%dma_start3A_584 : memref<168x64xf32, #tpu.memory_space<vmem>>) target(%dma_start3A_581 : memref<168x64xf32, #tpu.memory_space<hbm>>) target_semaphore(%arg17 : memref<!tpu.dma_semaphore, #tpu.memory_space<semaphore_mem>>)
      %dma_wait3A_585 = arith.constant 0 : i32
      %dma_wait3A_586 = arith.constant 0 : i32
      %dma_wait3A_587 = tpu.memref_slice %arg7[%dma_wait3A_585, %dma_wait3A_586] : memref<168x64xf32, #tpu.memory_space<vmem>> -> memref<168x64xf32, #tpu.memory_space<vmem>>
      %dma_wait3A_588 = arith.constant 0 : i32
      %dma_wait3A_589 = tpu.memref_slice %arg3[%add3A_398, %dma_wait3A_588] : memref<100000x64xf32, #tpu.memory_space<hbm>> -> memref<168x64xf32, #tpu.memory_space<hbm>>
      %dma_wait3A_590 = arith.constant 0 : i32
      %dma_wait3A_591 = tpu.memref_slice %arg3[%add3A_398, %dma_wait3A_590] : memref<100000x64xf32, #tpu.memory_space<hbm>> -> memref<168x64xf32, #tpu.memory_space<hbm>>
      %dma_wait3A_592 = arith.constant 0 : i32
      %dma_wait3A_593 = arith.constant 0 : i32
      %dma_wait3A_594 = tpu.memref_slice %arg7[%dma_wait3A_592, %dma_wait3A_593] : memref<168x64xf32, #tpu.memory_space<vmem>> -> memref<168x64xf32, #tpu.memory_space<vmem>>
      tpu.wait_dma2 semaphore(%arg19 : memref<!tpu.dma_semaphore, #tpu.memory_space<semaphore_mem>>) src(%dma_wait3A_594 : memref<168x64xf32, #tpu.memory_space<vmem>>) dst(%dma_wait3A_591 : memref<168x64xf32, #tpu.memory_space<hbm>>)
      %add3A_595 = arith.constant 2520 : i32
      %add3A_596 = arith.addi %multiple_of3A, %add3A_595 : i32
      %dma_start3A_597 = arith.constant 0 : i32
      %dma_start3A_598 = arith.constant 0 : i32
      %dma_start3A_599 = tpu.memref_slice %arg7[%dma_start3A_597, %dma_start3A_598] : memref<168x64xf32, #tpu.memory_space<vmem>> -> memref<168x64xf32, #tpu.memory_space<vmem>>
      %dma_start3A_600 = arith.constant 0 : i32
      %dma_start3A_601 = tpu.memref_slice %arg2[%add3A_596, %dma_start3A_600] : memref<100000x64xf32, #tpu.memory_space<hbm>> -> memref<168x64xf32, #tpu.memory_space<hbm>>
      %dma_start3A_602 = arith.constant 0 : i32
      %dma_start3A_603 = arith.constant 0 : i32
      %dma_start3A_604 = tpu.memref_slice %arg7[%dma_start3A_602, %dma_start3A_603] : memref<168x64xf32, #tpu.memory_space<vmem>> -> memref<168x64xf32, #tpu.memory_space<vmem>>
      %dma_start3A_605 = arith.constant 0 : i32
      %dma_start3A_606 = tpu.memref_slice %arg2[%add3A_596, %dma_start3A_605] : memref<100000x64xf32, #tpu.memory_space<hbm>> -> memref<168x64xf32, #tpu.memory_space<hbm>>
      tpu.enqueue_dma source(%dma_start3A_606 : memref<168x64xf32, #tpu.memory_space<hbm>>) target(%dma_start3A_604 : memref<168x64xf32, #tpu.memory_space<vmem>>) target_semaphore(%arg13 : memref<!tpu.dma_semaphore, #tpu.memory_space<semaphore_mem>>)
      %dma_wait3A_607 = arith.constant 0 : i32
      %dma_wait3A_608 = arith.constant 0 : i32
      %dma_wait3A_609 = tpu.memref_slice %arg6[%dma_wait3A_607, %dma_wait3A_608] : memref<168x64xf32, #tpu.memory_space<vmem>> -> memref<168x64xf32, #tpu.memory_space<vmem>>
      %dma_wait3A_610 = arith.constant 0 : i32
      %dma_wait3A_611 = tpu.memref_slice %arg2[%add3A_552, %dma_wait3A_610] : memref<100000x64xf32, #tpu.memory_space<hbm>> -> memref<168x64xf32, #tpu.memory_space<hbm>>
      %dma_wait3A_612 = arith.constant 0 : i32
      %dma_wait3A_613 = arith.constant 0 : i32
      %dma_wait3A_614 = tpu.memref_slice %arg6[%dma_wait3A_612, %dma_wait3A_613] : memref<168x64xf32, #tpu.memory_space<vmem>> -> memref<168x64xf32, #tpu.memory_space<vmem>>
      %dma_wait3A_615 = arith.constant 0 : i32
      %dma_wait3A_616 = tpu.memref_slice %arg2[%add3A_552, %dma_wait3A_615] : memref<100000x64xf32, #tpu.memory_space<hbm>> -> memref<168x64xf32, #tpu.memory_space<hbm>>
      tpu.wait_dma2 semaphore(%arg12 : memref<!tpu.dma_semaphore, #tpu.memory_space<semaphore_mem>>) src(%dma_wait3A_616 : memref<168x64xf32, #tpu.memory_space<hbm>>) dst(%dma_wait3A_614 : memref<168x64xf32, #tpu.memory_space<vmem>>)
      %add3A_617 = arith.constant 2352 : i32
      %add3A_618 = arith.addi %multiple_of3A, %add3A_617 : i32
      %dma_start3A_619 = arith.constant 0 : i32
      %dma_start3A_620 = arith.constant 0 : i32
      %dma_start3A_621 = tpu.memref_slice %arg6[%dma_start3A_619, %dma_start3A_620] : memref<168x64xf32, #tpu.memory_space<vmem>> -> memref<168x64xf32, #tpu.memory_space<vmem>>
      %dma_start3A_622 = arith.constant 0 : i32
      %dma_start3A_623 = tpu.memref_slice %arg3[%add3A_618, %dma_start3A_622] : memref<100000x64xf32, #tpu.memory_space<hbm>> -> memref<168x64xf32, #tpu.memory_space<hbm>>
      %dma_start3A_624 = arith.constant 0 : i32
      %dma_start3A_625 = tpu.memref_slice %arg3[%add3A_618, %dma_start3A_624] : memref<100000x64xf32, #tpu.memory_space<hbm>> -> memref<168x64xf32, #tpu.memory_space<hbm>>
      %dma_start3A_626 = arith.constant 0 : i32
      %dma_start3A_627 = arith.constant 0 : i32
      %dma_start3A_628 = tpu.memref_slice %arg6[%dma_start3A_626, %dma_start3A_627] : memref<168x64xf32, #tpu.memory_space<vmem>> -> memref<168x64xf32, #tpu.memory_space<vmem>>
      tpu.enqueue_dma source(%dma_start3A_628 : memref<168x64xf32, #tpu.memory_space<vmem>>) target(%dma_start3A_625 : memref<168x64xf32, #tpu.memory_space<hbm>>) target_semaphore(%arg18 : memref<!tpu.dma_semaphore, #tpu.memory_space<semaphore_mem>>)
      %dma_wait3A_629 = arith.constant 0 : i32
      %dma_wait3A_630 = arith.constant 0 : i32
      %dma_wait3A_631 = tpu.memref_slice %arg8[%dma_wait3A_629, %dma_wait3A_630] : memref<168x64xf32, #tpu.memory_space<vmem>> -> memref<168x64xf32, #tpu.memory_space<vmem>>
      %dma_wait3A_632 = arith.constant 0 : i32
      %dma_wait3A_633 = tpu.memref_slice %arg3[%add3A_442, %dma_wait3A_632] : memref<100000x64xf32, #tpu.memory_space<hbm>> -> memref<168x64xf32, #tpu.memory_space<hbm>>
      %dma_wait3A_634 = arith.constant 0 : i32
      %dma_wait3A_635 = tpu.memref_slice %arg3[%add3A_442, %dma_wait3A_634] : memref<100000x64xf32, #tpu.memory_space<hbm>> -> memref<168x64xf32, #tpu.memory_space<hbm>>
      %dma_wait3A_636 = arith.constant 0 : i32
      %dma_wait3A_637 = arith.constant 0 : i32
      %dma_wait3A_638 = tpu.memref_slice %arg8[%dma_wait3A_636, %dma_wait3A_637] : memref<168x64xf32, #tpu.memory_space<vmem>> -> memref<168x64xf32, #tpu.memory_space<vmem>>
      tpu.wait_dma2 semaphore(%arg20 : memref<!tpu.dma_semaphore, #tpu.memory_space<semaphore_mem>>) src(%dma_wait3A_638 : memref<168x64xf32, #tpu.memory_space<vmem>>) dst(%dma_wait3A_635 : memref<168x64xf32, #tpu.memory_space<hbm>>)
      %add3A_639 = arith.constant 2688 : i32
      %add3A_640 = arith.addi %multiple_of3A, %add3A_639 : i32
      %dma_start3A_641 = arith.constant 0 : i32
      %dma_start3A_642 = arith.constant 0 : i32
      %dma_start3A_643 = tpu.memref_slice %arg8[%dma_start3A_641, %dma_start3A_642] : memref<168x64xf32, #tpu.memory_space<vmem>> -> memref<168x64xf32, #tpu.memory_space<vmem>>
      %dma_start3A_644 = arith.constant 0 : i32
      %dma_start3A_645 = tpu.memref_slice %arg2[%add3A_640, %dma_start3A_644] : memref<100000x64xf32, #tpu.memory_space<hbm>> -> memref<168x64xf32, #tpu.memory_space<hbm>>
      %dma_start3A_646 = arith.constant 0 : i32
      %dma_start3A_647 = arith.constant 0 : i32
      %dma_start3A_648 = tpu.memref_slice %arg8[%dma_start3A_646, %dma_start3A_647] : memref<168x64xf32, #tpu.memory_space<vmem>> -> memref<168x64xf32, #tpu.memory_space<vmem>>
      %dma_start3A_649 = arith.constant 0 : i32
      %dma_start3A_650 = tpu.memref_slice %arg2[%add3A_640, %dma_start3A_649] : memref<100000x64xf32, #tpu.memory_space<hbm>> -> memref<168x64xf32, #tpu.memory_space<hbm>>
      tpu.enqueue_dma source(%dma_start3A_650 : memref<168x64xf32, #tpu.memory_space<hbm>>) target(%dma_start3A_648 : memref<168x64xf32, #tpu.memory_space<vmem>>) target_semaphore(%arg14 : memref<!tpu.dma_semaphore, #tpu.memory_space<semaphore_mem>>)
      %dma_wait3A_651 = arith.constant 0 : i32
      %dma_wait3A_652 = arith.constant 0 : i32
      %dma_wait3A_653 = tpu.memref_slice %arg7[%dma_wait3A_651, %dma_wait3A_652] : memref<168x64xf32, #tpu.memory_space<vmem>> -> memref<168x64xf32, #tpu.memory_space<vmem>>
      %dma_wait3A_654 = arith.constant 0 : i32
      %dma_wait3A_655 = tpu.memref_slice %arg2[%add3A_596, %dma_wait3A_654] : memref<100000x64xf32, #tpu.memory_space<hbm>> -> memref<168x64xf32, #tpu.memory_space<hbm>>
      %dma_wait3A_656 = arith.constant 0 : i32
      %dma_wait3A_657 = arith.constant 0 : i32
      %dma_wait3A_658 = tpu.memref_slice %arg7[%dma_wait3A_656, %dma_wait3A_657] : memref<168x64xf32, #tpu.memory_space<vmem>> -> memref<168x64xf32, #tpu.memory_space<vmem>>
      %dma_wait3A_659 = arith.constant 0 : i32
      %dma_wait3A_660 = tpu.memref_slice %arg2[%add3A_596, %dma_wait3A_659] : memref<100000x64xf32, #tpu.memory_space<hbm>> -> memref<168x64xf32, #tpu.memory_space<hbm>>
      tpu.wait_dma2 semaphore(%arg13 : memref<!tpu.dma_semaphore, #tpu.memory_space<semaphore_mem>>) src(%dma_wait3A_660 : memref<168x64xf32, #tpu.memory_space<hbm>>) dst(%dma_wait3A_658 : memref<168x64xf32, #tpu.memory_space<vmem>>)
      %add3A_661 = arith.constant 2520 : i32
      %add3A_662 = arith.addi %multiple_of3A, %add3A_661 : i32
      %dma_start3A_663 = arith.constant 0 : i32
      %dma_start3A_664 = arith.constant 0 : i32
      %dma_start3A_665 = tpu.memref_slice %arg7[%dma_start3A_663, %dma_start3A_664] : memref<168x64xf32, #tpu.memory_space<vmem>> -> memref<168x64xf32, #tpu.memory_space<vmem>>
      %dma_start3A_666 = arith.constant 0 : i32
      %dma_start3A_667 = tpu.memref_slice %arg3[%add3A_662, %dma_start3A_666] : memref<100000x64xf32, #tpu.memory_space<hbm>> -> memref<168x64xf32, #tpu.memory_space<hbm>>
      %dma_start3A_668 = arith.constant 0 : i32
      %dma_start3A_669 = tpu.memref_slice %arg3[%add3A_662, %dma_start3A_668] : memref<100000x64xf32, #tpu.memory_space<hbm>> -> memref<168x64xf32, #tpu.memory_space<hbm>>
      %dma_start3A_670 = arith.constant 0 : i32
      %dma_start3A_671 = arith.constant 0 : i32
      %dma_start3A_672 = tpu.memref_slice %arg7[%dma_start3A_670, %dma_start3A_671] : memref<168x64xf32, #tpu.memory_space<vmem>> -> memref<168x64xf32, #tpu.memory_space<vmem>>
      tpu.enqueue_dma source(%dma_start3A_672 : memref<168x64xf32, #tpu.memory_space<vmem>>) target(%dma_start3A_669 : memref<168x64xf32, #tpu.memory_space<hbm>>) target_semaphore(%arg19 : memref<!tpu.dma_semaphore, #tpu.memory_space<semaphore_mem>>)
      %dma_wait3A_673 = arith.constant 0 : i32
      %dma_wait3A_674 = arith.constant 0 : i32
      %dma_wait3A_675 = tpu.memref_slice %arg9[%dma_wait3A_673, %dma_wait3A_674] : memref<168x64xf32, #tpu.memory_space<vmem>> -> memref<168x64xf32, #tpu.memory_space<vmem>>
      %dma_wait3A_676 = arith.constant 0 : i32
      %dma_wait3A_677 = tpu.memref_slice %arg3[%add3A_486, %dma_wait3A_676] : memref<100000x64xf32, #tpu.memory_space<hbm>> -> memref<168x64xf32, #tpu.memory_space<hbm>>
      %dma_wait3A_678 = arith.constant 0 : i32
      %dma_wait3A_679 = tpu.memref_slice %arg3[%add3A_486, %dma_wait3A_678] : memref<100000x64xf32, #tpu.memory_space<hbm>> -> memref<168x64xf32, #tpu.memory_space<hbm>>
      %dma_wait3A_680 = arith.constant 0 : i32
      %dma_wait3A_681 = arith.constant 0 : i32
      %dma_wait3A_682 = tpu.memref_slice %arg9[%dma_wait3A_680, %dma_wait3A_681] : memref<168x64xf32, #tpu.memory_space<vmem>> -> memref<168x64xf32, #tpu.memory_space<vmem>>
      tpu.wait_dma2 semaphore(%arg21 : memref<!tpu.dma_semaphore, #tpu.memory_space<semaphore_mem>>) src(%dma_wait3A_682 : memref<168x64xf32, #tpu.memory_space<vmem>>) dst(%dma_wait3A_679 : memref<168x64xf32, #tpu.memory_space<hbm>>)
      %add3A_683 = arith.constant 2856 : i32
      %add3A_684 = arith.addi %multiple_of3A, %add3A_683 : i32
      %dma_start3A_685 = arith.constant 0 : i32
      %dma_start3A_686 = arith.constant 0 : i32
      %dma_start3A_687 = tpu.memref_slice %arg9[%dma_start3A_685, %dma_start3A_686] : memref<168x64xf32, #tpu.memory_space<vmem>> -> memref<168x64xf32, #tpu.memory_space<vmem>>
      %dma_start3A_688 = arith.constant 0 : i32
      %dma_start3A_689 = tpu.memref_slice %arg2[%add3A_684, %dma_start3A_688] : memref<100000x64xf32, #tpu.memory_space<hbm>> -> memref<168x64xf32, #tpu.memory_space<hbm>>
      %dma_start3A_690 = arith.constant 0 : i32
      %dma_start3A_691 = arith.constant 0 : i32
      %dma_start3A_692 = tpu.memref_slice %arg9[%dma_start3A_690, %dma_start3A_691] : memref<168x64xf32, #tpu.memory_space<vmem>> -> memref<168x64xf32, #tpu.memory_space<vmem>>
      %dma_start3A_693 = arith.constant 0 : i32
      %dma_start3A_694 = tpu.memref_slice %arg2[%add3A_684, %dma_start3A_693] : memref<100000x64xf32, #tpu.memory_space<hbm>> -> memref<168x64xf32, #tpu.memory_space<hbm>>
      tpu.enqueue_dma source(%dma_start3A_694 : memref<168x64xf32, #tpu.memory_space<hbm>>) target(%dma_start3A_692 : memref<168x64xf32, #tpu.memory_space<vmem>>) target_semaphore(%arg15 : memref<!tpu.dma_semaphore, #tpu.memory_space<semaphore_mem>>)
      %dma_wait3A_695 = arith.constant 0 : i32
      %dma_wait3A_696 = arith.constant 0 : i32
      %dma_wait3A_697 = tpu.memref_slice %arg8[%dma_wait3A_695, %dma_wait3A_696] : memref<168x64xf32, #tpu.memory_space<vmem>> -> memref<168x64xf32, #tpu.memory_space<vmem>>
      %dma_wait3A_698 = arith.constant 0 : i32
      %dma_wait3A_699 = tpu.memref_slice %arg2[%add3A_640, %dma_wait3A_698] : memref<100000x64xf32, #tpu.memory_space<hbm>> -> memref<168x64xf32, #tpu.memory_space<hbm>>
      %dma_wait3A_700 = arith.constant 0 : i32
      %dma_wait3A_701 = arith.constant 0 : i32
      %dma_wait3A_702 = tpu.memref_slice %arg8[%dma_wait3A_700, %dma_wait3A_701] : memref<168x64xf32, #tpu.memory_space<vmem>> -> memref<168x64xf32, #tpu.memory_space<vmem>>
      %dma_wait3A_703 = arith.constant 0 : i32
      %dma_wait3A_704 = tpu.memref_slice %arg2[%add3A_640, %dma_wait3A_703] : memref<100000x64xf32, #tpu.memory_space<hbm>> -> memref<168x64xf32, #tpu.memory_space<hbm>>
      tpu.wait_dma2 semaphore(%arg14 : memref<!tpu.dma_semaphore, #tpu.memory_space<semaphore_mem>>) src(%dma_wait3A_704 : memref<168x64xf32, #tpu.memory_space<hbm>>) dst(%dma_wait3A_702 : memref<168x64xf32, #tpu.memory_space<vmem>>)
      %add3A_705 = arith.constant 2688 : i32
      %add3A_706 = arith.addi %multiple_of3A, %add3A_705 : i32
      %dma_start3A_707 = arith.constant 0 : i32
      %dma_start3A_708 = arith.constant 0 : i32
      %dma_start3A_709 = tpu.memref_slice %arg8[%dma_start3A_707, %dma_start3A_708] : memref<168x64xf32, #tpu.memory_space<vmem>> -> memref<168x64xf32, #tpu.memory_space<vmem>>
      %dma_start3A_710 = arith.constant 0 : i32
      %dma_start3A_711 = tpu.memref_slice %arg3[%add3A_706, %dma_start3A_710] : memref<100000x64xf32, #tpu.memory_space<hbm>> -> memref<168x64xf32, #tpu.memory_space<hbm>>
      %dma_start3A_712 = arith.constant 0 : i32
      %dma_start3A_713 = tpu.memref_slice %arg3[%add3A_706, %dma_start3A_712] : memref<100000x64xf32, #tpu.memory_space<hbm>> -> memref<168x64xf32, #tpu.memory_space<hbm>>
      %dma_start3A_714 = arith.constant 0 : i32
      %dma_start3A_715 = arith.constant 0 : i32
      %dma_start3A_716 = tpu.memref_slice %arg8[%dma_start3A_714, %dma_start3A_715] : memref<168x64xf32, #tpu.memory_space<vmem>> -> memref<168x64xf32, #tpu.memory_space<vmem>>
      tpu.enqueue_dma source(%dma_start3A_716 : memref<168x64xf32, #tpu.memory_space<vmem>>) target(%dma_start3A_713 : memref<168x64xf32, #tpu.memory_space<hbm>>) target_semaphore(%arg20 : memref<!tpu.dma_semaphore, #tpu.memory_space<semaphore_mem>>)
      %dma_wait3A_717 = arith.constant 0 : i32
      %dma_wait3A_718 = arith.constant 0 : i32
      %dma_wait3A_719 = tpu.memref_slice %arg4[%dma_wait3A_717, %dma_wait3A_718] : memref<168x64xf32, #tpu.memory_space<vmem>> -> memref<168x64xf32, #tpu.memory_space<vmem>>
      %dma_wait3A_720 = arith.constant 0 : i32
      %dma_wait3A_721 = tpu.memref_slice %arg3[%add3A_530, %dma_wait3A_720] : memref<100000x64xf32, #tpu.memory_space<hbm>> -> memref<168x64xf32, #tpu.memory_space<hbm>>
      %dma_wait3A_722 = arith.constant 0 : i32
      %dma_wait3A_723 = tpu.memref_slice %arg3[%add3A_530, %dma_wait3A_722] : memref<100000x64xf32, #tpu.memory_space<hbm>> -> memref<168x64xf32, #tpu.memory_space<hbm>>
      %dma_wait3A_724 = arith.constant 0 : i32
      %dma_wait3A_725 = arith.constant 0 : i32
      %dma_wait3A_726 = tpu.memref_slice %arg4[%dma_wait3A_724, %dma_wait3A_725] : memref<168x64xf32, #tpu.memory_space<vmem>> -> memref<168x64xf32, #tpu.memory_space<vmem>>
      tpu.wait_dma2 semaphore(%arg16 : memref<!tpu.dma_semaphore, #tpu.memory_space<semaphore_mem>>) src(%dma_wait3A_726 : memref<168x64xf32, #tpu.memory_space<vmem>>) dst(%dma_wait3A_723 : memref<168x64xf32, #tpu.memory_space<hbm>>)
      %add3A_727 = arith.constant 3024 : i32
      %add3A_728 = arith.addi %multiple_of3A, %add3A_727 : i32
      %dma_start3A_729 = arith.constant 0 : i32
      %dma_start3A_730 = arith.constant 0 : i32
      %dma_start3A_731 = tpu.memref_slice %arg4[%dma_start3A_729, %dma_start3A_730] : memref<168x64xf32, #tpu.memory_space<vmem>> -> memref<104x64xf32, #tpu.memory_space<vmem>>
      %dma_start3A_732 = arith.constant 0 : i32
      %dma_start3A_733 = tpu.memref_slice %arg2[%add3A_728, %dma_start3A_732] : memref<100000x64xf32, #tpu.memory_space<hbm>> -> memref<104x64xf32, #tpu.memory_space<hbm>>
      %dma_start3A_734 = arith.constant 0 : i32
      %dma_start3A_735 = arith.constant 0 : i32
      %dma_start3A_736 = tpu.memref_slice %arg4[%dma_start3A_734, %dma_start3A_735] : memref<168x64xf32, #tpu.memory_space<vmem>> -> memref<104x64xf32, #tpu.memory_space<vmem>>
      %dma_start3A_737 = arith.constant 0 : i32
      %dma_start3A_738 = tpu.memref_slice %arg2[%add3A_728, %dma_start3A_737] : memref<100000x64xf32, #tpu.memory_space<hbm>> -> memref<104x64xf32, #tpu.memory_space<hbm>>
      tpu.enqueue_dma source(%dma_start3A_738 : memref<104x64xf32, #tpu.memory_space<hbm>>) target(%dma_start3A_736 : memref<104x64xf32, #tpu.memory_space<vmem>>) target_semaphore(%arg10 : memref<!tpu.dma_semaphore, #tpu.memory_space<semaphore_mem>>)
      %dma_wait3A_739 = arith.constant 0 : i32
      %dma_wait3A_740 = arith.constant 0 : i32
      %dma_wait3A_741 = tpu.memref_slice %arg9[%dma_wait3A_739, %dma_wait3A_740] : memref<168x64xf32, #tpu.memory_space<vmem>> -> memref<168x64xf32, #tpu.memory_space<vmem>>
      %dma_wait3A_742 = arith.constant 0 : i32
      %dma_wait3A_743 = tpu.memref_slice %arg2[%add3A_684, %dma_wait3A_742] : memref<100000x64xf32, #tpu.memory_space<hbm>> -> memref<168x64xf32, #tpu.memory_space<hbm>>
      %dma_wait3A_744 = arith.constant 0 : i32
      %dma_wait3A_745 = arith.constant 0 : i32
      %dma_wait3A_746 = tpu.memref_slice %arg9[%dma_wait3A_744, %dma_wait3A_745] : memref<168x64xf32, #tpu.memory_space<vmem>> -> memref<168x64xf32, #tpu.memory_space<vmem>>
      %dma_wait3A_747 = arith.constant 0 : i32
      %dma_wait3A_748 = tpu.memref_slice %arg2[%add3A_684, %dma_wait3A_747] : memref<100000x64xf32, #tpu.memory_space<hbm>> -> memref<168x64xf32, #tpu.memory_space<hbm>>
      tpu.wait_dma2 semaphore(%arg15 : memref<!tpu.dma_semaphore, #tpu.memory_space<semaphore_mem>>) src(%dma_wait3A_748 : memref<168x64xf32, #tpu.memory_space<hbm>>) dst(%dma_wait3A_746 : memref<168x64xf32, #tpu.memory_space<vmem>>)
      %add3A_749 = arith.constant 2856 : i32
      %add3A_750 = arith.addi %multiple_of3A, %add3A_749 : i32
      %dma_start3A_751 = arith.constant 0 : i32
      %dma_start3A_752 = arith.constant 0 : i32
      %dma_start3A_753 = tpu.memref_slice %arg9[%dma_start3A_751, %dma_start3A_752] : memref<168x64xf32, #tpu.memory_space<vmem>> -> memref<168x64xf32, #tpu.memory_space<vmem>>
      %dma_start3A_754 = arith.constant 0 : i32
      %dma_start3A_755 = tpu.memref_slice %arg3[%add3A_750, %dma_start3A_754] : memref<100000x64xf32, #tpu.memory_space<hbm>> -> memref<168x64xf32, #tpu.memory_space<hbm>>
      %dma_start3A_756 = arith.constant 0 : i32
      %dma_start3A_757 = tpu.memref_slice %arg3[%add3A_750, %dma_start3A_756] : memref<100000x64xf32, #tpu.memory_space<hbm>> -> memref<168x64xf32, #tpu.memory_space<hbm>>
      %dma_start3A_758 = arith.constant 0 : i32
      %dma_start3A_759 = arith.constant 0 : i32
      %dma_start3A_760 = tpu.memref_slice %arg9[%dma_start3A_758, %dma_start3A_759] : memref<168x64xf32, #tpu.memory_space<vmem>> -> memref<168x64xf32, #tpu.memory_space<vmem>>
      tpu.enqueue_dma source(%dma_start3A_760 : memref<168x64xf32, #tpu.memory_space<vmem>>) target(%dma_start3A_757 : memref<168x64xf32, #tpu.memory_space<hbm>>) target_semaphore(%arg21 : memref<!tpu.dma_semaphore, #tpu.memory_space<semaphore_mem>>)
      %dma_wait3A_761 = arith.constant 0 : i32
      %dma_wait3A_762 = arith.constant 0 : i32
      %dma_wait3A_763 = tpu.memref_slice %arg4[%dma_wait3A_761, %dma_wait3A_762] : memref<168x64xf32, #tpu.memory_space<vmem>> -> memref<104x64xf32, #tpu.memory_space<vmem>>
      %dma_wait3A_764 = arith.constant 0 : i32
      %dma_wait3A_765 = tpu.memref_slice %arg2[%add3A_728, %dma_wait3A_764] : memref<100000x64xf32, #tpu.memory_space<hbm>> -> memref<104x64xf32, #tpu.memory_space<hbm>>
      %dma_wait3A_766 = arith.constant 0 : i32
      %dma_wait3A_767 = arith.constant 0 : i32
      %dma_wait3A_768 = tpu.memref_slice %arg4[%dma_wait3A_766, %dma_wait3A_767] : memref<168x64xf32, #tpu.memory_space<vmem>> -> memref<104x64xf32, #tpu.memory_space<vmem>>
      %dma_wait3A_769 = arith.constant 0 : i32
      %dma_wait3A_770 = tpu.memref_slice %arg2[%add3A_728, %dma_wait3A_769] : memref<100000x64xf32, #tpu.memory_space<hbm>> -> memref<104x64xf32, #tpu.memory_space<hbm>>
      tpu.wait_dma2 semaphore(%arg10 : memref<!tpu.dma_semaphore, #tpu.memory_space<semaphore_mem>>) src(%dma_wait3A_770 : memref<104x64xf32, #tpu.memory_space<hbm>>) dst(%dma_wait3A_768 : memref<104x64xf32, #tpu.memory_space<vmem>>)
      %add3A_771 = arith.constant 3024 : i32
      %add3A_772 = arith.addi %multiple_of3A, %add3A_771 : i32
      %dma_start3A_773 = arith.constant 0 : i32
      %dma_start3A_774 = arith.constant 0 : i32
      %dma_start3A_775 = tpu.memref_slice %arg4[%dma_start3A_773, %dma_start3A_774] : memref<168x64xf32, #tpu.memory_space<vmem>> -> memref<104x64xf32, #tpu.memory_space<vmem>>
      %dma_start3A_776 = arith.constant 0 : i32
      %dma_start3A_777 = tpu.memref_slice %arg3[%add3A_772, %dma_start3A_776] : memref<100000x64xf32, #tpu.memory_space<hbm>> -> memref<104x64xf32, #tpu.memory_space<hbm>>
      %dma_start3A_778 = arith.constant 0 : i32
      %dma_start3A_779 = tpu.memref_slice %arg3[%add3A_772, %dma_start3A_778] : memref<100000x64xf32, #tpu.memory_space<hbm>> -> memref<104x64xf32, #tpu.memory_space<hbm>>
      %dma_start3A_780 = arith.constant 0 : i32
      %dma_start3A_781 = arith.constant 0 : i32
      %dma_start3A_782 = tpu.memref_slice %arg4[%dma_start3A_780, %dma_start3A_781] : memref<168x64xf32, #tpu.memory_space<vmem>> -> memref<104x64xf32, #tpu.memory_space<vmem>>
      tpu.enqueue_dma source(%dma_start3A_782 : memref<104x64xf32, #tpu.memory_space<vmem>>) target(%dma_start3A_779 : memref<104x64xf32, #tpu.memory_space<hbm>>) target_semaphore(%arg16 : memref<!tpu.dma_semaphore, #tpu.memory_space<semaphore_mem>>)
      %dma_wait3A_783 = arith.constant 0 : i32
      %dma_wait3A_784 = arith.constant 0 : i32
      %dma_wait3A_785 = tpu.memref_slice %arg5[%dma_wait3A_783, %dma_wait3A_784] : memref<168x64xf32, #tpu.memory_space<vmem>> -> memref<168x64xf32, #tpu.memory_space<vmem>>
      %dma_wait3A_786 = arith.constant 0 : i32
      %dma_wait3A_787 = tpu.memref_slice %arg3[%add3A_574, %dma_wait3A_786] : memref<100000x64xf32, #tpu.memory_space<hbm>> -> memref<168x64xf32, #tpu.memory_space<hbm>>
      %dma_wait3A_788 = arith.constant 0 : i32
      %dma_wait3A_789 = tpu.memref_slice %arg3[%add3A_574, %dma_wait3A_788] : memref<100000x64xf32, #tpu.memory_space<hbm>> -> memref<168x64xf32, #tpu.memory_space<hbm>>
      %dma_wait3A_790 = arith.constant 0 : i32
      %dma_wait3A_791 = arith.constant 0 : i32
      %dma_wait3A_792 = tpu.memref_slice %arg5[%dma_wait3A_790, %dma_wait3A_791] : memref<168x64xf32, #tpu.memory_space<vmem>> -> memref<168x64xf32, #tpu.memory_space<vmem>>
      tpu.wait_dma2 semaphore(%arg17 : memref<!tpu.dma_semaphore, #tpu.memory_space<semaphore_mem>>) src(%dma_wait3A_792 : memref<168x64xf32, #tpu.memory_space<vmem>>) dst(%dma_wait3A_789 : memref<168x64xf32, #tpu.memory_space<hbm>>)
      %dma_wait3A_793 = arith.constant 0 : i32
      %dma_wait3A_794 = arith.constant 0 : i32
      %dma_wait3A_795 = tpu.memref_slice %arg6[%dma_wait3A_793, %dma_wait3A_794] : memref<168x64xf32, #tpu.memory_space<vmem>> -> memref<168x64xf32, #tpu.memory_space<vmem>>
      %dma_wait3A_796 = arith.constant 0 : i32
      %dma_wait3A_797 = tpu.memref_slice %arg3[%add3A_618, %dma_wait3A_796] : memref<100000x64xf32, #tpu.memory_space<hbm>> -> memref<168x64xf32, #tpu.memory_space<hbm>>
      %dma_wait3A_798 = arith.constant 0 : i32
      %dma_wait3A_799 = tpu.memref_slice %arg3[%add3A_618, %dma_wait3A_798] : memref<100000x64xf32, #tpu.memory_space<hbm>> -> memref<168x64xf32, #tpu.memory_space<hbm>>
      %dma_wait3A_800 = arith.constant 0 : i32
      %dma_wait3A_801 = arith.constant 0 : i32
      %dma_wait3A_802 = tpu.memref_slice %arg6[%dma_wait3A_800, %dma_wait3A_801] : memref<168x64xf32, #tpu.memory_space<vmem>> -> memref<168x64xf32, #tpu.memory_space<vmem>>
      tpu.wait_dma2 semaphore(%arg18 : memref<!tpu.dma_semaphore, #tpu.memory_space<semaphore_mem>>) src(%dma_wait3A_802 : memref<168x64xf32, #tpu.memory_space<vmem>>) dst(%dma_wait3A_799 : memref<168x64xf32, #tpu.memory_space<hbm>>)
      %dma_wait3A_803 = arith.constant 0 : i32
      %dma_wait3A_804 = arith.constant 0 : i32
      %dma_wait3A_805 = tpu.memref_slice %arg7[%dma_wait3A_803, %dma_wait3A_804] : memref<168x64xf32, #tpu.memory_space<vmem>> -> memref<168x64xf32, #tpu.memory_space<vmem>>
      %dma_wait3A_806 = arith.constant 0 : i32
      %dma_wait3A_807 = tpu.memref_slice %arg3[%add3A_662, %dma_wait3A_806] : memref<100000x64xf32, #tpu.memory_space<hbm>> -> memref<168x64xf32, #tpu.memory_space<hbm>>
      %dma_wait3A_808 = arith.constant 0 : i32
      %dma_wait3A_809 = tpu.memref_slice %arg3[%add3A_662, %dma_wait3A_808] : memref<100000x64xf32, #tpu.memory_space<hbm>> -> memref<168x64xf32, #tpu.memory_space<hbm>>
      %dma_wait3A_810 = arith.constant 0 : i32
      %dma_wait3A_811 = arith.constant 0 : i32
      %dma_wait3A_812 = tpu.memref_slice %arg7[%dma_wait3A_810, %dma_wait3A_811] : memref<168x64xf32, #tpu.memory_space<vmem>> -> memref<168x64xf32, #tpu.memory_space<vmem>>
      tpu.wait_dma2 semaphore(%arg19 : memref<!tpu.dma_semaphore, #tpu.memory_space<semaphore_mem>>) src(%dma_wait3A_812 : memref<168x64xf32, #tpu.memory_space<vmem>>) dst(%dma_wait3A_809 : memref<168x64xf32, #tpu.memory_space<hbm>>)
      %dma_wait3A_813 = arith.constant 0 : i32
      %dma_wait3A_814 = arith.constant 0 : i32
      %dma_wait3A_815 = tpu.memref_slice %arg8[%dma_wait3A_813, %dma_wait3A_814] : memref<168x64xf32, #tpu.memory_space<vmem>> -> memref<168x64xf32, #tpu.memory_space<vmem>>
      %dma_wait3A_816 = arith.constant 0 : i32
      %dma_wait3A_817 = tpu.memref_slice %arg3[%add3A_706, %dma_wait3A_816] : memref<100000x64xf32, #tpu.memory_space<hbm>> -> memref<168x64xf32, #tpu.memory_space<hbm>>
      %dma_wait3A_818 = arith.constant 0 : i32
      %dma_wait3A_819 = tpu.memref_slice %arg3[%add3A_706, %dma_wait3A_818] : memref<100000x64xf32, #tpu.memory_space<hbm>> -> memref<168x64xf32, #tpu.memory_space<hbm>>
      %dma_wait3A_820 = arith.constant 0 : i32
      %dma_wait3A_821 = arith.constant 0 : i32
      %dma_wait3A_822 = tpu.memref_slice %arg8[%dma_wait3A_820, %dma_wait3A_821] : memref<168x64xf32, #tpu.memory_space<vmem>> -> memref<168x64xf32, #tpu.memory_space<vmem>>
      tpu.wait_dma2 semaphore(%arg20 : memref<!tpu.dma_semaphore, #tpu.memory_space<semaphore_mem>>) src(%dma_wait3A_822 : memref<168x64xf32, #tpu.memory_space<vmem>>) dst(%dma_wait3A_819 : memref<168x64xf32, #tpu.memory_space<hbm>>)
      %dma_wait3A_823 = arith.constant 0 : i32
      %dma_wait3A_824 = arith.constant 0 : i32
      %dma_wait3A_825 = tpu.memref_slice %arg9[%dma_wait3A_823, %dma_wait3A_824] : memref<168x64xf32, #tpu.memory_space<vmem>> -> memref<168x64xf32, #tpu.memory_space<vmem>>
      %dma_wait3A_826 = arith.constant 0 : i32
      %dma_wait3A_827 = tpu.memref_slice %arg3[%add3A_750, %dma_wait3A_826] : memref<100000x64xf32, #tpu.memory_space<hbm>> -> memref<168x64xf32, #tpu.memory_space<hbm>>
      %dma_wait3A_828 = arith.constant 0 : i32
      %dma_wait3A_829 = tpu.memref_slice %arg3[%add3A_750, %dma_wait3A_828] : memref<100000x64xf32, #tpu.memory_space<hbm>> -> memref<168x64xf32, #tpu.memory_space<hbm>>
      %dma_wait3A_830 = arith.constant 0 : i32
      %dma_wait3A_831 = arith.constant 0 : i32
      %dma_wait3A_832 = tpu.memref_slice %arg9[%dma_wait3A_830, %dma_wait3A_831] : memref<168x64xf32, #tpu.memory_space<vmem>> -> memref<168x64xf32, #tpu.memory_space<vmem>>
      tpu.wait_dma2 semaphore(%arg21 : memref<!tpu.dma_semaphore, #tpu.memory_space<semaphore_mem>>) src(%dma_wait3A_832 : memref<168x64xf32, #tpu.memory_space<vmem>>) dst(%dma_wait3A_829 : memref<168x64xf32, #tpu.memory_space<hbm>>)
      %dma_wait3A_833 = arith.constant 0 : i32
      %dma_wait3A_834 = arith.constant 0 : i32
      %dma_wait3A_835 = tpu.memref_slice %arg4[%dma_wait3A_833, %dma_wait3A_834] : memref<168x64xf32, #tpu.memory_space<vmem>> -> memref<104x64xf32, #tpu.memory_space<vmem>>
      %dma_wait3A_836 = arith.constant 0 : i32
      %dma_wait3A_837 = tpu.memref_slice %arg3[%add3A_772, %dma_wait3A_836] : memref<100000x64xf32, #tpu.memory_space<hbm>> -> memref<104x64xf32, #tpu.memory_space<hbm>>
      %dma_wait3A_838 = arith.constant 0 : i32
      %dma_wait3A_839 = tpu.memref_slice %arg3[%add3A_772, %dma_wait3A_838] : memref<100000x64xf32, #tpu.memory_space<hbm>> -> memref<104x64xf32, #tpu.memory_space<hbm>>
      %dma_wait3A_840 = arith.constant 0 : i32
      %dma_wait3A_841 = arith.constant 0 : i32
      %dma_wait3A_842 = tpu.memref_slice %arg4[%dma_wait3A_840, %dma_wait3A_841] : memref<168x64xf32, #tpu.memory_space<vmem>> -> memref<104x64xf32, #tpu.memory_space<vmem>>
      tpu.wait_dma2 semaphore(%arg16 : memref<!tpu.dma_semaphore, #tpu.memory_space<semaphore_mem>>) src(%dma_wait3A_842 : memref<104x64xf32, #tpu.memory_space<vmem>>) dst(%dma_wait3A_839 : memref<104x64xf32, #tpu.memory_space<hbm>>)
    } else {
    }
    %eq3A = arith.constant 31 : i32
    %eq3A_5 = arith.cmpi eq, %add3A, %eq3A : i32
    %convert_element_type3A_6 = arith.extui %eq3A_5 : i1 to i32
    %cond3A_7 = arith.constant 0 : i32
    %cond3A_8 = arith.cmpi ne, %convert_element_type3A_6, %cond3A_7 : i32
    scf.if %cond3A_8 {
      %dma_start3A = arith.constant 0 : i32
      %dma_start3A_9 = arith.constant 0 : i32
      %dma_start3A_10 = tpu.memref_slice %arg4[%dma_start3A, %dma_start3A_9] : memref<168x64xf32, #tpu.memory_space<vmem>> -> memref<168x64xf32, #tpu.memory_space<vmem>>
      %dma_start3A_11 = arith.constant 96968 : i32
      %dma_start3A_12 = arith.constant 0 : i32
      %dma_start3A_13 = tpu.memref_slice %arg2[%dma_start3A_11, %dma_start3A_12] : memref<100000x64xf32, #tpu.memory_space<hbm>> -> memref<168x64xf32, #tpu.memory_space<hbm>>
      %dma_start3A_14 = arith.constant 0 : i32
      %dma_start3A_15 = arith.constant 0 : i32
      %dma_start3A_16 = tpu.memref_slice %arg4[%dma_start3A_14, %dma_start3A_15] : memref<168x64xf32, #tpu.memory_space<vmem>> -> memref<168x64xf32, #tpu.memory_space<vmem>>
      %dma_start3A_17 = arith.constant 96968 : i32
      %dma_start3A_18 = arith.constant 0 : i32
      %dma_start3A_19 = tpu.memref_slice %arg2[%dma_start3A_17, %dma_start3A_18] : memref<100000x64xf32, #tpu.memory_space<hbm>> -> memref<168x64xf32, #tpu.memory_space<hbm>>
      tpu.enqueue_dma source(%dma_start3A_19 : memref<168x64xf32, #tpu.memory_space<hbm>>) target(%dma_start3A_16 : memref<168x64xf32, #tpu.memory_space<vmem>>) target_semaphore(%arg10 : memref<!tpu.dma_semaphore, #tpu.memory_space<semaphore_mem>>)
      %dma_start3A_20 = arith.constant 0 : i32
      %dma_start3A_21 = arith.constant 0 : i32
      %dma_start3A_22 = tpu.memref_slice %arg5[%dma_start3A_20, %dma_start3A_21] : memref<168x64xf32, #tpu.memory_space<vmem>> -> memref<168x64xf32, #tpu.memory_space<vmem>>
      %dma_start3A_23 = arith.constant 97136 : i32
      %dma_start3A_24 = arith.constant 0 : i32
      %dma_start3A_25 = tpu.memref_slice %arg2[%dma_start3A_23, %dma_start3A_24] : memref<100000x64xf32, #tpu.memory_space<hbm>> -> memref<168x64xf32, #tpu.memory_space<hbm>>
      %dma_start3A_26 = arith.constant 0 : i32
      %dma_start3A_27 = arith.constant 0 : i32
      %dma_start3A_28 = tpu.memref_slice %arg5[%dma_start3A_26, %dma_start3A_27] : memref<168x64xf32, #tpu.memory_space<vmem>> -> memref<168x64xf32, #tpu.memory_space<vmem>>
      %dma_start3A_29 = arith.constant 97136 : i32
      %dma_start3A_30 = arith.constant 0 : i32
      %dma_start3A_31 = tpu.memref_slice %arg2[%dma_start3A_29, %dma_start3A_30] : memref<100000x64xf32, #tpu.memory_space<hbm>> -> memref<168x64xf32, #tpu.memory_space<hbm>>
      tpu.enqueue_dma source(%dma_start3A_31 : memref<168x64xf32, #tpu.memory_space<hbm>>) target(%dma_start3A_28 : memref<168x64xf32, #tpu.memory_space<vmem>>) target_semaphore(%arg11 : memref<!tpu.dma_semaphore, #tpu.memory_space<semaphore_mem>>)
      %dma_wait3A = arith.constant 0 : i32
      %dma_wait3A_32 = arith.constant 0 : i32
      %dma_wait3A_33 = tpu.memref_slice %arg4[%dma_wait3A, %dma_wait3A_32] : memref<168x64xf32, #tpu.memory_space<vmem>> -> memref<168x64xf32, #tpu.memory_space<vmem>>
      %dma_wait3A_34 = arith.constant 96968 : i32
      %dma_wait3A_35 = arith.constant 0 : i32
      %dma_wait3A_36 = tpu.memref_slice %arg2[%dma_wait3A_34, %dma_wait3A_35] : memref<100000x64xf32, #tpu.memory_space<hbm>> -> memref<168x64xf32, #tpu.memory_space<hbm>>
      %dma_wait3A_37 = arith.constant 0 : i32
      %dma_wait3A_38 = arith.constant 0 : i32
      %dma_wait3A_39 = tpu.memref_slice %arg4[%dma_wait3A_37, %dma_wait3A_38] : memref<168x64xf32, #tpu.memory_space<vmem>> -> memref<168x64xf32, #tpu.memory_space<vmem>>
      %dma_wait3A_40 = arith.constant 96968 : i32
      %dma_wait3A_41 = arith.constant 0 : i32
      %dma_wait3A_42 = tpu.memref_slice %arg2[%dma_wait3A_40, %dma_wait3A_41] : memref<100000x64xf32, #tpu.memory_space<hbm>> -> memref<168x64xf32, #tpu.memory_space<hbm>>
      tpu.wait_dma2 semaphore(%arg10 : memref<!tpu.dma_semaphore, #tpu.memory_space<semaphore_mem>>) src(%dma_wait3A_42 : memref<168x64xf32, #tpu.memory_space<hbm>>) dst(%dma_wait3A_39 : memref<168x64xf32, #tpu.memory_space<vmem>>)
      %dma_start3A_43 = arith.constant 0 : i32
      %dma_start3A_44 = arith.constant 0 : i32
      %dma_start3A_45 = tpu.memref_slice %arg4[%dma_start3A_43, %dma_start3A_44] : memref<168x64xf32, #tpu.memory_space<vmem>> -> memref<168x64xf32, #tpu.memory_space<vmem>>
      %dma_start3A_46 = arith.constant 96968 : i32
      %dma_start3A_47 = arith.constant 0 : i32
      %dma_start3A_48 = tpu.memref_slice %arg3[%dma_start3A_46, %dma_start3A_47] : memref<100000x64xf32, #tpu.memory_space<hbm>> -> memref<168x64xf32, #tpu.memory_space<hbm>>
      %dma_start3A_49 = arith.constant 96968 : i32
      %dma_start3A_50 = arith.constant 0 : i32
      %dma_start3A_51 = tpu.memref_slice %arg3[%dma_start3A_49, %dma_start3A_50] : memref<100000x64xf32, #tpu.memory_space<hbm>> -> memref<168x64xf32, #tpu.memory_space<hbm>>
      %dma_start3A_52 = arith.constant 0 : i32
      %dma_start3A_53 = arith.constant 0 : i32
      %dma_start3A_54 = tpu.memref_slice %arg4[%dma_start3A_52, %dma_start3A_53] : memref<168x64xf32, #tpu.memory_space<vmem>> -> memref<168x64xf32, #tpu.memory_space<vmem>>
      tpu.enqueue_dma source(%dma_start3A_54 : memref<168x64xf32, #tpu.memory_space<vmem>>) target(%dma_start3A_51 : memref<168x64xf32, #tpu.memory_space<hbm>>) target_semaphore(%arg16 : memref<!tpu.dma_semaphore, #tpu.memory_space<semaphore_mem>>)
      %dma_start3A_55 = arith.constant 0 : i32
      %dma_start3A_56 = arith.constant 0 : i32
      %dma_start3A_57 = tpu.memref_slice %arg6[%dma_start3A_55, %dma_start3A_56] : memref<168x64xf32, #tpu.memory_space<vmem>> -> memref<168x64xf32, #tpu.memory_space<vmem>>
      %dma_start3A_58 = arith.constant 97304 : i32
      %dma_start3A_59 = arith.constant 0 : i32
      %dma_start3A_60 = tpu.memref_slice %arg2[%dma_start3A_58, %dma_start3A_59] : memref<100000x64xf32, #tpu.memory_space<hbm>> -> memref<168x64xf32, #tpu.memory_space<hbm>>
      %dma_start3A_61 = arith.constant 0 : i32
      %dma_start3A_62 = arith.constant 0 : i32
      %dma_start3A_63 = tpu.memref_slice %arg6[%dma_start3A_61, %dma_start3A_62] : memref<168x64xf32, #tpu.memory_space<vmem>> -> memref<168x64xf32, #tpu.memory_space<vmem>>
      %dma_start3A_64 = arith.constant 97304 : i32
      %dma_start3A_65 = arith.constant 0 : i32
      %dma_start3A_66 = tpu.memref_slice %arg2[%dma_start3A_64, %dma_start3A_65] : memref<100000x64xf32, #tpu.memory_space<hbm>> -> memref<168x64xf32, #tpu.memory_space<hbm>>
      tpu.enqueue_dma source(%dma_start3A_66 : memref<168x64xf32, #tpu.memory_space<hbm>>) target(%dma_start3A_63 : memref<168x64xf32, #tpu.memory_space<vmem>>) target_semaphore(%arg12 : memref<!tpu.dma_semaphore, #tpu.memory_space<semaphore_mem>>)
      %dma_wait3A_67 = arith.constant 0 : i32
      %dma_wait3A_68 = arith.constant 0 : i32
      %dma_wait3A_69 = tpu.memref_slice %arg5[%dma_wait3A_67, %dma_wait3A_68] : memref<168x64xf32, #tpu.memory_space<vmem>> -> memref<168x64xf32, #tpu.memory_space<vmem>>
      %dma_wait3A_70 = arith.constant 97136 : i32
      %dma_wait3A_71 = arith.constant 0 : i32
      %dma_wait3A_72 = tpu.memref_slice %arg2[%dma_wait3A_70, %dma_wait3A_71] : memref<100000x64xf32, #tpu.memory_space<hbm>> -> memref<168x64xf32, #tpu.memory_space<hbm>>
      %dma_wait3A_73 = arith.constant 0 : i32
      %dma_wait3A_74 = arith.constant 0 : i32
      %dma_wait3A_75 = tpu.memref_slice %arg5[%dma_wait3A_73, %dma_wait3A_74] : memref<168x64xf32, #tpu.memory_space<vmem>> -> memref<168x64xf32, #tpu.memory_space<vmem>>
      %dma_wait3A_76 = arith.constant 97136 : i32
      %dma_wait3A_77 = arith.constant 0 : i32
      %dma_wait3A_78 = tpu.memref_slice %arg2[%dma_wait3A_76, %dma_wait3A_77] : memref<100000x64xf32, #tpu.memory_space<hbm>> -> memref<168x64xf32, #tpu.memory_space<hbm>>
      tpu.wait_dma2 semaphore(%arg11 : memref<!tpu.dma_semaphore, #tpu.memory_space<semaphore_mem>>) src(%dma_wait3A_78 : memref<168x64xf32, #tpu.memory_space<hbm>>) dst(%dma_wait3A_75 : memref<168x64xf32, #tpu.memory_space<vmem>>)
      %dma_start3A_79 = arith.constant 0 : i32
      %dma_start3A_80 = arith.constant 0 : i32
      %dma_start3A_81 = tpu.memref_slice %arg5[%dma_start3A_79, %dma_start3A_80] : memref<168x64xf32, #tpu.memory_space<vmem>> -> memref<168x64xf32, #tpu.memory_space<vmem>>
      %dma_start3A_82 = arith.constant 97136 : i32
      %dma_start3A_83 = arith.constant 0 : i32
      %dma_start3A_84 = tpu.memref_slice %arg3[%dma_start3A_82, %dma_start3A_83] : memref<100000x64xf32, #tpu.memory_space<hbm>> -> memref<168x64xf32, #tpu.memory_space<hbm>>
      %dma_start3A_85 = arith.constant 97136 : i32
      %dma_start3A_86 = arith.constant 0 : i32
      %dma_start3A_87 = tpu.memref_slice %arg3[%dma_start3A_85, %dma_start3A_86] : memref<100000x64xf32, #tpu.memory_space<hbm>> -> memref<168x64xf32, #tpu.memory_space<hbm>>
      %dma_start3A_88 = arith.constant 0 : i32
      %dma_start3A_89 = arith.constant 0 : i32
      %dma_start3A_90 = tpu.memref_slice %arg5[%dma_start3A_88, %dma_start3A_89] : memref<168x64xf32, #tpu.memory_space<vmem>> -> memref<168x64xf32, #tpu.memory_space<vmem>>
      tpu.enqueue_dma source(%dma_start3A_90 : memref<168x64xf32, #tpu.memory_space<vmem>>) target(%dma_start3A_87 : memref<168x64xf32, #tpu.memory_space<hbm>>) target_semaphore(%arg17 : memref<!tpu.dma_semaphore, #tpu.memory_space<semaphore_mem>>)
      %dma_start3A_91 = arith.constant 0 : i32
      %dma_start3A_92 = arith.constant 0 : i32
      %dma_start3A_93 = tpu.memref_slice %arg7[%dma_start3A_91, %dma_start3A_92] : memref<168x64xf32, #tpu.memory_space<vmem>> -> memref<168x64xf32, #tpu.memory_space<vmem>>
      %dma_start3A_94 = arith.constant 97472 : i32
      %dma_start3A_95 = arith.constant 0 : i32
      %dma_start3A_96 = tpu.memref_slice %arg2[%dma_start3A_94, %dma_start3A_95] : memref<100000x64xf32, #tpu.memory_space<hbm>> -> memref<168x64xf32, #tpu.memory_space<hbm>>
      %dma_start3A_97 = arith.constant 0 : i32
      %dma_start3A_98 = arith.constant 0 : i32
      %dma_start3A_99 = tpu.memref_slice %arg7[%dma_start3A_97, %dma_start3A_98] : memref<168x64xf32, #tpu.memory_space<vmem>> -> memref<168x64xf32, #tpu.memory_space<vmem>>
      %dma_start3A_100 = arith.constant 97472 : i32
      %dma_start3A_101 = arith.constant 0 : i32
      %dma_start3A_102 = tpu.memref_slice %arg2[%dma_start3A_100, %dma_start3A_101] : memref<100000x64xf32, #tpu.memory_space<hbm>> -> memref<168x64xf32, #tpu.memory_space<hbm>>
      tpu.enqueue_dma source(%dma_start3A_102 : memref<168x64xf32, #tpu.memory_space<hbm>>) target(%dma_start3A_99 : memref<168x64xf32, #tpu.memory_space<vmem>>) target_semaphore(%arg13 : memref<!tpu.dma_semaphore, #tpu.memory_space<semaphore_mem>>)
      %dma_wait3A_103 = arith.constant 0 : i32
      %dma_wait3A_104 = arith.constant 0 : i32
      %dma_wait3A_105 = tpu.memref_slice %arg6[%dma_wait3A_103, %dma_wait3A_104] : memref<168x64xf32, #tpu.memory_space<vmem>> -> memref<168x64xf32, #tpu.memory_space<vmem>>
      %dma_wait3A_106 = arith.constant 97304 : i32
      %dma_wait3A_107 = arith.constant 0 : i32
      %dma_wait3A_108 = tpu.memref_slice %arg2[%dma_wait3A_106, %dma_wait3A_107] : memref<100000x64xf32, #tpu.memory_space<hbm>> -> memref<168x64xf32, #tpu.memory_space<hbm>>
      %dma_wait3A_109 = arith.constant 0 : i32
      %dma_wait3A_110 = arith.constant 0 : i32
      %dma_wait3A_111 = tpu.memref_slice %arg6[%dma_wait3A_109, %dma_wait3A_110] : memref<168x64xf32, #tpu.memory_space<vmem>> -> memref<168x64xf32, #tpu.memory_space<vmem>>
      %dma_wait3A_112 = arith.constant 97304 : i32
      %dma_wait3A_113 = arith.constant 0 : i32
      %dma_wait3A_114 = tpu.memref_slice %arg2[%dma_wait3A_112, %dma_wait3A_113] : memref<100000x64xf32, #tpu.memory_space<hbm>> -> memref<168x64xf32, #tpu.memory_space<hbm>>
      tpu.wait_dma2 semaphore(%arg12 : memref<!tpu.dma_semaphore, #tpu.memory_space<semaphore_mem>>) src(%dma_wait3A_114 : memref<168x64xf32, #tpu.memory_space<hbm>>) dst(%dma_wait3A_111 : memref<168x64xf32, #tpu.memory_space<vmem>>)
      %dma_start3A_115 = arith.constant 0 : i32
      %dma_start3A_116 = arith.constant 0 : i32
      %dma_start3A_117 = tpu.memref_slice %arg6[%dma_start3A_115, %dma_start3A_116] : memref<168x64xf32, #tpu.memory_space<vmem>> -> memref<168x64xf32, #tpu.memory_space<vmem>>
      %dma_start3A_118 = arith.constant 97304 : i32
      %dma_start3A_119 = arith.constant 0 : i32
      %dma_start3A_120 = tpu.memref_slice %arg3[%dma_start3A_118, %dma_start3A_119] : memref<100000x64xf32, #tpu.memory_space<hbm>> -> memref<168x64xf32, #tpu.memory_space<hbm>>
      %dma_start3A_121 = arith.constant 97304 : i32
      %dma_start3A_122 = arith.constant 0 : i32
      %dma_start3A_123 = tpu.memref_slice %arg3[%dma_start3A_121, %dma_start3A_122] : memref<100000x64xf32, #tpu.memory_space<hbm>> -> memref<168x64xf32, #tpu.memory_space<hbm>>
      %dma_start3A_124 = arith.constant 0 : i32
      %dma_start3A_125 = arith.constant 0 : i32
      %dma_start3A_126 = tpu.memref_slice %arg6[%dma_start3A_124, %dma_start3A_125] : memref<168x64xf32, #tpu.memory_space<vmem>> -> memref<168x64xf32, #tpu.memory_space<vmem>>
      tpu.enqueue_dma source(%dma_start3A_126 : memref<168x64xf32, #tpu.memory_space<vmem>>) target(%dma_start3A_123 : memref<168x64xf32, #tpu.memory_space<hbm>>) target_semaphore(%arg18 : memref<!tpu.dma_semaphore, #tpu.memory_space<semaphore_mem>>)
      %dma_start3A_127 = arith.constant 0 : i32
      %dma_start3A_128 = arith.constant 0 : i32
      %dma_start3A_129 = tpu.memref_slice %arg8[%dma_start3A_127, %dma_start3A_128] : memref<168x64xf32, #tpu.memory_space<vmem>> -> memref<168x64xf32, #tpu.memory_space<vmem>>
      %dma_start3A_130 = arith.constant 97640 : i32
      %dma_start3A_131 = arith.constant 0 : i32
      %dma_start3A_132 = tpu.memref_slice %arg2[%dma_start3A_130, %dma_start3A_131] : memref<100000x64xf32, #tpu.memory_space<hbm>> -> memref<168x64xf32, #tpu.memory_space<hbm>>
      %dma_start3A_133 = arith.constant 0 : i32
      %dma_start3A_134 = arith.constant 0 : i32
      %dma_start3A_135 = tpu.memref_slice %arg8[%dma_start3A_133, %dma_start3A_134] : memref<168x64xf32, #tpu.memory_space<vmem>> -> memref<168x64xf32, #tpu.memory_space<vmem>>
      %dma_start3A_136 = arith.constant 97640 : i32
      %dma_start3A_137 = arith.constant 0 : i32
      %dma_start3A_138 = tpu.memref_slice %arg2[%dma_start3A_136, %dma_start3A_137] : memref<100000x64xf32, #tpu.memory_space<hbm>> -> memref<168x64xf32, #tpu.memory_space<hbm>>
      tpu.enqueue_dma source(%dma_start3A_138 : memref<168x64xf32, #tpu.memory_space<hbm>>) target(%dma_start3A_135 : memref<168x64xf32, #tpu.memory_space<vmem>>) target_semaphore(%arg14 : memref<!tpu.dma_semaphore, #tpu.memory_space<semaphore_mem>>)
      %dma_wait3A_139 = arith.constant 0 : i32
      %dma_wait3A_140 = arith.constant 0 : i32
      %dma_wait3A_141 = tpu.memref_slice %arg7[%dma_wait3A_139, %dma_wait3A_140] : memref<168x64xf32, #tpu.memory_space<vmem>> -> memref<168x64xf32, #tpu.memory_space<vmem>>
      %dma_wait3A_142 = arith.constant 97472 : i32
      %dma_wait3A_143 = arith.constant 0 : i32
      %dma_wait3A_144 = tpu.memref_slice %arg2[%dma_wait3A_142, %dma_wait3A_143] : memref<100000x64xf32, #tpu.memory_space<hbm>> -> memref<168x64xf32, #tpu.memory_space<hbm>>
      %dma_wait3A_145 = arith.constant 0 : i32
      %dma_wait3A_146 = arith.constant 0 : i32
      %dma_wait3A_147 = tpu.memref_slice %arg7[%dma_wait3A_145, %dma_wait3A_146] : memref<168x64xf32, #tpu.memory_space<vmem>> -> memref<168x64xf32, #tpu.memory_space<vmem>>
      %dma_wait3A_148 = arith.constant 97472 : i32
      %dma_wait3A_149 = arith.constant 0 : i32
      %dma_wait3A_150 = tpu.memref_slice %arg2[%dma_wait3A_148, %dma_wait3A_149] : memref<100000x64xf32, #tpu.memory_space<hbm>> -> memref<168x64xf32, #tpu.memory_space<hbm>>
      tpu.wait_dma2 semaphore(%arg13 : memref<!tpu.dma_semaphore, #tpu.memory_space<semaphore_mem>>) src(%dma_wait3A_150 : memref<168x64xf32, #tpu.memory_space<hbm>>) dst(%dma_wait3A_147 : memref<168x64xf32, #tpu.memory_space<vmem>>)
      %dma_start3A_151 = arith.constant 0 : i32
      %dma_start3A_152 = arith.constant 0 : i32
      %dma_start3A_153 = tpu.memref_slice %arg7[%dma_start3A_151, %dma_start3A_152] : memref<168x64xf32, #tpu.memory_space<vmem>> -> memref<168x64xf32, #tpu.memory_space<vmem>>
      %dma_start3A_154 = arith.constant 97472 : i32
      %dma_start3A_155 = arith.constant 0 : i32
      %dma_start3A_156 = tpu.memref_slice %arg3[%dma_start3A_154, %dma_start3A_155] : memref<100000x64xf32, #tpu.memory_space<hbm>> -> memref<168x64xf32, #tpu.memory_space<hbm>>
      %dma_start3A_157 = arith.constant 97472 : i32
      %dma_start3A_158 = arith.constant 0 : i32
      %dma_start3A_159 = tpu.memref_slice %arg3[%dma_start3A_157, %dma_start3A_158] : memref<100000x64xf32, #tpu.memory_space<hbm>> -> memref<168x64xf32, #tpu.memory_space<hbm>>
      %dma_start3A_160 = arith.constant 0 : i32
      %dma_start3A_161 = arith.constant 0 : i32
      %dma_start3A_162 = tpu.memref_slice %arg7[%dma_start3A_160, %dma_start3A_161] : memref<168x64xf32, #tpu.memory_space<vmem>> -> memref<168x64xf32, #tpu.memory_space<vmem>>
      tpu.enqueue_dma source(%dma_start3A_162 : memref<168x64xf32, #tpu.memory_space<vmem>>) target(%dma_start3A_159 : memref<168x64xf32, #tpu.memory_space<hbm>>) target_semaphore(%arg19 : memref<!tpu.dma_semaphore, #tpu.memory_space<semaphore_mem>>)
      %dma_start3A_163 = arith.constant 0 : i32
      %dma_start3A_164 = arith.constant 0 : i32
      %dma_start3A_165 = tpu.memref_slice %arg9[%dma_start3A_163, %dma_start3A_164] : memref<168x64xf32, #tpu.memory_space<vmem>> -> memref<168x64xf32, #tpu.memory_space<vmem>>
      %dma_start3A_166 = arith.constant 97808 : i32
      %dma_start3A_167 = arith.constant 0 : i32
      %dma_start3A_168 = tpu.memref_slice %arg2[%dma_start3A_166, %dma_start3A_167] : memref<100000x64xf32, #tpu.memory_space<hbm>> -> memref<168x64xf32, #tpu.memory_space<hbm>>
      %dma_start3A_169 = arith.constant 0 : i32
      %dma_start3A_170 = arith.constant 0 : i32
      %dma_start3A_171 = tpu.memref_slice %arg9[%dma_start3A_169, %dma_start3A_170] : memref<168x64xf32, #tpu.memory_space<vmem>> -> memref<168x64xf32, #tpu.memory_space<vmem>>
      %dma_start3A_172 = arith.constant 97808 : i32
      %dma_start3A_173 = arith.constant 0 : i32
      %dma_start3A_174 = tpu.memref_slice %arg2[%dma_start3A_172, %dma_start3A_173] : memref<100000x64xf32, #tpu.memory_space<hbm>> -> memref<168x64xf32, #tpu.memory_space<hbm>>
      tpu.enqueue_dma source(%dma_start3A_174 : memref<168x64xf32, #tpu.memory_space<hbm>>) target(%dma_start3A_171 : memref<168x64xf32, #tpu.memory_space<vmem>>) target_semaphore(%arg15 : memref<!tpu.dma_semaphore, #tpu.memory_space<semaphore_mem>>)
      %dma_wait3A_175 = arith.constant 0 : i32
      %dma_wait3A_176 = arith.constant 0 : i32
      %dma_wait3A_177 = tpu.memref_slice %arg8[%dma_wait3A_175, %dma_wait3A_176] : memref<168x64xf32, #tpu.memory_space<vmem>> -> memref<168x64xf32, #tpu.memory_space<vmem>>
      %dma_wait3A_178 = arith.constant 97640 : i32
      %dma_wait3A_179 = arith.constant 0 : i32
      %dma_wait3A_180 = tpu.memref_slice %arg2[%dma_wait3A_178, %dma_wait3A_179] : memref<100000x64xf32, #tpu.memory_space<hbm>> -> memref<168x64xf32, #tpu.memory_space<hbm>>
      %dma_wait3A_181 = arith.constant 0 : i32
      %dma_wait3A_182 = arith.constant 0 : i32
      %dma_wait3A_183 = tpu.memref_slice %arg8[%dma_wait3A_181, %dma_wait3A_182] : memref<168x64xf32, #tpu.memory_space<vmem>> -> memref<168x64xf32, #tpu.memory_space<vmem>>
      %dma_wait3A_184 = arith.constant 97640 : i32
      %dma_wait3A_185 = arith.constant 0 : i32
      %dma_wait3A_186 = tpu.memref_slice %arg2[%dma_wait3A_184, %dma_wait3A_185] : memref<100000x64xf32, #tpu.memory_space<hbm>> -> memref<168x64xf32, #tpu.memory_space<hbm>>
      tpu.wait_dma2 semaphore(%arg14 : memref<!tpu.dma_semaphore, #tpu.memory_space<semaphore_mem>>) src(%dma_wait3A_186 : memref<168x64xf32, #tpu.memory_space<hbm>>) dst(%dma_wait3A_183 : memref<168x64xf32, #tpu.memory_space<vmem>>)
      %dma_start3A_187 = arith.constant 0 : i32
      %dma_start3A_188 = arith.constant 0 : i32
      %dma_start3A_189 = tpu.memref_slice %arg8[%dma_start3A_187, %dma_start3A_188] : memref<168x64xf32, #tpu.memory_space<vmem>> -> memref<168x64xf32, #tpu.memory_space<vmem>>
      %dma_start3A_190 = arith.constant 97640 : i32
      %dma_start3A_191 = arith.constant 0 : i32
      %dma_start3A_192 = tpu.memref_slice %arg3[%dma_start3A_190, %dma_start3A_191] : memref<100000x64xf32, #tpu.memory_space<hbm>> -> memref<168x64xf32, #tpu.memory_space<hbm>>
      %dma_start3A_193 = arith.constant 97640 : i32
      %dma_start3A_194 = arith.constant 0 : i32
      %dma_start3A_195 = tpu.memref_slice %arg3[%dma_start3A_193, %dma_start3A_194] : memref<100000x64xf32, #tpu.memory_space<hbm>> -> memref<168x64xf32, #tpu.memory_space<hbm>>
      %dma_start3A_196 = arith.constant 0 : i32
      %dma_start3A_197 = arith.constant 0 : i32
      %dma_start3A_198 = tpu.memref_slice %arg8[%dma_start3A_196, %dma_start3A_197] : memref<168x64xf32, #tpu.memory_space<vmem>> -> memref<168x64xf32, #tpu.memory_space<vmem>>
      tpu.enqueue_dma source(%dma_start3A_198 : memref<168x64xf32, #tpu.memory_space<vmem>>) target(%dma_start3A_195 : memref<168x64xf32, #tpu.memory_space<hbm>>) target_semaphore(%arg20 : memref<!tpu.dma_semaphore, #tpu.memory_space<semaphore_mem>>)
      %dma_wait3A_199 = arith.constant 0 : i32
      %dma_wait3A_200 = arith.constant 0 : i32
      %dma_wait3A_201 = tpu.memref_slice %arg4[%dma_wait3A_199, %dma_wait3A_200] : memref<168x64xf32, #tpu.memory_space<vmem>> -> memref<168x64xf32, #tpu.memory_space<vmem>>
      %dma_wait3A_202 = arith.constant 96968 : i32
      %dma_wait3A_203 = arith.constant 0 : i32
      %dma_wait3A_204 = tpu.memref_slice %arg3[%dma_wait3A_202, %dma_wait3A_203] : memref<100000x64xf32, #tpu.memory_space<hbm>> -> memref<168x64xf32, #tpu.memory_space<hbm>>
      %dma_wait3A_205 = arith.constant 96968 : i32
      %dma_wait3A_206 = arith.constant 0 : i32
      %dma_wait3A_207 = tpu.memref_slice %arg3[%dma_wait3A_205, %dma_wait3A_206] : memref<100000x64xf32, #tpu.memory_space<hbm>> -> memref<168x64xf32, #tpu.memory_space<hbm>>
      %dma_wait3A_208 = arith.constant 0 : i32
      %dma_wait3A_209 = arith.constant 0 : i32
      %dma_wait3A_210 = tpu.memref_slice %arg4[%dma_wait3A_208, %dma_wait3A_209] : memref<168x64xf32, #tpu.memory_space<vmem>> -> memref<168x64xf32, #tpu.memory_space<vmem>>
      tpu.wait_dma2 semaphore(%arg16 : memref<!tpu.dma_semaphore, #tpu.memory_space<semaphore_mem>>) src(%dma_wait3A_210 : memref<168x64xf32, #tpu.memory_space<vmem>>) dst(%dma_wait3A_207 : memref<168x64xf32, #tpu.memory_space<hbm>>)
      %dma_start3A_211 = arith.constant 0 : i32
      %dma_start3A_212 = arith.constant 0 : i32
      %dma_start3A_213 = tpu.memref_slice %arg4[%dma_start3A_211, %dma_start3A_212] : memref<168x64xf32, #tpu.memory_space<vmem>> -> memref<168x64xf32, #tpu.memory_space<vmem>>
      %dma_start3A_214 = arith.constant 97976 : i32
      %dma_start3A_215 = arith.constant 0 : i32
      %dma_start3A_216 = tpu.memref_slice %arg2[%dma_start3A_214, %dma_start3A_215] : memref<100000x64xf32, #tpu.memory_space<hbm>> -> memref<168x64xf32, #tpu.memory_space<hbm>>
      %dma_start3A_217 = arith.constant 0 : i32
      %dma_start3A_218 = arith.constant 0 : i32
      %dma_start3A_219 = tpu.memref_slice %arg4[%dma_start3A_217, %dma_start3A_218] : memref<168x64xf32, #tpu.memory_space<vmem>> -> memref<168x64xf32, #tpu.memory_space<vmem>>
      %dma_start3A_220 = arith.constant 97976 : i32
      %dma_start3A_221 = arith.constant 0 : i32
      %dma_start3A_222 = tpu.memref_slice %arg2[%dma_start3A_220, %dma_start3A_221] : memref<100000x64xf32, #tpu.memory_space<hbm>> -> memref<168x64xf32, #tpu.memory_space<hbm>>
      tpu.enqueue_dma source(%dma_start3A_222 : memref<168x64xf32, #tpu.memory_space<hbm>>) target(%dma_start3A_219 : memref<168x64xf32, #tpu.memory_space<vmem>>) target_semaphore(%arg10 : memref<!tpu.dma_semaphore, #tpu.memory_space<semaphore_mem>>)
      %dma_wait3A_223 = arith.constant 0 : i32
      %dma_wait3A_224 = arith.constant 0 : i32
      %dma_wait3A_225 = tpu.memref_slice %arg9[%dma_wait3A_223, %dma_wait3A_224] : memref<168x64xf32, #tpu.memory_space<vmem>> -> memref<168x64xf32, #tpu.memory_space<vmem>>
      %dma_wait3A_226 = arith.constant 97808 : i32
      %dma_wait3A_227 = arith.constant 0 : i32
      %dma_wait3A_228 = tpu.memref_slice %arg2[%dma_wait3A_226, %dma_wait3A_227] : memref<100000x64xf32, #tpu.memory_space<hbm>> -> memref<168x64xf32, #tpu.memory_space<hbm>>
      %dma_wait3A_229 = arith.constant 0 : i32
      %dma_wait3A_230 = arith.constant 0 : i32
      %dma_wait3A_231 = tpu.memref_slice %arg9[%dma_wait3A_229, %dma_wait3A_230] : memref<168x64xf32, #tpu.memory_space<vmem>> -> memref<168x64xf32, #tpu.memory_space<vmem>>
      %dma_wait3A_232 = arith.constant 97808 : i32
      %dma_wait3A_233 = arith.constant 0 : i32
      %dma_wait3A_234 = tpu.memref_slice %arg2[%dma_wait3A_232, %dma_wait3A_233] : memref<100000x64xf32, #tpu.memory_space<hbm>> -> memref<168x64xf32, #tpu.memory_space<hbm>>
      tpu.wait_dma2 semaphore(%arg15 : memref<!tpu.dma_semaphore, #tpu.memory_space<semaphore_mem>>) src(%dma_wait3A_234 : memref<168x64xf32, #tpu.memory_space<hbm>>) dst(%dma_wait3A_231 : memref<168x64xf32, #tpu.memory_space<vmem>>)
      %dma_start3A_235 = arith.constant 0 : i32
      %dma_start3A_236 = arith.constant 0 : i32
      %dma_start3A_237 = tpu.memref_slice %arg9[%dma_start3A_235, %dma_start3A_236] : memref<168x64xf32, #tpu.memory_space<vmem>> -> memref<168x64xf32, #tpu.memory_space<vmem>>
      %dma_start3A_238 = arith.constant 97808 : i32
      %dma_start3A_239 = arith.constant 0 : i32
      %dma_start3A_240 = tpu.memref_slice %arg3[%dma_start3A_238, %dma_start3A_239] : memref<100000x64xf32, #tpu.memory_space<hbm>> -> memref<168x64xf32, #tpu.memory_space<hbm>>
      %dma_start3A_241 = arith.constant 97808 : i32
      %dma_start3A_242 = arith.constant 0 : i32
      %dma_start3A_243 = tpu.memref_slice %arg3[%dma_start3A_241, %dma_start3A_242] : memref<100000x64xf32, #tpu.memory_space<hbm>> -> memref<168x64xf32, #tpu.memory_space<hbm>>
      %dma_start3A_244 = arith.constant 0 : i32
      %dma_start3A_245 = arith.constant 0 : i32
      %dma_start3A_246 = tpu.memref_slice %arg9[%dma_start3A_244, %dma_start3A_245] : memref<168x64xf32, #tpu.memory_space<vmem>> -> memref<168x64xf32, #tpu.memory_space<vmem>>
      tpu.enqueue_dma source(%dma_start3A_246 : memref<168x64xf32, #tpu.memory_space<vmem>>) target(%dma_start3A_243 : memref<168x64xf32, #tpu.memory_space<hbm>>) target_semaphore(%arg21 : memref<!tpu.dma_semaphore, #tpu.memory_space<semaphore_mem>>)
      %dma_wait3A_247 = arith.constant 0 : i32
      %dma_wait3A_248 = arith.constant 0 : i32
      %dma_wait3A_249 = tpu.memref_slice %arg5[%dma_wait3A_247, %dma_wait3A_248] : memref<168x64xf32, #tpu.memory_space<vmem>> -> memref<168x64xf32, #tpu.memory_space<vmem>>
      %dma_wait3A_250 = arith.constant 97136 : i32
      %dma_wait3A_251 = arith.constant 0 : i32
      %dma_wait3A_252 = tpu.memref_slice %arg3[%dma_wait3A_250, %dma_wait3A_251] : memref<100000x64xf32, #tpu.memory_space<hbm>> -> memref<168x64xf32, #tpu.memory_space<hbm>>
      %dma_wait3A_253 = arith.constant 97136 : i32
      %dma_wait3A_254 = arith.constant 0 : i32
      %dma_wait3A_255 = tpu.memref_slice %arg3[%dma_wait3A_253, %dma_wait3A_254] : memref<100000x64xf32, #tpu.memory_space<hbm>> -> memref<168x64xf32, #tpu.memory_space<hbm>>
      %dma_wait3A_256 = arith.constant 0 : i32
      %dma_wait3A_257 = arith.constant 0 : i32
      %dma_wait3A_258 = tpu.memref_slice %arg5[%dma_wait3A_256, %dma_wait3A_257] : memref<168x64xf32, #tpu.memory_space<vmem>> -> memref<168x64xf32, #tpu.memory_space<vmem>>
      tpu.wait_dma2 semaphore(%arg17 : memref<!tpu.dma_semaphore, #tpu.memory_space<semaphore_mem>>) src(%dma_wait3A_258 : memref<168x64xf32, #tpu.memory_space<vmem>>) dst(%dma_wait3A_255 : memref<168x64xf32, #tpu.memory_space<hbm>>)
      %dma_start3A_259 = arith.constant 0 : i32
      %dma_start3A_260 = arith.constant 0 : i32
      %dma_start3A_261 = tpu.memref_slice %arg5[%dma_start3A_259, %dma_start3A_260] : memref<168x64xf32, #tpu.memory_space<vmem>> -> memref<168x64xf32, #tpu.memory_space<vmem>>
      %dma_start3A_262 = arith.constant 98144 : i32
      %dma_start3A_263 = arith.constant 0 : i32
      %dma_start3A_264 = tpu.memref_slice %arg2[%dma_start3A_262, %dma_start3A_263] : memref<100000x64xf32, #tpu.memory_space<hbm>> -> memref<168x64xf32, #tpu.memory_space<hbm>>
      %dma_start3A_265 = arith.constant 0 : i32
      %dma_start3A_266 = arith.constant 0 : i32
      %dma_start3A_267 = tpu.memref_slice %arg5[%dma_start3A_265, %dma_start3A_266] : memref<168x64xf32, #tpu.memory_space<vmem>> -> memref<168x64xf32, #tpu.memory_space<vmem>>
      %dma_start3A_268 = arith.constant 98144 : i32
      %dma_start3A_269 = arith.constant 0 : i32
      %dma_start3A_270 = tpu.memref_slice %arg2[%dma_start3A_268, %dma_start3A_269] : memref<100000x64xf32, #tpu.memory_space<hbm>> -> memref<168x64xf32, #tpu.memory_space<hbm>>
      tpu.enqueue_dma source(%dma_start3A_270 : memref<168x64xf32, #tpu.memory_space<hbm>>) target(%dma_start3A_267 : memref<168x64xf32, #tpu.memory_space<vmem>>) target_semaphore(%arg11 : memref<!tpu.dma_semaphore, #tpu.memory_space<semaphore_mem>>)
      %dma_wait3A_271 = arith.constant 0 : i32
      %dma_wait3A_272 = arith.constant 0 : i32
      %dma_wait3A_273 = tpu.memref_slice %arg4[%dma_wait3A_271, %dma_wait3A_272] : memref<168x64xf32, #tpu.memory_space<vmem>> -> memref<168x64xf32, #tpu.memory_space<vmem>>
      %dma_wait3A_274 = arith.constant 97976 : i32
      %dma_wait3A_275 = arith.constant 0 : i32
      %dma_wait3A_276 = tpu.memref_slice %arg2[%dma_wait3A_274, %dma_wait3A_275] : memref<100000x64xf32, #tpu.memory_space<hbm>> -> memref<168x64xf32, #tpu.memory_space<hbm>>
      %dma_wait3A_277 = arith.constant 0 : i32
      %dma_wait3A_278 = arith.constant 0 : i32
      %dma_wait3A_279 = tpu.memref_slice %arg4[%dma_wait3A_277, %dma_wait3A_278] : memref<168x64xf32, #tpu.memory_space<vmem>> -> memref<168x64xf32, #tpu.memory_space<vmem>>
      %dma_wait3A_280 = arith.constant 97976 : i32
      %dma_wait3A_281 = arith.constant 0 : i32
      %dma_wait3A_282 = tpu.memref_slice %arg2[%dma_wait3A_280, %dma_wait3A_281] : memref<100000x64xf32, #tpu.memory_space<hbm>> -> memref<168x64xf32, #tpu.memory_space<hbm>>
      tpu.wait_dma2 semaphore(%arg10 : memref<!tpu.dma_semaphore, #tpu.memory_space<semaphore_mem>>) src(%dma_wait3A_282 : memref<168x64xf32, #tpu.memory_space<hbm>>) dst(%dma_wait3A_279 : memref<168x64xf32, #tpu.memory_space<vmem>>)
      %dma_start3A_283 = arith.constant 0 : i32
      %dma_start3A_284 = arith.constant 0 : i32
      %dma_start3A_285 = tpu.memref_slice %arg4[%dma_start3A_283, %dma_start3A_284] : memref<168x64xf32, #tpu.memory_space<vmem>> -> memref<168x64xf32, #tpu.memory_space<vmem>>
      %dma_start3A_286 = arith.constant 97976 : i32
      %dma_start3A_287 = arith.constant 0 : i32
      %dma_start3A_288 = tpu.memref_slice %arg3[%dma_start3A_286, %dma_start3A_287] : memref<100000x64xf32, #tpu.memory_space<hbm>> -> memref<168x64xf32, #tpu.memory_space<hbm>>
      %dma_start3A_289 = arith.constant 97976 : i32
      %dma_start3A_290 = arith.constant 0 : i32
      %dma_start3A_291 = tpu.memref_slice %arg3[%dma_start3A_289, %dma_start3A_290] : memref<100000x64xf32, #tpu.memory_space<hbm>> -> memref<168x64xf32, #tpu.memory_space<hbm>>
      %dma_start3A_292 = arith.constant 0 : i32
      %dma_start3A_293 = arith.constant 0 : i32
      %dma_start3A_294 = tpu.memref_slice %arg4[%dma_start3A_292, %dma_start3A_293] : memref<168x64xf32, #tpu.memory_space<vmem>> -> memref<168x64xf32, #tpu.memory_space<vmem>>
      tpu.enqueue_dma source(%dma_start3A_294 : memref<168x64xf32, #tpu.memory_space<vmem>>) target(%dma_start3A_291 : memref<168x64xf32, #tpu.memory_space<hbm>>) target_semaphore(%arg16 : memref<!tpu.dma_semaphore, #tpu.memory_space<semaphore_mem>>)
      %dma_wait3A_295 = arith.constant 0 : i32
      %dma_wait3A_296 = arith.constant 0 : i32
      %dma_wait3A_297 = tpu.memref_slice %arg6[%dma_wait3A_295, %dma_wait3A_296] : memref<168x64xf32, #tpu.memory_space<vmem>> -> memref<168x64xf32, #tpu.memory_space<vmem>>
      %dma_wait3A_298 = arith.constant 97304 : i32
      %dma_wait3A_299 = arith.constant 0 : i32
      %dma_wait3A_300 = tpu.memref_slice %arg3[%dma_wait3A_298, %dma_wait3A_299] : memref<100000x64xf32, #tpu.memory_space<hbm>> -> memref<168x64xf32, #tpu.memory_space<hbm>>
      %dma_wait3A_301 = arith.constant 97304 : i32
      %dma_wait3A_302 = arith.constant 0 : i32
      %dma_wait3A_303 = tpu.memref_slice %arg3[%dma_wait3A_301, %dma_wait3A_302] : memref<100000x64xf32, #tpu.memory_space<hbm>> -> memref<168x64xf32, #tpu.memory_space<hbm>>
      %dma_wait3A_304 = arith.constant 0 : i32
      %dma_wait3A_305 = arith.constant 0 : i32
      %dma_wait3A_306 = tpu.memref_slice %arg6[%dma_wait3A_304, %dma_wait3A_305] : memref<168x64xf32, #tpu.memory_space<vmem>> -> memref<168x64xf32, #tpu.memory_space<vmem>>
      tpu.wait_dma2 semaphore(%arg18 : memref<!tpu.dma_semaphore, #tpu.memory_space<semaphore_mem>>) src(%dma_wait3A_306 : memref<168x64xf32, #tpu.memory_space<vmem>>) dst(%dma_wait3A_303 : memref<168x64xf32, #tpu.memory_space<hbm>>)
      %dma_start3A_307 = arith.constant 0 : i32
      %dma_start3A_308 = arith.constant 0 : i32
      %dma_start3A_309 = tpu.memref_slice %arg6[%dma_start3A_307, %dma_start3A_308] : memref<168x64xf32, #tpu.memory_space<vmem>> -> memref<168x64xf32, #tpu.memory_space<vmem>>
      %dma_start3A_310 = arith.constant 98312 : i32
      %dma_start3A_311 = arith.constant 0 : i32
      %dma_start3A_312 = tpu.memref_slice %arg2[%dma_start3A_310, %dma_start3A_311] : memref<100000x64xf32, #tpu.memory_space<hbm>> -> memref<168x64xf32, #tpu.memory_space<hbm>>
      %dma_start3A_313 = arith.constant 0 : i32
      %dma_start3A_314 = arith.constant 0 : i32
      %dma_start3A_315 = tpu.memref_slice %arg6[%dma_start3A_313, %dma_start3A_314] : memref<168x64xf32, #tpu.memory_space<vmem>> -> memref<168x64xf32, #tpu.memory_space<vmem>>
      %dma_start3A_316 = arith.constant 98312 : i32
      %dma_start3A_317 = arith.constant 0 : i32
      %dma_start3A_318 = tpu.memref_slice %arg2[%dma_start3A_316, %dma_start3A_317] : memref<100000x64xf32, #tpu.memory_space<hbm>> -> memref<168x64xf32, #tpu.memory_space<hbm>>
      tpu.enqueue_dma source(%dma_start3A_318 : memref<168x64xf32, #tpu.memory_space<hbm>>) target(%dma_start3A_315 : memref<168x64xf32, #tpu.memory_space<vmem>>) target_semaphore(%arg12 : memref<!tpu.dma_semaphore, #tpu.memory_space<semaphore_mem>>)
      %dma_wait3A_319 = arith.constant 0 : i32
      %dma_wait3A_320 = arith.constant 0 : i32
      %dma_wait3A_321 = tpu.memref_slice %arg5[%dma_wait3A_319, %dma_wait3A_320] : memref<168x64xf32, #tpu.memory_space<vmem>> -> memref<168x64xf32, #tpu.memory_space<vmem>>
      %dma_wait3A_322 = arith.constant 98144 : i32
      %dma_wait3A_323 = arith.constant 0 : i32
      %dma_wait3A_324 = tpu.memref_slice %arg2[%dma_wait3A_322, %dma_wait3A_323] : memref<100000x64xf32, #tpu.memory_space<hbm>> -> memref<168x64xf32, #tpu.memory_space<hbm>>
      %dma_wait3A_325 = arith.constant 0 : i32
      %dma_wait3A_326 = arith.constant 0 : i32
      %dma_wait3A_327 = tpu.memref_slice %arg5[%dma_wait3A_325, %dma_wait3A_326] : memref<168x64xf32, #tpu.memory_space<vmem>> -> memref<168x64xf32, #tpu.memory_space<vmem>>
      %dma_wait3A_328 = arith.constant 98144 : i32
      %dma_wait3A_329 = arith.constant 0 : i32
      %dma_wait3A_330 = tpu.memref_slice %arg2[%dma_wait3A_328, %dma_wait3A_329] : memref<100000x64xf32, #tpu.memory_space<hbm>> -> memref<168x64xf32, #tpu.memory_space<hbm>>
      tpu.wait_dma2 semaphore(%arg11 : memref<!tpu.dma_semaphore, #tpu.memory_space<semaphore_mem>>) src(%dma_wait3A_330 : memref<168x64xf32, #tpu.memory_space<hbm>>) dst(%dma_wait3A_327 : memref<168x64xf32, #tpu.memory_space<vmem>>)
      %dma_start3A_331 = arith.constant 0 : i32
      %dma_start3A_332 = arith.constant 0 : i32
      %dma_start3A_333 = tpu.memref_slice %arg5[%dma_start3A_331, %dma_start3A_332] : memref<168x64xf32, #tpu.memory_space<vmem>> -> memref<168x64xf32, #tpu.memory_space<vmem>>
      %dma_start3A_334 = arith.constant 98144 : i32
      %dma_start3A_335 = arith.constant 0 : i32
      %dma_start3A_336 = tpu.memref_slice %arg3[%dma_start3A_334, %dma_start3A_335] : memref<100000x64xf32, #tpu.memory_space<hbm>> -> memref<168x64xf32, #tpu.memory_space<hbm>>
      %dma_start3A_337 = arith.constant 98144 : i32
      %dma_start3A_338 = arith.constant 0 : i32
      %dma_start3A_339 = tpu.memref_slice %arg3[%dma_start3A_337, %dma_start3A_338] : memref<100000x64xf32, #tpu.memory_space<hbm>> -> memref<168x64xf32, #tpu.memory_space<hbm>>
      %dma_start3A_340 = arith.constant 0 : i32
      %dma_start3A_341 = arith.constant 0 : i32
      %dma_start3A_342 = tpu.memref_slice %arg5[%dma_start3A_340, %dma_start3A_341] : memref<168x64xf32, #tpu.memory_space<vmem>> -> memref<168x64xf32, #tpu.memory_space<vmem>>
      tpu.enqueue_dma source(%dma_start3A_342 : memref<168x64xf32, #tpu.memory_space<vmem>>) target(%dma_start3A_339 : memref<168x64xf32, #tpu.memory_space<hbm>>) target_semaphore(%arg17 : memref<!tpu.dma_semaphore, #tpu.memory_space<semaphore_mem>>)
      %dma_wait3A_343 = arith.constant 0 : i32
      %dma_wait3A_344 = arith.constant 0 : i32
      %dma_wait3A_345 = tpu.memref_slice %arg7[%dma_wait3A_343, %dma_wait3A_344] : memref<168x64xf32, #tpu.memory_space<vmem>> -> memref<168x64xf32, #tpu.memory_space<vmem>>
      %dma_wait3A_346 = arith.constant 97472 : i32
      %dma_wait3A_347 = arith.constant 0 : i32
      %dma_wait3A_348 = tpu.memref_slice %arg3[%dma_wait3A_346, %dma_wait3A_347] : memref<100000x64xf32, #tpu.memory_space<hbm>> -> memref<168x64xf32, #tpu.memory_space<hbm>>
      %dma_wait3A_349 = arith.constant 97472 : i32
      %dma_wait3A_350 = arith.constant 0 : i32
      %dma_wait3A_351 = tpu.memref_slice %arg3[%dma_wait3A_349, %dma_wait3A_350] : memref<100000x64xf32, #tpu.memory_space<hbm>> -> memref<168x64xf32, #tpu.memory_space<hbm>>
      %dma_wait3A_352 = arith.constant 0 : i32
      %dma_wait3A_353 = arith.constant 0 : i32
      %dma_wait3A_354 = tpu.memref_slice %arg7[%dma_wait3A_352, %dma_wait3A_353] : memref<168x64xf32, #tpu.memory_space<vmem>> -> memref<168x64xf32, #tpu.memory_space<vmem>>
      tpu.wait_dma2 semaphore(%arg19 : memref<!tpu.dma_semaphore, #tpu.memory_space<semaphore_mem>>) src(%dma_wait3A_354 : memref<168x64xf32, #tpu.memory_space<vmem>>) dst(%dma_wait3A_351 : memref<168x64xf32, #tpu.memory_space<hbm>>)
      %dma_start3A_355 = arith.constant 0 : i32
      %dma_start3A_356 = arith.constant 0 : i32
      %dma_start3A_357 = tpu.memref_slice %arg7[%dma_start3A_355, %dma_start3A_356] : memref<168x64xf32, #tpu.memory_space<vmem>> -> memref<168x64xf32, #tpu.memory_space<vmem>>
      %dma_start3A_358 = arith.constant 98480 : i32
      %dma_start3A_359 = arith.constant 0 : i32
      %dma_start3A_360 = tpu.memref_slice %arg2[%dma_start3A_358, %dma_start3A_359] : memref<100000x64xf32, #tpu.memory_space<hbm>> -> memref<168x64xf32, #tpu.memory_space<hbm>>
      %dma_start3A_361 = arith.constant 0 : i32
      %dma_start3A_362 = arith.constant 0 : i32
      %dma_start3A_363 = tpu.memref_slice %arg7[%dma_start3A_361, %dma_start3A_362] : memref<168x64xf32, #tpu.memory_space<vmem>> -> memref<168x64xf32, #tpu.memory_space<vmem>>
      %dma_start3A_364 = arith.constant 98480 : i32
      %dma_start3A_365 = arith.constant 0 : i32
      %dma_start3A_366 = tpu.memref_slice %arg2[%dma_start3A_364, %dma_start3A_365] : memref<100000x64xf32, #tpu.memory_space<hbm>> -> memref<168x64xf32, #tpu.memory_space<hbm>>
      tpu.enqueue_dma source(%dma_start3A_366 : memref<168x64xf32, #tpu.memory_space<hbm>>) target(%dma_start3A_363 : memref<168x64xf32, #tpu.memory_space<vmem>>) target_semaphore(%arg13 : memref<!tpu.dma_semaphore, #tpu.memory_space<semaphore_mem>>)
      %dma_wait3A_367 = arith.constant 0 : i32
      %dma_wait3A_368 = arith.constant 0 : i32
      %dma_wait3A_369 = tpu.memref_slice %arg6[%dma_wait3A_367, %dma_wait3A_368] : memref<168x64xf32, #tpu.memory_space<vmem>> -> memref<168x64xf32, #tpu.memory_space<vmem>>
      %dma_wait3A_370 = arith.constant 98312 : i32
      %dma_wait3A_371 = arith.constant 0 : i32
      %dma_wait3A_372 = tpu.memref_slice %arg2[%dma_wait3A_370, %dma_wait3A_371] : memref<100000x64xf32, #tpu.memory_space<hbm>> -> memref<168x64xf32, #tpu.memory_space<hbm>>
      %dma_wait3A_373 = arith.constant 0 : i32
      %dma_wait3A_374 = arith.constant 0 : i32
      %dma_wait3A_375 = tpu.memref_slice %arg6[%dma_wait3A_373, %dma_wait3A_374] : memref<168x64xf32, #tpu.memory_space<vmem>> -> memref<168x64xf32, #tpu.memory_space<vmem>>
      %dma_wait3A_376 = arith.constant 98312 : i32
      %dma_wait3A_377 = arith.constant 0 : i32
      %dma_wait3A_378 = tpu.memref_slice %arg2[%dma_wait3A_376, %dma_wait3A_377] : memref<100000x64xf32, #tpu.memory_space<hbm>> -> memref<168x64xf32, #tpu.memory_space<hbm>>
      tpu.wait_dma2 semaphore(%arg12 : memref<!tpu.dma_semaphore, #tpu.memory_space<semaphore_mem>>) src(%dma_wait3A_378 : memref<168x64xf32, #tpu.memory_space<hbm>>) dst(%dma_wait3A_375 : memref<168x64xf32, #tpu.memory_space<vmem>>)
      %dma_start3A_379 = arith.constant 0 : i32
      %dma_start3A_380 = arith.constant 0 : i32
      %dma_start3A_381 = tpu.memref_slice %arg6[%dma_start3A_379, %dma_start3A_380] : memref<168x64xf32, #tpu.memory_space<vmem>> -> memref<168x64xf32, #tpu.memory_space<vmem>>
      %dma_start3A_382 = arith.constant 98312 : i32
      %dma_start3A_383 = arith.constant 0 : i32
      %dma_start3A_384 = tpu.memref_slice %arg3[%dma_start3A_382, %dma_start3A_383] : memref<100000x64xf32, #tpu.memory_space<hbm>> -> memref<168x64xf32, #tpu.memory_space<hbm>>
      %dma_start3A_385 = arith.constant 98312 : i32
      %dma_start3A_386 = arith.constant 0 : i32
      %dma_start3A_387 = tpu.memref_slice %arg3[%dma_start3A_385, %dma_start3A_386] : memref<100000x64xf32, #tpu.memory_space<hbm>> -> memref<168x64xf32, #tpu.memory_space<hbm>>
      %dma_start3A_388 = arith.constant 0 : i32
      %dma_start3A_389 = arith.constant 0 : i32
      %dma_start3A_390 = tpu.memref_slice %arg6[%dma_start3A_388, %dma_start3A_389] : memref<168x64xf32, #tpu.memory_space<vmem>> -> memref<168x64xf32, #tpu.memory_space<vmem>>
      tpu.enqueue_dma source(%dma_start3A_390 : memref<168x64xf32, #tpu.memory_space<vmem>>) target(%dma_start3A_387 : memref<168x64xf32, #tpu.memory_space<hbm>>) target_semaphore(%arg18 : memref<!tpu.dma_semaphore, #tpu.memory_space<semaphore_mem>>)
      %dma_wait3A_391 = arith.constant 0 : i32
      %dma_wait3A_392 = arith.constant 0 : i32
      %dma_wait3A_393 = tpu.memref_slice %arg8[%dma_wait3A_391, %dma_wait3A_392] : memref<168x64xf32, #tpu.memory_space<vmem>> -> memref<168x64xf32, #tpu.memory_space<vmem>>
      %dma_wait3A_394 = arith.constant 97640 : i32
      %dma_wait3A_395 = arith.constant 0 : i32
      %dma_wait3A_396 = tpu.memref_slice %arg3[%dma_wait3A_394, %dma_wait3A_395] : memref<100000x64xf32, #tpu.memory_space<hbm>> -> memref<168x64xf32, #tpu.memory_space<hbm>>
      %dma_wait3A_397 = arith.constant 97640 : i32
      %dma_wait3A_398 = arith.constant 0 : i32
      %dma_wait3A_399 = tpu.memref_slice %arg3[%dma_wait3A_397, %dma_wait3A_398] : memref<100000x64xf32, #tpu.memory_space<hbm>> -> memref<168x64xf32, #tpu.memory_space<hbm>>
      %dma_wait3A_400 = arith.constant 0 : i32
      %dma_wait3A_401 = arith.constant 0 : i32
      %dma_wait3A_402 = tpu.memref_slice %arg8[%dma_wait3A_400, %dma_wait3A_401] : memref<168x64xf32, #tpu.memory_space<vmem>> -> memref<168x64xf32, #tpu.memory_space<vmem>>
      tpu.wait_dma2 semaphore(%arg20 : memref<!tpu.dma_semaphore, #tpu.memory_space<semaphore_mem>>) src(%dma_wait3A_402 : memref<168x64xf32, #tpu.memory_space<vmem>>) dst(%dma_wait3A_399 : memref<168x64xf32, #tpu.memory_space<hbm>>)
      %dma_start3A_403 = arith.constant 0 : i32
      %dma_start3A_404 = arith.constant 0 : i32
      %dma_start3A_405 = tpu.memref_slice %arg8[%dma_start3A_403, %dma_start3A_404] : memref<168x64xf32, #tpu.memory_space<vmem>> -> memref<168x64xf32, #tpu.memory_space<vmem>>
      %dma_start3A_406 = arith.constant 98648 : i32
      %dma_start3A_407 = arith.constant 0 : i32
      %dma_start3A_408 = tpu.memref_slice %arg2[%dma_start3A_406, %dma_start3A_407] : memref<100000x64xf32, #tpu.memory_space<hbm>> -> memref<168x64xf32, #tpu.memory_space<hbm>>
      %dma_start3A_409 = arith.constant 0 : i32
      %dma_start3A_410 = arith.constant 0 : i32
      %dma_start3A_411 = tpu.memref_slice %arg8[%dma_start3A_409, %dma_start3A_410] : memref<168x64xf32, #tpu.memory_space<vmem>> -> memref<168x64xf32, #tpu.memory_space<vmem>>
      %dma_start3A_412 = arith.constant 98648 : i32
      %dma_start3A_413 = arith.constant 0 : i32
      %dma_start3A_414 = tpu.memref_slice %arg2[%dma_start3A_412, %dma_start3A_413] : memref<100000x64xf32, #tpu.memory_space<hbm>> -> memref<168x64xf32, #tpu.memory_space<hbm>>
      tpu.enqueue_dma source(%dma_start3A_414 : memref<168x64xf32, #tpu.memory_space<hbm>>) target(%dma_start3A_411 : memref<168x64xf32, #tpu.memory_space<vmem>>) target_semaphore(%arg14 : memref<!tpu.dma_semaphore, #tpu.memory_space<semaphore_mem>>)
      %dma_wait3A_415 = arith.constant 0 : i32
      %dma_wait3A_416 = arith.constant 0 : i32
      %dma_wait3A_417 = tpu.memref_slice %arg7[%dma_wait3A_415, %dma_wait3A_416] : memref<168x64xf32, #tpu.memory_space<vmem>> -> memref<168x64xf32, #tpu.memory_space<vmem>>
      %dma_wait3A_418 = arith.constant 98480 : i32
      %dma_wait3A_419 = arith.constant 0 : i32
      %dma_wait3A_420 = tpu.memref_slice %arg2[%dma_wait3A_418, %dma_wait3A_419] : memref<100000x64xf32, #tpu.memory_space<hbm>> -> memref<168x64xf32, #tpu.memory_space<hbm>>
      %dma_wait3A_421 = arith.constant 0 : i32
      %dma_wait3A_422 = arith.constant 0 : i32
      %dma_wait3A_423 = tpu.memref_slice %arg7[%dma_wait3A_421, %dma_wait3A_422] : memref<168x64xf32, #tpu.memory_space<vmem>> -> memref<168x64xf32, #tpu.memory_space<vmem>>
      %dma_wait3A_424 = arith.constant 98480 : i32
      %dma_wait3A_425 = arith.constant 0 : i32
      %dma_wait3A_426 = tpu.memref_slice %arg2[%dma_wait3A_424, %dma_wait3A_425] : memref<100000x64xf32, #tpu.memory_space<hbm>> -> memref<168x64xf32, #tpu.memory_space<hbm>>
      tpu.wait_dma2 semaphore(%arg13 : memref<!tpu.dma_semaphore, #tpu.memory_space<semaphore_mem>>) src(%dma_wait3A_426 : memref<168x64xf32, #tpu.memory_space<hbm>>) dst(%dma_wait3A_423 : memref<168x64xf32, #tpu.memory_space<vmem>>)
      %dma_start3A_427 = arith.constant 0 : i32
      %dma_start3A_428 = arith.constant 0 : i32
      %dma_start3A_429 = tpu.memref_slice %arg7[%dma_start3A_427, %dma_start3A_428] : memref<168x64xf32, #tpu.memory_space<vmem>> -> memref<168x64xf32, #tpu.memory_space<vmem>>
      %dma_start3A_430 = arith.constant 98480 : i32
      %dma_start3A_431 = arith.constant 0 : i32
      %dma_start3A_432 = tpu.memref_slice %arg3[%dma_start3A_430, %dma_start3A_431] : memref<100000x64xf32, #tpu.memory_space<hbm>> -> memref<168x64xf32, #tpu.memory_space<hbm>>
      %dma_start3A_433 = arith.constant 98480 : i32
      %dma_start3A_434 = arith.constant 0 : i32
      %dma_start3A_435 = tpu.memref_slice %arg3[%dma_start3A_433, %dma_start3A_434] : memref<100000x64xf32, #tpu.memory_space<hbm>> -> memref<168x64xf32, #tpu.memory_space<hbm>>
      %dma_start3A_436 = arith.constant 0 : i32
      %dma_start3A_437 = arith.constant 0 : i32
      %dma_start3A_438 = tpu.memref_slice %arg7[%dma_start3A_436, %dma_start3A_437] : memref<168x64xf32, #tpu.memory_space<vmem>> -> memref<168x64xf32, #tpu.memory_space<vmem>>
      tpu.enqueue_dma source(%dma_start3A_438 : memref<168x64xf32, #tpu.memory_space<vmem>>) target(%dma_start3A_435 : memref<168x64xf32, #tpu.memory_space<hbm>>) target_semaphore(%arg19 : memref<!tpu.dma_semaphore, #tpu.memory_space<semaphore_mem>>)
      %dma_wait3A_439 = arith.constant 0 : i32
      %dma_wait3A_440 = arith.constant 0 : i32
      %dma_wait3A_441 = tpu.memref_slice %arg9[%dma_wait3A_439, %dma_wait3A_440] : memref<168x64xf32, #tpu.memory_space<vmem>> -> memref<168x64xf32, #tpu.memory_space<vmem>>
      %dma_wait3A_442 = arith.constant 97808 : i32
      %dma_wait3A_443 = arith.constant 0 : i32
      %dma_wait3A_444 = tpu.memref_slice %arg3[%dma_wait3A_442, %dma_wait3A_443] : memref<100000x64xf32, #tpu.memory_space<hbm>> -> memref<168x64xf32, #tpu.memory_space<hbm>>
      %dma_wait3A_445 = arith.constant 97808 : i32
      %dma_wait3A_446 = arith.constant 0 : i32
      %dma_wait3A_447 = tpu.memref_slice %arg3[%dma_wait3A_445, %dma_wait3A_446] : memref<100000x64xf32, #tpu.memory_space<hbm>> -> memref<168x64xf32, #tpu.memory_space<hbm>>
      %dma_wait3A_448 = arith.constant 0 : i32
      %dma_wait3A_449 = arith.constant 0 : i32
      %dma_wait3A_450 = tpu.memref_slice %arg9[%dma_wait3A_448, %dma_wait3A_449] : memref<168x64xf32, #tpu.memory_space<vmem>> -> memref<168x64xf32, #tpu.memory_space<vmem>>
      tpu.wait_dma2 semaphore(%arg21 : memref<!tpu.dma_semaphore, #tpu.memory_space<semaphore_mem>>) src(%dma_wait3A_450 : memref<168x64xf32, #tpu.memory_space<vmem>>) dst(%dma_wait3A_447 : memref<168x64xf32, #tpu.memory_space<hbm>>)
      %dma_start3A_451 = arith.constant 0 : i32
      %dma_start3A_452 = arith.constant 0 : i32
      %dma_start3A_453 = tpu.memref_slice %arg9[%dma_start3A_451, %dma_start3A_452] : memref<168x64xf32, #tpu.memory_space<vmem>> -> memref<168x64xf32, #tpu.memory_space<vmem>>
      %dma_start3A_454 = arith.constant 98816 : i32
      %dma_start3A_455 = arith.constant 0 : i32
      %dma_start3A_456 = tpu.memref_slice %arg2[%dma_start3A_454, %dma_start3A_455] : memref<100000x64xf32, #tpu.memory_space<hbm>> -> memref<168x64xf32, #tpu.memory_space<hbm>>
      %dma_start3A_457 = arith.constant 0 : i32
      %dma_start3A_458 = arith.constant 0 : i32
      %dma_start3A_459 = tpu.memref_slice %arg9[%dma_start3A_457, %dma_start3A_458] : memref<168x64xf32, #tpu.memory_space<vmem>> -> memref<168x64xf32, #tpu.memory_space<vmem>>
      %dma_start3A_460 = arith.constant 98816 : i32
      %dma_start3A_461 = arith.constant 0 : i32
      %dma_start3A_462 = tpu.memref_slice %arg2[%dma_start3A_460, %dma_start3A_461] : memref<100000x64xf32, #tpu.memory_space<hbm>> -> memref<168x64xf32, #tpu.memory_space<hbm>>
      tpu.enqueue_dma source(%dma_start3A_462 : memref<168x64xf32, #tpu.memory_space<hbm>>) target(%dma_start3A_459 : memref<168x64xf32, #tpu.memory_space<vmem>>) target_semaphore(%arg15 : memref<!tpu.dma_semaphore, #tpu.memory_space<semaphore_mem>>)
      %dma_wait3A_463 = arith.constant 0 : i32
      %dma_wait3A_464 = arith.constant 0 : i32
      %dma_wait3A_465 = tpu.memref_slice %arg8[%dma_wait3A_463, %dma_wait3A_464] : memref<168x64xf32, #tpu.memory_space<vmem>> -> memref<168x64xf32, #tpu.memory_space<vmem>>
      %dma_wait3A_466 = arith.constant 98648 : i32
      %dma_wait3A_467 = arith.constant 0 : i32
      %dma_wait3A_468 = tpu.memref_slice %arg2[%dma_wait3A_466, %dma_wait3A_467] : memref<100000x64xf32, #tpu.memory_space<hbm>> -> memref<168x64xf32, #tpu.memory_space<hbm>>
      %dma_wait3A_469 = arith.constant 0 : i32
      %dma_wait3A_470 = arith.constant 0 : i32
      %dma_wait3A_471 = tpu.memref_slice %arg8[%dma_wait3A_469, %dma_wait3A_470] : memref<168x64xf32, #tpu.memory_space<vmem>> -> memref<168x64xf32, #tpu.memory_space<vmem>>
      %dma_wait3A_472 = arith.constant 98648 : i32
      %dma_wait3A_473 = arith.constant 0 : i32
      %dma_wait3A_474 = tpu.memref_slice %arg2[%dma_wait3A_472, %dma_wait3A_473] : memref<100000x64xf32, #tpu.memory_space<hbm>> -> memref<168x64xf32, #tpu.memory_space<hbm>>
      tpu.wait_dma2 semaphore(%arg14 : memref<!tpu.dma_semaphore, #tpu.memory_space<semaphore_mem>>) src(%dma_wait3A_474 : memref<168x64xf32, #tpu.memory_space<hbm>>) dst(%dma_wait3A_471 : memref<168x64xf32, #tpu.memory_space<vmem>>)
      %dma_start3A_475 = arith.constant 0 : i32
      %dma_start3A_476 = arith.constant 0 : i32
      %dma_start3A_477 = tpu.memref_slice %arg8[%dma_start3A_475, %dma_start3A_476] : memref<168x64xf32, #tpu.memory_space<vmem>> -> memref<168x64xf32, #tpu.memory_space<vmem>>
      %dma_start3A_478 = arith.constant 98648 : i32
      %dma_start3A_479 = arith.constant 0 : i32
      %dma_start3A_480 = tpu.memref_slice %arg3[%dma_start3A_478, %dma_start3A_479] : memref<100000x64xf32, #tpu.memory_space<hbm>> -> memref<168x64xf32, #tpu.memory_space<hbm>>
      %dma_start3A_481 = arith.constant 98648 : i32
      %dma_start3A_482 = arith.constant 0 : i32
      %dma_start3A_483 = tpu.memref_slice %arg3[%dma_start3A_481, %dma_start3A_482] : memref<100000x64xf32, #tpu.memory_space<hbm>> -> memref<168x64xf32, #tpu.memory_space<hbm>>
      %dma_start3A_484 = arith.constant 0 : i32
      %dma_start3A_485 = arith.constant 0 : i32
      %dma_start3A_486 = tpu.memref_slice %arg8[%dma_start3A_484, %dma_start3A_485] : memref<168x64xf32, #tpu.memory_space<vmem>> -> memref<168x64xf32, #tpu.memory_space<vmem>>
      tpu.enqueue_dma source(%dma_start3A_486 : memref<168x64xf32, #tpu.memory_space<vmem>>) target(%dma_start3A_483 : memref<168x64xf32, #tpu.memory_space<hbm>>) target_semaphore(%arg20 : memref<!tpu.dma_semaphore, #tpu.memory_space<semaphore_mem>>)
      %dma_wait3A_487 = arith.constant 0 : i32
      %dma_wait3A_488 = arith.constant 0 : i32
      %dma_wait3A_489 = tpu.memref_slice %arg4[%dma_wait3A_487, %dma_wait3A_488] : memref<168x64xf32, #tpu.memory_space<vmem>> -> memref<168x64xf32, #tpu.memory_space<vmem>>
      %dma_wait3A_490 = arith.constant 97976 : i32
      %dma_wait3A_491 = arith.constant 0 : i32
      %dma_wait3A_492 = tpu.memref_slice %arg3[%dma_wait3A_490, %dma_wait3A_491] : memref<100000x64xf32, #tpu.memory_space<hbm>> -> memref<168x64xf32, #tpu.memory_space<hbm>>
      %dma_wait3A_493 = arith.constant 97976 : i32
      %dma_wait3A_494 = arith.constant 0 : i32
      %dma_wait3A_495 = tpu.memref_slice %arg3[%dma_wait3A_493, %dma_wait3A_494] : memref<100000x64xf32, #tpu.memory_space<hbm>> -> memref<168x64xf32, #tpu.memory_space<hbm>>
      %dma_wait3A_496 = arith.constant 0 : i32
      %dma_wait3A_497 = arith.constant 0 : i32
      %dma_wait3A_498 = tpu.memref_slice %arg4[%dma_wait3A_496, %dma_wait3A_497] : memref<168x64xf32, #tpu.memory_space<vmem>> -> memref<168x64xf32, #tpu.memory_space<vmem>>
      tpu.wait_dma2 semaphore(%arg16 : memref<!tpu.dma_semaphore, #tpu.memory_space<semaphore_mem>>) src(%dma_wait3A_498 : memref<168x64xf32, #tpu.memory_space<vmem>>) dst(%dma_wait3A_495 : memref<168x64xf32, #tpu.memory_space<hbm>>)
      %dma_start3A_499 = arith.constant 0 : i32
      %dma_start3A_500 = arith.constant 0 : i32
      %dma_start3A_501 = tpu.memref_slice %arg4[%dma_start3A_499, %dma_start3A_500] : memref<168x64xf32, #tpu.memory_space<vmem>> -> memref<168x64xf32, #tpu.memory_space<vmem>>
      %dma_start3A_502 = arith.constant 98984 : i32
      %dma_start3A_503 = arith.constant 0 : i32
      %dma_start3A_504 = tpu.memref_slice %arg2[%dma_start3A_502, %dma_start3A_503] : memref<100000x64xf32, #tpu.memory_space<hbm>> -> memref<168x64xf32, #tpu.memory_space<hbm>>
      %dma_start3A_505 = arith.constant 0 : i32
      %dma_start3A_506 = arith.constant 0 : i32
      %dma_start3A_507 = tpu.memref_slice %arg4[%dma_start3A_505, %dma_start3A_506] : memref<168x64xf32, #tpu.memory_space<vmem>> -> memref<168x64xf32, #tpu.memory_space<vmem>>
      %dma_start3A_508 = arith.constant 98984 : i32
      %dma_start3A_509 = arith.constant 0 : i32
      %dma_start3A_510 = tpu.memref_slice %arg2[%dma_start3A_508, %dma_start3A_509] : memref<100000x64xf32, #tpu.memory_space<hbm>> -> memref<168x64xf32, #tpu.memory_space<hbm>>
      tpu.enqueue_dma source(%dma_start3A_510 : memref<168x64xf32, #tpu.memory_space<hbm>>) target(%dma_start3A_507 : memref<168x64xf32, #tpu.memory_space<vmem>>) target_semaphore(%arg10 : memref<!tpu.dma_semaphore, #tpu.memory_space<semaphore_mem>>)
      %dma_wait3A_511 = arith.constant 0 : i32
      %dma_wait3A_512 = arith.constant 0 : i32
      %dma_wait3A_513 = tpu.memref_slice %arg9[%dma_wait3A_511, %dma_wait3A_512] : memref<168x64xf32, #tpu.memory_space<vmem>> -> memref<168x64xf32, #tpu.memory_space<vmem>>
      %dma_wait3A_514 = arith.constant 98816 : i32
      %dma_wait3A_515 = arith.constant 0 : i32
      %dma_wait3A_516 = tpu.memref_slice %arg2[%dma_wait3A_514, %dma_wait3A_515] : memref<100000x64xf32, #tpu.memory_space<hbm>> -> memref<168x64xf32, #tpu.memory_space<hbm>>
      %dma_wait3A_517 = arith.constant 0 : i32
      %dma_wait3A_518 = arith.constant 0 : i32
      %dma_wait3A_519 = tpu.memref_slice %arg9[%dma_wait3A_517, %dma_wait3A_518] : memref<168x64xf32, #tpu.memory_space<vmem>> -> memref<168x64xf32, #tpu.memory_space<vmem>>
      %dma_wait3A_520 = arith.constant 98816 : i32
      %dma_wait3A_521 = arith.constant 0 : i32
      %dma_wait3A_522 = tpu.memref_slice %arg2[%dma_wait3A_520, %dma_wait3A_521] : memref<100000x64xf32, #tpu.memory_space<hbm>> -> memref<168x64xf32, #tpu.memory_space<hbm>>
      tpu.wait_dma2 semaphore(%arg15 : memref<!tpu.dma_semaphore, #tpu.memory_space<semaphore_mem>>) src(%dma_wait3A_522 : memref<168x64xf32, #tpu.memory_space<hbm>>) dst(%dma_wait3A_519 : memref<168x64xf32, #tpu.memory_space<vmem>>)
      %dma_start3A_523 = arith.constant 0 : i32
      %dma_start3A_524 = arith.constant 0 : i32
      %dma_start3A_525 = tpu.memref_slice %arg9[%dma_start3A_523, %dma_start3A_524] : memref<168x64xf32, #tpu.memory_space<vmem>> -> memref<168x64xf32, #tpu.memory_space<vmem>>
      %dma_start3A_526 = arith.constant 98816 : i32
      %dma_start3A_527 = arith.constant 0 : i32
      %dma_start3A_528 = tpu.memref_slice %arg3[%dma_start3A_526, %dma_start3A_527] : memref<100000x64xf32, #tpu.memory_space<hbm>> -> memref<168x64xf32, #tpu.memory_space<hbm>>
      %dma_start3A_529 = arith.constant 98816 : i32
      %dma_start3A_530 = arith.constant 0 : i32
      %dma_start3A_531 = tpu.memref_slice %arg3[%dma_start3A_529, %dma_start3A_530] : memref<100000x64xf32, #tpu.memory_space<hbm>> -> memref<168x64xf32, #tpu.memory_space<hbm>>
      %dma_start3A_532 = arith.constant 0 : i32
      %dma_start3A_533 = arith.constant 0 : i32
      %dma_start3A_534 = tpu.memref_slice %arg9[%dma_start3A_532, %dma_start3A_533] : memref<168x64xf32, #tpu.memory_space<vmem>> -> memref<168x64xf32, #tpu.memory_space<vmem>>
      tpu.enqueue_dma source(%dma_start3A_534 : memref<168x64xf32, #tpu.memory_space<vmem>>) target(%dma_start3A_531 : memref<168x64xf32, #tpu.memory_space<hbm>>) target_semaphore(%arg21 : memref<!tpu.dma_semaphore, #tpu.memory_space<semaphore_mem>>)
      %dma_wait3A_535 = arith.constant 0 : i32
      %dma_wait3A_536 = arith.constant 0 : i32
      %dma_wait3A_537 = tpu.memref_slice %arg5[%dma_wait3A_535, %dma_wait3A_536] : memref<168x64xf32, #tpu.memory_space<vmem>> -> memref<168x64xf32, #tpu.memory_space<vmem>>
      %dma_wait3A_538 = arith.constant 98144 : i32
      %dma_wait3A_539 = arith.constant 0 : i32
      %dma_wait3A_540 = tpu.memref_slice %arg3[%dma_wait3A_538, %dma_wait3A_539] : memref<100000x64xf32, #tpu.memory_space<hbm>> -> memref<168x64xf32, #tpu.memory_space<hbm>>
      %dma_wait3A_541 = arith.constant 98144 : i32
      %dma_wait3A_542 = arith.constant 0 : i32
      %dma_wait3A_543 = tpu.memref_slice %arg3[%dma_wait3A_541, %dma_wait3A_542] : memref<100000x64xf32, #tpu.memory_space<hbm>> -> memref<168x64xf32, #tpu.memory_space<hbm>>
      %dma_wait3A_544 = arith.constant 0 : i32
      %dma_wait3A_545 = arith.constant 0 : i32
      %dma_wait3A_546 = tpu.memref_slice %arg5[%dma_wait3A_544, %dma_wait3A_545] : memref<168x64xf32, #tpu.memory_space<vmem>> -> memref<168x64xf32, #tpu.memory_space<vmem>>
      tpu.wait_dma2 semaphore(%arg17 : memref<!tpu.dma_semaphore, #tpu.memory_space<semaphore_mem>>) src(%dma_wait3A_546 : memref<168x64xf32, #tpu.memory_space<vmem>>) dst(%dma_wait3A_543 : memref<168x64xf32, #tpu.memory_space<hbm>>)
      %dma_start3A_547 = arith.constant 0 : i32
      %dma_start3A_548 = arith.constant 0 : i32
      %dma_start3A_549 = tpu.memref_slice %arg5[%dma_start3A_547, %dma_start3A_548] : memref<168x64xf32, #tpu.memory_space<vmem>> -> memref<168x64xf32, #tpu.memory_space<vmem>>
      %dma_start3A_550 = arith.constant 99152 : i32
      %dma_start3A_551 = arith.constant 0 : i32
      %dma_start3A_552 = tpu.memref_slice %arg2[%dma_start3A_550, %dma_start3A_551] : memref<100000x64xf32, #tpu.memory_space<hbm>> -> memref<168x64xf32, #tpu.memory_space<hbm>>
      %dma_start3A_553 = arith.constant 0 : i32
      %dma_start3A_554 = arith.constant 0 : i32
      %dma_start3A_555 = tpu.memref_slice %arg5[%dma_start3A_553, %dma_start3A_554] : memref<168x64xf32, #tpu.memory_space<vmem>> -> memref<168x64xf32, #tpu.memory_space<vmem>>
      %dma_start3A_556 = arith.constant 99152 : i32
      %dma_start3A_557 = arith.constant 0 : i32
      %dma_start3A_558 = tpu.memref_slice %arg2[%dma_start3A_556, %dma_start3A_557] : memref<100000x64xf32, #tpu.memory_space<hbm>> -> memref<168x64xf32, #tpu.memory_space<hbm>>
      tpu.enqueue_dma source(%dma_start3A_558 : memref<168x64xf32, #tpu.memory_space<hbm>>) target(%dma_start3A_555 : memref<168x64xf32, #tpu.memory_space<vmem>>) target_semaphore(%arg11 : memref<!tpu.dma_semaphore, #tpu.memory_space<semaphore_mem>>)
      %dma_wait3A_559 = arith.constant 0 : i32
      %dma_wait3A_560 = arith.constant 0 : i32
      %dma_wait3A_561 = tpu.memref_slice %arg4[%dma_wait3A_559, %dma_wait3A_560] : memref<168x64xf32, #tpu.memory_space<vmem>> -> memref<168x64xf32, #tpu.memory_space<vmem>>
      %dma_wait3A_562 = arith.constant 98984 : i32
      %dma_wait3A_563 = arith.constant 0 : i32
      %dma_wait3A_564 = tpu.memref_slice %arg2[%dma_wait3A_562, %dma_wait3A_563] : memref<100000x64xf32, #tpu.memory_space<hbm>> -> memref<168x64xf32, #tpu.memory_space<hbm>>
      %dma_wait3A_565 = arith.constant 0 : i32
      %dma_wait3A_566 = arith.constant 0 : i32
      %dma_wait3A_567 = tpu.memref_slice %arg4[%dma_wait3A_565, %dma_wait3A_566] : memref<168x64xf32, #tpu.memory_space<vmem>> -> memref<168x64xf32, #tpu.memory_space<vmem>>
      %dma_wait3A_568 = arith.constant 98984 : i32
      %dma_wait3A_569 = arith.constant 0 : i32
      %dma_wait3A_570 = tpu.memref_slice %arg2[%dma_wait3A_568, %dma_wait3A_569] : memref<100000x64xf32, #tpu.memory_space<hbm>> -> memref<168x64xf32, #tpu.memory_space<hbm>>
      tpu.wait_dma2 semaphore(%arg10 : memref<!tpu.dma_semaphore, #tpu.memory_space<semaphore_mem>>) src(%dma_wait3A_570 : memref<168x64xf32, #tpu.memory_space<hbm>>) dst(%dma_wait3A_567 : memref<168x64xf32, #tpu.memory_space<vmem>>)
      %dma_start3A_571 = arith.constant 0 : i32
      %dma_start3A_572 = arith.constant 0 : i32
      %dma_start3A_573 = tpu.memref_slice %arg4[%dma_start3A_571, %dma_start3A_572] : memref<168x64xf32, #tpu.memory_space<vmem>> -> memref<168x64xf32, #tpu.memory_space<vmem>>
      %dma_start3A_574 = arith.constant 98984 : i32
      %dma_start3A_575 = arith.constant 0 : i32
      %dma_start3A_576 = tpu.memref_slice %arg3[%dma_start3A_574, %dma_start3A_575] : memref<100000x64xf32, #tpu.memory_space<hbm>> -> memref<168x64xf32, #tpu.memory_space<hbm>>
      %dma_start3A_577 = arith.constant 98984 : i32
      %dma_start3A_578 = arith.constant 0 : i32
      %dma_start3A_579 = tpu.memref_slice %arg3[%dma_start3A_577, %dma_start3A_578] : memref<100000x64xf32, #tpu.memory_space<hbm>> -> memref<168x64xf32, #tpu.memory_space<hbm>>
      %dma_start3A_580 = arith.constant 0 : i32
      %dma_start3A_581 = arith.constant 0 : i32
      %dma_start3A_582 = tpu.memref_slice %arg4[%dma_start3A_580, %dma_start3A_581] : memref<168x64xf32, #tpu.memory_space<vmem>> -> memref<168x64xf32, #tpu.memory_space<vmem>>
      tpu.enqueue_dma source(%dma_start3A_582 : memref<168x64xf32, #tpu.memory_space<vmem>>) target(%dma_start3A_579 : memref<168x64xf32, #tpu.memory_space<hbm>>) target_semaphore(%arg16 : memref<!tpu.dma_semaphore, #tpu.memory_space<semaphore_mem>>)
      %dma_wait3A_583 = arith.constant 0 : i32
      %dma_wait3A_584 = arith.constant 0 : i32
      %dma_wait3A_585 = tpu.memref_slice %arg6[%dma_wait3A_583, %dma_wait3A_584] : memref<168x64xf32, #tpu.memory_space<vmem>> -> memref<168x64xf32, #tpu.memory_space<vmem>>
      %dma_wait3A_586 = arith.constant 98312 : i32
      %dma_wait3A_587 = arith.constant 0 : i32
      %dma_wait3A_588 = tpu.memref_slice %arg3[%dma_wait3A_586, %dma_wait3A_587] : memref<100000x64xf32, #tpu.memory_space<hbm>> -> memref<168x64xf32, #tpu.memory_space<hbm>>
      %dma_wait3A_589 = arith.constant 98312 : i32
      %dma_wait3A_590 = arith.constant 0 : i32
      %dma_wait3A_591 = tpu.memref_slice %arg3[%dma_wait3A_589, %dma_wait3A_590] : memref<100000x64xf32, #tpu.memory_space<hbm>> -> memref<168x64xf32, #tpu.memory_space<hbm>>
      %dma_wait3A_592 = arith.constant 0 : i32
      %dma_wait3A_593 = arith.constant 0 : i32
      %dma_wait3A_594 = tpu.memref_slice %arg6[%dma_wait3A_592, %dma_wait3A_593] : memref<168x64xf32, #tpu.memory_space<vmem>> -> memref<168x64xf32, #tpu.memory_space<vmem>>
      tpu.wait_dma2 semaphore(%arg18 : memref<!tpu.dma_semaphore, #tpu.memory_space<semaphore_mem>>) src(%dma_wait3A_594 : memref<168x64xf32, #tpu.memory_space<vmem>>) dst(%dma_wait3A_591 : memref<168x64xf32, #tpu.memory_space<hbm>>)
      %dma_start3A_595 = arith.constant 0 : i32
      %dma_start3A_596 = arith.constant 0 : i32
      %dma_start3A_597 = tpu.memref_slice %arg6[%dma_start3A_595, %dma_start3A_596] : memref<168x64xf32, #tpu.memory_space<vmem>> -> memref<168x64xf32, #tpu.memory_space<vmem>>
      %dma_start3A_598 = arith.constant 99320 : i32
      %dma_start3A_599 = arith.constant 0 : i32
      %dma_start3A_600 = tpu.memref_slice %arg2[%dma_start3A_598, %dma_start3A_599] : memref<100000x64xf32, #tpu.memory_space<hbm>> -> memref<168x64xf32, #tpu.memory_space<hbm>>
      %dma_start3A_601 = arith.constant 0 : i32
      %dma_start3A_602 = arith.constant 0 : i32
      %dma_start3A_603 = tpu.memref_slice %arg6[%dma_start3A_601, %dma_start3A_602] : memref<168x64xf32, #tpu.memory_space<vmem>> -> memref<168x64xf32, #tpu.memory_space<vmem>>
      %dma_start3A_604 = arith.constant 99320 : i32
      %dma_start3A_605 = arith.constant 0 : i32
      %dma_start3A_606 = tpu.memref_slice %arg2[%dma_start3A_604, %dma_start3A_605] : memref<100000x64xf32, #tpu.memory_space<hbm>> -> memref<168x64xf32, #tpu.memory_space<hbm>>
      tpu.enqueue_dma source(%dma_start3A_606 : memref<168x64xf32, #tpu.memory_space<hbm>>) target(%dma_start3A_603 : memref<168x64xf32, #tpu.memory_space<vmem>>) target_semaphore(%arg12 : memref<!tpu.dma_semaphore, #tpu.memory_space<semaphore_mem>>)
      %dma_wait3A_607 = arith.constant 0 : i32
      %dma_wait3A_608 = arith.constant 0 : i32
      %dma_wait3A_609 = tpu.memref_slice %arg5[%dma_wait3A_607, %dma_wait3A_608] : memref<168x64xf32, #tpu.memory_space<vmem>> -> memref<168x64xf32, #tpu.memory_space<vmem>>
      %dma_wait3A_610 = arith.constant 99152 : i32
      %dma_wait3A_611 = arith.constant 0 : i32
      %dma_wait3A_612 = tpu.memref_slice %arg2[%dma_wait3A_610, %dma_wait3A_611] : memref<100000x64xf32, #tpu.memory_space<hbm>> -> memref<168x64xf32, #tpu.memory_space<hbm>>
      %dma_wait3A_613 = arith.constant 0 : i32
      %dma_wait3A_614 = arith.constant 0 : i32
      %dma_wait3A_615 = tpu.memref_slice %arg5[%dma_wait3A_613, %dma_wait3A_614] : memref<168x64xf32, #tpu.memory_space<vmem>> -> memref<168x64xf32, #tpu.memory_space<vmem>>
      %dma_wait3A_616 = arith.constant 99152 : i32
      %dma_wait3A_617 = arith.constant 0 : i32
      %dma_wait3A_618 = tpu.memref_slice %arg2[%dma_wait3A_616, %dma_wait3A_617] : memref<100000x64xf32, #tpu.memory_space<hbm>> -> memref<168x64xf32, #tpu.memory_space<hbm>>
      tpu.wait_dma2 semaphore(%arg11 : memref<!tpu.dma_semaphore, #tpu.memory_space<semaphore_mem>>) src(%dma_wait3A_618 : memref<168x64xf32, #tpu.memory_space<hbm>>) dst(%dma_wait3A_615 : memref<168x64xf32, #tpu.memory_space<vmem>>)
      %dma_start3A_619 = arith.constant 0 : i32
      %dma_start3A_620 = arith.constant 0 : i32
      %dma_start3A_621 = tpu.memref_slice %arg5[%dma_start3A_619, %dma_start3A_620] : memref<168x64xf32, #tpu.memory_space<vmem>> -> memref<168x64xf32, #tpu.memory_space<vmem>>
      %dma_start3A_622 = arith.constant 99152 : i32
      %dma_start3A_623 = arith.constant 0 : i32
      %dma_start3A_624 = tpu.memref_slice %arg3[%dma_start3A_622, %dma_start3A_623] : memref<100000x64xf32, #tpu.memory_space<hbm>> -> memref<168x64xf32, #tpu.memory_space<hbm>>
      %dma_start3A_625 = arith.constant 99152 : i32
      %dma_start3A_626 = arith.constant 0 : i32
      %dma_start3A_627 = tpu.memref_slice %arg3[%dma_start3A_625, %dma_start3A_626] : memref<100000x64xf32, #tpu.memory_space<hbm>> -> memref<168x64xf32, #tpu.memory_space<hbm>>
      %dma_start3A_628 = arith.constant 0 : i32
      %dma_start3A_629 = arith.constant 0 : i32
      %dma_start3A_630 = tpu.memref_slice %arg5[%dma_start3A_628, %dma_start3A_629] : memref<168x64xf32, #tpu.memory_space<vmem>> -> memref<168x64xf32, #tpu.memory_space<vmem>>
      tpu.enqueue_dma source(%dma_start3A_630 : memref<168x64xf32, #tpu.memory_space<vmem>>) target(%dma_start3A_627 : memref<168x64xf32, #tpu.memory_space<hbm>>) target_semaphore(%arg17 : memref<!tpu.dma_semaphore, #tpu.memory_space<semaphore_mem>>)
      %dma_wait3A_631 = arith.constant 0 : i32
      %dma_wait3A_632 = arith.constant 0 : i32
      %dma_wait3A_633 = tpu.memref_slice %arg7[%dma_wait3A_631, %dma_wait3A_632] : memref<168x64xf32, #tpu.memory_space<vmem>> -> memref<168x64xf32, #tpu.memory_space<vmem>>
      %dma_wait3A_634 = arith.constant 98480 : i32
      %dma_wait3A_635 = arith.constant 0 : i32
      %dma_wait3A_636 = tpu.memref_slice %arg3[%dma_wait3A_634, %dma_wait3A_635] : memref<100000x64xf32, #tpu.memory_space<hbm>> -> memref<168x64xf32, #tpu.memory_space<hbm>>
      %dma_wait3A_637 = arith.constant 98480 : i32
      %dma_wait3A_638 = arith.constant 0 : i32
      %dma_wait3A_639 = tpu.memref_slice %arg3[%dma_wait3A_637, %dma_wait3A_638] : memref<100000x64xf32, #tpu.memory_space<hbm>> -> memref<168x64xf32, #tpu.memory_space<hbm>>
      %dma_wait3A_640 = arith.constant 0 : i32
      %dma_wait3A_641 = arith.constant 0 : i32
      %dma_wait3A_642 = tpu.memref_slice %arg7[%dma_wait3A_640, %dma_wait3A_641] : memref<168x64xf32, #tpu.memory_space<vmem>> -> memref<168x64xf32, #tpu.memory_space<vmem>>
      tpu.wait_dma2 semaphore(%arg19 : memref<!tpu.dma_semaphore, #tpu.memory_space<semaphore_mem>>) src(%dma_wait3A_642 : memref<168x64xf32, #tpu.memory_space<vmem>>) dst(%dma_wait3A_639 : memref<168x64xf32, #tpu.memory_space<hbm>>)
      %dma_start3A_643 = arith.constant 0 : i32
      %dma_start3A_644 = arith.constant 0 : i32
      %dma_start3A_645 = tpu.memref_slice %arg7[%dma_start3A_643, %dma_start3A_644] : memref<168x64xf32, #tpu.memory_space<vmem>> -> memref<168x64xf32, #tpu.memory_space<vmem>>
      %dma_start3A_646 = arith.constant 99488 : i32
      %dma_start3A_647 = arith.constant 0 : i32
      %dma_start3A_648 = tpu.memref_slice %arg2[%dma_start3A_646, %dma_start3A_647] : memref<100000x64xf32, #tpu.memory_space<hbm>> -> memref<168x64xf32, #tpu.memory_space<hbm>>
      %dma_start3A_649 = arith.constant 0 : i32
      %dma_start3A_650 = arith.constant 0 : i32
      %dma_start3A_651 = tpu.memref_slice %arg7[%dma_start3A_649, %dma_start3A_650] : memref<168x64xf32, #tpu.memory_space<vmem>> -> memref<168x64xf32, #tpu.memory_space<vmem>>
      %dma_start3A_652 = arith.constant 99488 : i32
      %dma_start3A_653 = arith.constant 0 : i32
      %dma_start3A_654 = tpu.memref_slice %arg2[%dma_start3A_652, %dma_start3A_653] : memref<100000x64xf32, #tpu.memory_space<hbm>> -> memref<168x64xf32, #tpu.memory_space<hbm>>
      tpu.enqueue_dma source(%dma_start3A_654 : memref<168x64xf32, #tpu.memory_space<hbm>>) target(%dma_start3A_651 : memref<168x64xf32, #tpu.memory_space<vmem>>) target_semaphore(%arg13 : memref<!tpu.dma_semaphore, #tpu.memory_space<semaphore_mem>>)
      %dma_wait3A_655 = arith.constant 0 : i32
      %dma_wait3A_656 = arith.constant 0 : i32
      %dma_wait3A_657 = tpu.memref_slice %arg6[%dma_wait3A_655, %dma_wait3A_656] : memref<168x64xf32, #tpu.memory_space<vmem>> -> memref<168x64xf32, #tpu.memory_space<vmem>>
      %dma_wait3A_658 = arith.constant 99320 : i32
      %dma_wait3A_659 = arith.constant 0 : i32
      %dma_wait3A_660 = tpu.memref_slice %arg2[%dma_wait3A_658, %dma_wait3A_659] : memref<100000x64xf32, #tpu.memory_space<hbm>> -> memref<168x64xf32, #tpu.memory_space<hbm>>
      %dma_wait3A_661 = arith.constant 0 : i32
      %dma_wait3A_662 = arith.constant 0 : i32
      %dma_wait3A_663 = tpu.memref_slice %arg6[%dma_wait3A_661, %dma_wait3A_662] : memref<168x64xf32, #tpu.memory_space<vmem>> -> memref<168x64xf32, #tpu.memory_space<vmem>>
      %dma_wait3A_664 = arith.constant 99320 : i32
      %dma_wait3A_665 = arith.constant 0 : i32
      %dma_wait3A_666 = tpu.memref_slice %arg2[%dma_wait3A_664, %dma_wait3A_665] : memref<100000x64xf32, #tpu.memory_space<hbm>> -> memref<168x64xf32, #tpu.memory_space<hbm>>
      tpu.wait_dma2 semaphore(%arg12 : memref<!tpu.dma_semaphore, #tpu.memory_space<semaphore_mem>>) src(%dma_wait3A_666 : memref<168x64xf32, #tpu.memory_space<hbm>>) dst(%dma_wait3A_663 : memref<168x64xf32, #tpu.memory_space<vmem>>)
      %dma_start3A_667 = arith.constant 0 : i32
      %dma_start3A_668 = arith.constant 0 : i32
      %dma_start3A_669 = tpu.memref_slice %arg6[%dma_start3A_667, %dma_start3A_668] : memref<168x64xf32, #tpu.memory_space<vmem>> -> memref<168x64xf32, #tpu.memory_space<vmem>>
      %dma_start3A_670 = arith.constant 99320 : i32
      %dma_start3A_671 = arith.constant 0 : i32
      %dma_start3A_672 = tpu.memref_slice %arg3[%dma_start3A_670, %dma_start3A_671] : memref<100000x64xf32, #tpu.memory_space<hbm>> -> memref<168x64xf32, #tpu.memory_space<hbm>>
      %dma_start3A_673 = arith.constant 99320 : i32
      %dma_start3A_674 = arith.constant 0 : i32
      %dma_start3A_675 = tpu.memref_slice %arg3[%dma_start3A_673, %dma_start3A_674] : memref<100000x64xf32, #tpu.memory_space<hbm>> -> memref<168x64xf32, #tpu.memory_space<hbm>>
      %dma_start3A_676 = arith.constant 0 : i32
      %dma_start3A_677 = arith.constant 0 : i32
      %dma_start3A_678 = tpu.memref_slice %arg6[%dma_start3A_676, %dma_start3A_677] : memref<168x64xf32, #tpu.memory_space<vmem>> -> memref<168x64xf32, #tpu.memory_space<vmem>>
      tpu.enqueue_dma source(%dma_start3A_678 : memref<168x64xf32, #tpu.memory_space<vmem>>) target(%dma_start3A_675 : memref<168x64xf32, #tpu.memory_space<hbm>>) target_semaphore(%arg18 : memref<!tpu.dma_semaphore, #tpu.memory_space<semaphore_mem>>)
      %dma_wait3A_679 = arith.constant 0 : i32
      %dma_wait3A_680 = arith.constant 0 : i32
      %dma_wait3A_681 = tpu.memref_slice %arg8[%dma_wait3A_679, %dma_wait3A_680] : memref<168x64xf32, #tpu.memory_space<vmem>> -> memref<168x64xf32, #tpu.memory_space<vmem>>
      %dma_wait3A_682 = arith.constant 98648 : i32
      %dma_wait3A_683 = arith.constant 0 : i32
      %dma_wait3A_684 = tpu.memref_slice %arg3[%dma_wait3A_682, %dma_wait3A_683] : memref<100000x64xf32, #tpu.memory_space<hbm>> -> memref<168x64xf32, #tpu.memory_space<hbm>>
      %dma_wait3A_685 = arith.constant 98648 : i32
      %dma_wait3A_686 = arith.constant 0 : i32
      %dma_wait3A_687 = tpu.memref_slice %arg3[%dma_wait3A_685, %dma_wait3A_686] : memref<100000x64xf32, #tpu.memory_space<hbm>> -> memref<168x64xf32, #tpu.memory_space<hbm>>
      %dma_wait3A_688 = arith.constant 0 : i32
      %dma_wait3A_689 = arith.constant 0 : i32
      %dma_wait3A_690 = tpu.memref_slice %arg8[%dma_wait3A_688, %dma_wait3A_689] : memref<168x64xf32, #tpu.memory_space<vmem>> -> memref<168x64xf32, #tpu.memory_space<vmem>>
      tpu.wait_dma2 semaphore(%arg20 : memref<!tpu.dma_semaphore, #tpu.memory_space<semaphore_mem>>) src(%dma_wait3A_690 : memref<168x64xf32, #tpu.memory_space<vmem>>) dst(%dma_wait3A_687 : memref<168x64xf32, #tpu.memory_space<hbm>>)
      %dma_start3A_691 = arith.constant 0 : i32
      %dma_start3A_692 = arith.constant 0 : i32
      %dma_start3A_693 = tpu.memref_slice %arg8[%dma_start3A_691, %dma_start3A_692] : memref<168x64xf32, #tpu.memory_space<vmem>> -> memref<168x64xf32, #tpu.memory_space<vmem>>
      %dma_start3A_694 = arith.constant 99656 : i32
      %dma_start3A_695 = arith.constant 0 : i32
      %dma_start3A_696 = tpu.memref_slice %arg2[%dma_start3A_694, %dma_start3A_695] : memref<100000x64xf32, #tpu.memory_space<hbm>> -> memref<168x64xf32, #tpu.memory_space<hbm>>
      %dma_start3A_697 = arith.constant 0 : i32
      %dma_start3A_698 = arith.constant 0 : i32
      %dma_start3A_699 = tpu.memref_slice %arg8[%dma_start3A_697, %dma_start3A_698] : memref<168x64xf32, #tpu.memory_space<vmem>> -> memref<168x64xf32, #tpu.memory_space<vmem>>
      %dma_start3A_700 = arith.constant 99656 : i32
      %dma_start3A_701 = arith.constant 0 : i32
      %dma_start3A_702 = tpu.memref_slice %arg2[%dma_start3A_700, %dma_start3A_701] : memref<100000x64xf32, #tpu.memory_space<hbm>> -> memref<168x64xf32, #tpu.memory_space<hbm>>
      tpu.enqueue_dma source(%dma_start3A_702 : memref<168x64xf32, #tpu.memory_space<hbm>>) target(%dma_start3A_699 : memref<168x64xf32, #tpu.memory_space<vmem>>) target_semaphore(%arg14 : memref<!tpu.dma_semaphore, #tpu.memory_space<semaphore_mem>>)
      %dma_wait3A_703 = arith.constant 0 : i32
      %dma_wait3A_704 = arith.constant 0 : i32
      %dma_wait3A_705 = tpu.memref_slice %arg7[%dma_wait3A_703, %dma_wait3A_704] : memref<168x64xf32, #tpu.memory_space<vmem>> -> memref<168x64xf32, #tpu.memory_space<vmem>>
      %dma_wait3A_706 = arith.constant 99488 : i32
      %dma_wait3A_707 = arith.constant 0 : i32
      %dma_wait3A_708 = tpu.memref_slice %arg2[%dma_wait3A_706, %dma_wait3A_707] : memref<100000x64xf32, #tpu.memory_space<hbm>> -> memref<168x64xf32, #tpu.memory_space<hbm>>
      %dma_wait3A_709 = arith.constant 0 : i32
      %dma_wait3A_710 = arith.constant 0 : i32
      %dma_wait3A_711 = tpu.memref_slice %arg7[%dma_wait3A_709, %dma_wait3A_710] : memref<168x64xf32, #tpu.memory_space<vmem>> -> memref<168x64xf32, #tpu.memory_space<vmem>>
      %dma_wait3A_712 = arith.constant 99488 : i32
      %dma_wait3A_713 = arith.constant 0 : i32
      %dma_wait3A_714 = tpu.memref_slice %arg2[%dma_wait3A_712, %dma_wait3A_713] : memref<100000x64xf32, #tpu.memory_space<hbm>> -> memref<168x64xf32, #tpu.memory_space<hbm>>
      tpu.wait_dma2 semaphore(%arg13 : memref<!tpu.dma_semaphore, #tpu.memory_space<semaphore_mem>>) src(%dma_wait3A_714 : memref<168x64xf32, #tpu.memory_space<hbm>>) dst(%dma_wait3A_711 : memref<168x64xf32, #tpu.memory_space<vmem>>)
      %dma_start3A_715 = arith.constant 0 : i32
      %dma_start3A_716 = arith.constant 0 : i32
      %dma_start3A_717 = tpu.memref_slice %arg7[%dma_start3A_715, %dma_start3A_716] : memref<168x64xf32, #tpu.memory_space<vmem>> -> memref<168x64xf32, #tpu.memory_space<vmem>>
      %dma_start3A_718 = arith.constant 99488 : i32
      %dma_start3A_719 = arith.constant 0 : i32
      %dma_start3A_720 = tpu.memref_slice %arg3[%dma_start3A_718, %dma_start3A_719] : memref<100000x64xf32, #tpu.memory_space<hbm>> -> memref<168x64xf32, #tpu.memory_space<hbm>>
      %dma_start3A_721 = arith.constant 99488 : i32
      %dma_start3A_722 = arith.constant 0 : i32
      %dma_start3A_723 = tpu.memref_slice %arg3[%dma_start3A_721, %dma_start3A_722] : memref<100000x64xf32, #tpu.memory_space<hbm>> -> memref<168x64xf32, #tpu.memory_space<hbm>>
      %dma_start3A_724 = arith.constant 0 : i32
      %dma_start3A_725 = arith.constant 0 : i32
      %dma_start3A_726 = tpu.memref_slice %arg7[%dma_start3A_724, %dma_start3A_725] : memref<168x64xf32, #tpu.memory_space<vmem>> -> memref<168x64xf32, #tpu.memory_space<vmem>>
      tpu.enqueue_dma source(%dma_start3A_726 : memref<168x64xf32, #tpu.memory_space<vmem>>) target(%dma_start3A_723 : memref<168x64xf32, #tpu.memory_space<hbm>>) target_semaphore(%arg19 : memref<!tpu.dma_semaphore, #tpu.memory_space<semaphore_mem>>)
      %dma_wait3A_727 = arith.constant 0 : i32
      %dma_wait3A_728 = arith.constant 0 : i32
      %dma_wait3A_729 = tpu.memref_slice %arg9[%dma_wait3A_727, %dma_wait3A_728] : memref<168x64xf32, #tpu.memory_space<vmem>> -> memref<168x64xf32, #tpu.memory_space<vmem>>
      %dma_wait3A_730 = arith.constant 98816 : i32
      %dma_wait3A_731 = arith.constant 0 : i32
      %dma_wait3A_732 = tpu.memref_slice %arg3[%dma_wait3A_730, %dma_wait3A_731] : memref<100000x64xf32, #tpu.memory_space<hbm>> -> memref<168x64xf32, #tpu.memory_space<hbm>>
      %dma_wait3A_733 = arith.constant 98816 : i32
      %dma_wait3A_734 = arith.constant 0 : i32
      %dma_wait3A_735 = tpu.memref_slice %arg3[%dma_wait3A_733, %dma_wait3A_734] : memref<100000x64xf32, #tpu.memory_space<hbm>> -> memref<168x64xf32, #tpu.memory_space<hbm>>
      %dma_wait3A_736 = arith.constant 0 : i32
      %dma_wait3A_737 = arith.constant 0 : i32
      %dma_wait3A_738 = tpu.memref_slice %arg9[%dma_wait3A_736, %dma_wait3A_737] : memref<168x64xf32, #tpu.memory_space<vmem>> -> memref<168x64xf32, #tpu.memory_space<vmem>>
      tpu.wait_dma2 semaphore(%arg21 : memref<!tpu.dma_semaphore, #tpu.memory_space<semaphore_mem>>) src(%dma_wait3A_738 : memref<168x64xf32, #tpu.memory_space<vmem>>) dst(%dma_wait3A_735 : memref<168x64xf32, #tpu.memory_space<hbm>>)
      %dma_start3A_739 = arith.constant 0 : i32
      %dma_start3A_740 = arith.constant 0 : i32
      %dma_start3A_741 = tpu.memref_slice %arg9[%dma_start3A_739, %dma_start3A_740] : memref<168x64xf32, #tpu.memory_space<vmem>> -> memref<168x64xf32, #tpu.memory_space<vmem>>
      %dma_start3A_742 = arith.constant 99824 : i32
      %dma_start3A_743 = arith.constant 0 : i32
      %dma_start3A_744 = tpu.memref_slice %arg2[%dma_start3A_742, %dma_start3A_743] : memref<100000x64xf32, #tpu.memory_space<hbm>> -> memref<168x64xf32, #tpu.memory_space<hbm>>
      %dma_start3A_745 = arith.constant 0 : i32
      %dma_start3A_746 = arith.constant 0 : i32
      %dma_start3A_747 = tpu.memref_slice %arg9[%dma_start3A_745, %dma_start3A_746] : memref<168x64xf32, #tpu.memory_space<vmem>> -> memref<168x64xf32, #tpu.memory_space<vmem>>
      %dma_start3A_748 = arith.constant 99824 : i32
      %dma_start3A_749 = arith.constant 0 : i32
      %dma_start3A_750 = tpu.memref_slice %arg2[%dma_start3A_748, %dma_start3A_749] : memref<100000x64xf32, #tpu.memory_space<hbm>> -> memref<168x64xf32, #tpu.memory_space<hbm>>
      tpu.enqueue_dma source(%dma_start3A_750 : memref<168x64xf32, #tpu.memory_space<hbm>>) target(%dma_start3A_747 : memref<168x64xf32, #tpu.memory_space<vmem>>) target_semaphore(%arg15 : memref<!tpu.dma_semaphore, #tpu.memory_space<semaphore_mem>>)
      %dma_wait3A_751 = arith.constant 0 : i32
      %dma_wait3A_752 = arith.constant 0 : i32
      %dma_wait3A_753 = tpu.memref_slice %arg8[%dma_wait3A_751, %dma_wait3A_752] : memref<168x64xf32, #tpu.memory_space<vmem>> -> memref<168x64xf32, #tpu.memory_space<vmem>>
      %dma_wait3A_754 = arith.constant 99656 : i32
      %dma_wait3A_755 = arith.constant 0 : i32
      %dma_wait3A_756 = tpu.memref_slice %arg2[%dma_wait3A_754, %dma_wait3A_755] : memref<100000x64xf32, #tpu.memory_space<hbm>> -> memref<168x64xf32, #tpu.memory_space<hbm>>
      %dma_wait3A_757 = arith.constant 0 : i32
      %dma_wait3A_758 = arith.constant 0 : i32
      %dma_wait3A_759 = tpu.memref_slice %arg8[%dma_wait3A_757, %dma_wait3A_758] : memref<168x64xf32, #tpu.memory_space<vmem>> -> memref<168x64xf32, #tpu.memory_space<vmem>>
      %dma_wait3A_760 = arith.constant 99656 : i32
      %dma_wait3A_761 = arith.constant 0 : i32
      %dma_wait3A_762 = tpu.memref_slice %arg2[%dma_wait3A_760, %dma_wait3A_761] : memref<100000x64xf32, #tpu.memory_space<hbm>> -> memref<168x64xf32, #tpu.memory_space<hbm>>
      tpu.wait_dma2 semaphore(%arg14 : memref<!tpu.dma_semaphore, #tpu.memory_space<semaphore_mem>>) src(%dma_wait3A_762 : memref<168x64xf32, #tpu.memory_space<hbm>>) dst(%dma_wait3A_759 : memref<168x64xf32, #tpu.memory_space<vmem>>)
      %dma_start3A_763 = arith.constant 0 : i32
      %dma_start3A_764 = arith.constant 0 : i32
      %dma_start3A_765 = tpu.memref_slice %arg8[%dma_start3A_763, %dma_start3A_764] : memref<168x64xf32, #tpu.memory_space<vmem>> -> memref<168x64xf32, #tpu.memory_space<vmem>>
      %dma_start3A_766 = arith.constant 99656 : i32
      %dma_start3A_767 = arith.constant 0 : i32
      %dma_start3A_768 = tpu.memref_slice %arg3[%dma_start3A_766, %dma_start3A_767] : memref<100000x64xf32, #tpu.memory_space<hbm>> -> memref<168x64xf32, #tpu.memory_space<hbm>>
      %dma_start3A_769 = arith.constant 99656 : i32
      %dma_start3A_770 = arith.constant 0 : i32
      %dma_start3A_771 = tpu.memref_slice %arg3[%dma_start3A_769, %dma_start3A_770] : memref<100000x64xf32, #tpu.memory_space<hbm>> -> memref<168x64xf32, #tpu.memory_space<hbm>>
      %dma_start3A_772 = arith.constant 0 : i32
      %dma_start3A_773 = arith.constant 0 : i32
      %dma_start3A_774 = tpu.memref_slice %arg8[%dma_start3A_772, %dma_start3A_773] : memref<168x64xf32, #tpu.memory_space<vmem>> -> memref<168x64xf32, #tpu.memory_space<vmem>>
      tpu.enqueue_dma source(%dma_start3A_774 : memref<168x64xf32, #tpu.memory_space<vmem>>) target(%dma_start3A_771 : memref<168x64xf32, #tpu.memory_space<hbm>>) target_semaphore(%arg20 : memref<!tpu.dma_semaphore, #tpu.memory_space<semaphore_mem>>)
      %dma_wait3A_775 = arith.constant 0 : i32
      %dma_wait3A_776 = arith.constant 0 : i32
      %dma_wait3A_777 = tpu.memref_slice %arg4[%dma_wait3A_775, %dma_wait3A_776] : memref<168x64xf32, #tpu.memory_space<vmem>> -> memref<168x64xf32, #tpu.memory_space<vmem>>
      %dma_wait3A_778 = arith.constant 98984 : i32
      %dma_wait3A_779 = arith.constant 0 : i32
      %dma_wait3A_780 = tpu.memref_slice %arg3[%dma_wait3A_778, %dma_wait3A_779] : memref<100000x64xf32, #tpu.memory_space<hbm>> -> memref<168x64xf32, #tpu.memory_space<hbm>>
      %dma_wait3A_781 = arith.constant 98984 : i32
      %dma_wait3A_782 = arith.constant 0 : i32
      %dma_wait3A_783 = tpu.memref_slice %arg3[%dma_wait3A_781, %dma_wait3A_782] : memref<100000x64xf32, #tpu.memory_space<hbm>> -> memref<168x64xf32, #tpu.memory_space<hbm>>
      %dma_wait3A_784 = arith.constant 0 : i32
      %dma_wait3A_785 = arith.constant 0 : i32
      %dma_wait3A_786 = tpu.memref_slice %arg4[%dma_wait3A_784, %dma_wait3A_785] : memref<168x64xf32, #tpu.memory_space<vmem>> -> memref<168x64xf32, #tpu.memory_space<vmem>>
      tpu.wait_dma2 semaphore(%arg16 : memref<!tpu.dma_semaphore, #tpu.memory_space<semaphore_mem>>) src(%dma_wait3A_786 : memref<168x64xf32, #tpu.memory_space<vmem>>) dst(%dma_wait3A_783 : memref<168x64xf32, #tpu.memory_space<hbm>>)
      %dma_start3A_787 = arith.constant 0 : i32
      %dma_start3A_788 = arith.constant 0 : i32
      %dma_start3A_789 = tpu.memref_slice %arg4[%dma_start3A_787, %dma_start3A_788] : memref<168x64xf32, #tpu.memory_space<vmem>> -> memref<8x64xf32, #tpu.memory_space<vmem>>
      %dma_start3A_790 = arith.constant 99992 : i32
      %dma_start3A_791 = arith.constant 0 : i32
      %dma_start3A_792 = tpu.memref_slice %arg2[%dma_start3A_790, %dma_start3A_791] : memref<100000x64xf32, #tpu.memory_space<hbm>> -> memref<8x64xf32, #tpu.memory_space<hbm>>
      %dma_start3A_793 = arith.constant 0 : i32
      %dma_start3A_794 = arith.constant 0 : i32
      %dma_start3A_795 = tpu.memref_slice %arg4[%dma_start3A_793, %dma_start3A_794] : memref<168x64xf32, #tpu.memory_space<vmem>> -> memref<8x64xf32, #tpu.memory_space<vmem>>
      %dma_start3A_796 = arith.constant 99992 : i32
      %dma_start3A_797 = arith.constant 0 : i32
      %dma_start3A_798 = tpu.memref_slice %arg2[%dma_start3A_796, %dma_start3A_797] : memref<100000x64xf32, #tpu.memory_space<hbm>> -> memref<8x64xf32, #tpu.memory_space<hbm>>
      tpu.enqueue_dma source(%dma_start3A_798 : memref<8x64xf32, #tpu.memory_space<hbm>>) target(%dma_start3A_795 : memref<8x64xf32, #tpu.memory_space<vmem>>) target_semaphore(%arg10 : memref<!tpu.dma_semaphore, #tpu.memory_space<semaphore_mem>>)
      %dma_wait3A_799 = arith.constant 0 : i32
      %dma_wait3A_800 = arith.constant 0 : i32
      %dma_wait3A_801 = tpu.memref_slice %arg9[%dma_wait3A_799, %dma_wait3A_800] : memref<168x64xf32, #tpu.memory_space<vmem>> -> memref<168x64xf32, #tpu.memory_space<vmem>>
      %dma_wait3A_802 = arith.constant 99824 : i32
      %dma_wait3A_803 = arith.constant 0 : i32
      %dma_wait3A_804 = tpu.memref_slice %arg2[%dma_wait3A_802, %dma_wait3A_803] : memref<100000x64xf32, #tpu.memory_space<hbm>> -> memref<168x64xf32, #tpu.memory_space<hbm>>
      %dma_wait3A_805 = arith.constant 0 : i32
      %dma_wait3A_806 = arith.constant 0 : i32
      %dma_wait3A_807 = tpu.memref_slice %arg9[%dma_wait3A_805, %dma_wait3A_806] : memref<168x64xf32, #tpu.memory_space<vmem>> -> memref<168x64xf32, #tpu.memory_space<vmem>>
      %dma_wait3A_808 = arith.constant 99824 : i32
      %dma_wait3A_809 = arith.constant 0 : i32
      %dma_wait3A_810 = tpu.memref_slice %arg2[%dma_wait3A_808, %dma_wait3A_809] : memref<100000x64xf32, #tpu.memory_space<hbm>> -> memref<168x64xf32, #tpu.memory_space<hbm>>
      tpu.wait_dma2 semaphore(%arg15 : memref<!tpu.dma_semaphore, #tpu.memory_space<semaphore_mem>>) src(%dma_wait3A_810 : memref<168x64xf32, #tpu.memory_space<hbm>>) dst(%dma_wait3A_807 : memref<168x64xf32, #tpu.memory_space<vmem>>)
      %dma_start3A_811 = arith.constant 0 : i32
      %dma_start3A_812 = arith.constant 0 : i32
      %dma_start3A_813 = tpu.memref_slice %arg9[%dma_start3A_811, %dma_start3A_812] : memref<168x64xf32, #tpu.memory_space<vmem>> -> memref<168x64xf32, #tpu.memory_space<vmem>>
      %dma_start3A_814 = arith.constant 99824 : i32
      %dma_start3A_815 = arith.constant 0 : i32
      %dma_start3A_816 = tpu.memref_slice %arg3[%dma_start3A_814, %dma_start3A_815] : memref<100000x64xf32, #tpu.memory_space<hbm>> -> memref<168x64xf32, #tpu.memory_space<hbm>>
      %dma_start3A_817 = arith.constant 99824 : i32
      %dma_start3A_818 = arith.constant 0 : i32
      %dma_start3A_819 = tpu.memref_slice %arg3[%dma_start3A_817, %dma_start3A_818] : memref<100000x64xf32, #tpu.memory_space<hbm>> -> memref<168x64xf32, #tpu.memory_space<hbm>>
      %dma_start3A_820 = arith.constant 0 : i32
      %dma_start3A_821 = arith.constant 0 : i32
      %dma_start3A_822 = tpu.memref_slice %arg9[%dma_start3A_820, %dma_start3A_821] : memref<168x64xf32, #tpu.memory_space<vmem>> -> memref<168x64xf32, #tpu.memory_space<vmem>>
      tpu.enqueue_dma source(%dma_start3A_822 : memref<168x64xf32, #tpu.memory_space<vmem>>) target(%dma_start3A_819 : memref<168x64xf32, #tpu.memory_space<hbm>>) target_semaphore(%arg21 : memref<!tpu.dma_semaphore, #tpu.memory_space<semaphore_mem>>)
      %dma_wait3A_823 = arith.constant 0 : i32
      %dma_wait3A_824 = arith.constant 0 : i32
      %dma_wait3A_825 = tpu.memref_slice %arg4[%dma_wait3A_823, %dma_wait3A_824] : memref<168x64xf32, #tpu.memory_space<vmem>> -> memref<8x64xf32, #tpu.memory_space<vmem>>
      %dma_wait3A_826 = arith.constant 99992 : i32
      %dma_wait3A_827 = arith.constant 0 : i32
      %dma_wait3A_828 = tpu.memref_slice %arg2[%dma_wait3A_826, %dma_wait3A_827] : memref<100000x64xf32, #tpu.memory_space<hbm>> -> memref<8x64xf32, #tpu.memory_space<hbm>>
      %dma_wait3A_829 = arith.constant 0 : i32
      %dma_wait3A_830 = arith.constant 0 : i32
      %dma_wait3A_831 = tpu.memref_slice %arg4[%dma_wait3A_829, %dma_wait3A_830] : memref<168x64xf32, #tpu.memory_space<vmem>> -> memref<8x64xf32, #tpu.memory_space<vmem>>
      %dma_wait3A_832 = arith.constant 99992 : i32
      %dma_wait3A_833 = arith.constant 0 : i32
      %dma_wait3A_834 = tpu.memref_slice %arg2[%dma_wait3A_832, %dma_wait3A_833] : memref<100000x64xf32, #tpu.memory_space<hbm>> -> memref<8x64xf32, #tpu.memory_space<hbm>>
      tpu.wait_dma2 semaphore(%arg10 : memref<!tpu.dma_semaphore, #tpu.memory_space<semaphore_mem>>) src(%dma_wait3A_834 : memref<8x64xf32, #tpu.memory_space<hbm>>) dst(%dma_wait3A_831 : memref<8x64xf32, #tpu.memory_space<vmem>>)
      %dma_start3A_835 = arith.constant 0 : i32
      %dma_start3A_836 = arith.constant 0 : i32
      %dma_start3A_837 = tpu.memref_slice %arg4[%dma_start3A_835, %dma_start3A_836] : memref<168x64xf32, #tpu.memory_space<vmem>> -> memref<8x64xf32, #tpu.memory_space<vmem>>
      %dma_start3A_838 = arith.constant 99992 : i32
      %dma_start3A_839 = arith.constant 0 : i32
      %dma_start3A_840 = tpu.memref_slice %arg3[%dma_start3A_838, %dma_start3A_839] : memref<100000x64xf32, #tpu.memory_space<hbm>> -> memref<8x64xf32, #tpu.memory_space<hbm>>
      %dma_start3A_841 = arith.constant 99992 : i32
      %dma_start3A_842 = arith.constant 0 : i32
      %dma_start3A_843 = tpu.memref_slice %arg3[%dma_start3A_841, %dma_start3A_842] : memref<100000x64xf32, #tpu.memory_space<hbm>> -> memref<8x64xf32, #tpu.memory_space<hbm>>
      %dma_start3A_844 = arith.constant 0 : i32
      %dma_start3A_845 = arith.constant 0 : i32
      %dma_start3A_846 = tpu.memref_slice %arg4[%dma_start3A_844, %dma_start3A_845] : memref<168x64xf32, #tpu.memory_space<vmem>> -> memref<8x64xf32, #tpu.memory_space<vmem>>
      tpu.enqueue_dma source(%dma_start3A_846 : memref<8x64xf32, #tpu.memory_space<vmem>>) target(%dma_start3A_843 : memref<8x64xf32, #tpu.memory_space<hbm>>) target_semaphore(%arg16 : memref<!tpu.dma_semaphore, #tpu.memory_space<semaphore_mem>>)
      %dma_wait3A_847 = arith.constant 0 : i32
      %dma_wait3A_848 = arith.constant 0 : i32
      %dma_wait3A_849 = tpu.memref_slice %arg5[%dma_wait3A_847, %dma_wait3A_848] : memref<168x64xf32, #tpu.memory_space<vmem>> -> memref<168x64xf32, #tpu.memory_space<vmem>>
      %dma_wait3A_850 = arith.constant 99152 : i32
      %dma_wait3A_851 = arith.constant 0 : i32
      %dma_wait3A_852 = tpu.memref_slice %arg3[%dma_wait3A_850, %dma_wait3A_851] : memref<100000x64xf32, #tpu.memory_space<hbm>> -> memref<168x64xf32, #tpu.memory_space<hbm>>
      %dma_wait3A_853 = arith.constant 99152 : i32
      %dma_wait3A_854 = arith.constant 0 : i32
      %dma_wait3A_855 = tpu.memref_slice %arg3[%dma_wait3A_853, %dma_wait3A_854] : memref<100000x64xf32, #tpu.memory_space<hbm>> -> memref<168x64xf32, #tpu.memory_space<hbm>>
      %dma_wait3A_856 = arith.constant 0 : i32
      %dma_wait3A_857 = arith.constant 0 : i32
      %dma_wait3A_858 = tpu.memref_slice %arg5[%dma_wait3A_856, %dma_wait3A_857] : memref<168x64xf32, #tpu.memory_space<vmem>> -> memref<168x64xf32, #tpu.memory_space<vmem>>
      tpu.wait_dma2 semaphore(%arg17 : memref<!tpu.dma_semaphore, #tpu.memory_space<semaphore_mem>>) src(%dma_wait3A_858 : memref<168x64xf32, #tpu.memory_space<vmem>>) dst(%dma_wait3A_855 : memref<168x64xf32, #tpu.memory_space<hbm>>)
      %dma_wait3A_859 = arith.constant 0 : i32
      %dma_wait3A_860 = arith.constant 0 : i32
      %dma_wait3A_861 = tpu.memref_slice %arg6[%dma_wait3A_859, %dma_wait3A_860] : memref<168x64xf32, #tpu.memory_space<vmem>> -> memref<168x64xf32, #tpu.memory_space<vmem>>
      %dma_wait3A_862 = arith.constant 99320 : i32
      %dma_wait3A_863 = arith.constant 0 : i32
      %dma_wait3A_864 = tpu.memref_slice %arg3[%dma_wait3A_862, %dma_wait3A_863] : memref<100000x64xf32, #tpu.memory_space<hbm>> -> memref<168x64xf32, #tpu.memory_space<hbm>>
      %dma_wait3A_865 = arith.constant 99320 : i32
      %dma_wait3A_866 = arith.constant 0 : i32
      %dma_wait3A_867 = tpu.memref_slice %arg3[%dma_wait3A_865, %dma_wait3A_866] : memref<100000x64xf32, #tpu.memory_space<hbm>> -> memref<168x64xf32, #tpu.memory_space<hbm>>
      %dma_wait3A_868 = arith.constant 0 : i32
      %dma_wait3A_869 = arith.constant 0 : i32
      %dma_wait3A_870 = tpu.memref_slice %arg6[%dma_wait3A_868, %dma_wait3A_869] : memref<168x64xf32, #tpu.memory_space<vmem>> -> memref<168x64xf32, #tpu.memory_space<vmem>>
      tpu.wait_dma2 semaphore(%arg18 : memref<!tpu.dma_semaphore, #tpu.memory_space<semaphore_mem>>) src(%dma_wait3A_870 : memref<168x64xf32, #tpu.memory_space<vmem>>) dst(%dma_wait3A_867 : memref<168x64xf32, #tpu.memory_space<hbm>>)
      %dma_wait3A_871 = arith.constant 0 : i32
      %dma_wait3A_872 = arith.constant 0 : i32
      %dma_wait3A_873 = tpu.memref_slice %arg7[%dma_wait3A_871, %dma_wait3A_872] : memref<168x64xf32, #tpu.memory_space<vmem>> -> memref<168x64xf32, #tpu.memory_space<vmem>>
      %dma_wait3A_874 = arith.constant 99488 : i32
      %dma_wait3A_875 = arith.constant 0 : i32
      %dma_wait3A_876 = tpu.memref_slice %arg3[%dma_wait3A_874, %dma_wait3A_875] : memref<100000x64xf32, #tpu.memory_space<hbm>> -> memref<168x64xf32, #tpu.memory_space<hbm>>
      %dma_wait3A_877 = arith.constant 99488 : i32
      %dma_wait3A_878 = arith.constant 0 : i32
      %dma_wait3A_879 = tpu.memref_slice %arg3[%dma_wait3A_877, %dma_wait3A_878] : memref<100000x64xf32, #tpu.memory_space<hbm>> -> memref<168x64xf32, #tpu.memory_space<hbm>>
      %dma_wait3A_880 = arith.constant 0 : i32
      %dma_wait3A_881 = arith.constant 0 : i32
      %dma_wait3A_882 = tpu.memref_slice %arg7[%dma_wait3A_880, %dma_wait3A_881] : memref<168x64xf32, #tpu.memory_space<vmem>> -> memref<168x64xf32, #tpu.memory_space<vmem>>
      tpu.wait_dma2 semaphore(%arg19 : memref<!tpu.dma_semaphore, #tpu.memory_space<semaphore_mem>>) src(%dma_wait3A_882 : memref<168x64xf32, #tpu.memory_space<vmem>>) dst(%dma_wait3A_879 : memref<168x64xf32, #tpu.memory_space<hbm>>)
      %dma_wait3A_883 = arith.constant 0 : i32
      %dma_wait3A_884 = arith.constant 0 : i32
      %dma_wait3A_885 = tpu.memref_slice %arg8[%dma_wait3A_883, %dma_wait3A_884] : memref<168x64xf32, #tpu.memory_space<vmem>> -> memref<168x64xf32, #tpu.memory_space<vmem>>
      %dma_wait3A_886 = arith.constant 99656 : i32
      %dma_wait3A_887 = arith.constant 0 : i32
      %dma_wait3A_888 = tpu.memref_slice %arg3[%dma_wait3A_886, %dma_wait3A_887] : memref<100000x64xf32, #tpu.memory_space<hbm>> -> memref<168x64xf32, #tpu.memory_space<hbm>>
      %dma_wait3A_889 = arith.constant 99656 : i32
      %dma_wait3A_890 = arith.constant 0 : i32
      %dma_wait3A_891 = tpu.memref_slice %arg3[%dma_wait3A_889, %dma_wait3A_890] : memref<100000x64xf32, #tpu.memory_space<hbm>> -> memref<168x64xf32, #tpu.memory_space<hbm>>
      %dma_wait3A_892 = arith.constant 0 : i32
      %dma_wait3A_893 = arith.constant 0 : i32
      %dma_wait3A_894 = tpu.memref_slice %arg8[%dma_wait3A_892, %dma_wait3A_893] : memref<168x64xf32, #tpu.memory_space<vmem>> -> memref<168x64xf32, #tpu.memory_space<vmem>>
      tpu.wait_dma2 semaphore(%arg20 : memref<!tpu.dma_semaphore, #tpu.memory_space<semaphore_mem>>) src(%dma_wait3A_894 : memref<168x64xf32, #tpu.memory_space<vmem>>) dst(%dma_wait3A_891 : memref<168x64xf32, #tpu.memory_space<hbm>>)
      %dma_wait3A_895 = arith.constant 0 : i32
      %dma_wait3A_896 = arith.constant 0 : i32
      %dma_wait3A_897 = tpu.memref_slice %arg9[%dma_wait3A_895, %dma_wait3A_896] : memref<168x64xf32, #tpu.memory_space<vmem>> -> memref<168x64xf32, #tpu.memory_space<vmem>>
      %dma_wait3A_898 = arith.constant 99824 : i32
      %dma_wait3A_899 = arith.constant 0 : i32
      %dma_wait3A_900 = tpu.memref_slice %arg3[%dma_wait3A_898, %dma_wait3A_899] : memref<100000x64xf32, #tpu.memory_space<hbm>> -> memref<168x64xf32, #tpu.memory_space<hbm>>
      %dma_wait3A_901 = arith.constant 99824 : i32
      %dma_wait3A_902 = arith.constant 0 : i32
      %dma_wait3A_903 = tpu.memref_slice %arg3[%dma_wait3A_901, %dma_wait3A_902] : memref<100000x64xf32, #tpu.memory_space<hbm>> -> memref<168x64xf32, #tpu.memory_space<hbm>>
      %dma_wait3A_904 = arith.constant 0 : i32
      %dma_wait3A_905 = arith.constant 0 : i32
      %dma_wait3A_906 = tpu.memref_slice %arg9[%dma_wait3A_904, %dma_wait3A_905] : memref<168x64xf32, #tpu.memory_space<vmem>> -> memref<168x64xf32, #tpu.memory_space<vmem>>
      tpu.wait_dma2 semaphore(%arg21 : memref<!tpu.dma_semaphore, #tpu.memory_space<semaphore_mem>>) src(%dma_wait3A_906 : memref<168x64xf32, #tpu.memory_space<vmem>>) dst(%dma_wait3A_903 : memref<168x64xf32, #tpu.memory_space<hbm>>)
      %dma_wait3A_907 = arith.constant 0 : i32
      %dma_wait3A_908 = arith.constant 0 : i32
      %dma_wait3A_909 = tpu.memref_slice %arg4[%dma_wait3A_907, %dma_wait3A_908] : memref<168x64xf32, #tpu.memory_space<vmem>> -> memref<8x64xf32, #tpu.memory_space<vmem>>
      %dma_wait3A_910 = arith.constant 99992 : i32
      %dma_wait3A_911 = arith.constant 0 : i32
      %dma_wait3A_912 = tpu.memref_slice %arg3[%dma_wait3A_910, %dma_wait3A_911] : memref<100000x64xf32, #tpu.memory_space<hbm>> -> memref<8x64xf32, #tpu.memory_space<hbm>>
      %dma_wait3A_913 = arith.constant 99992 : i32
      %dma_wait3A_914 = arith.constant 0 : i32
      %dma_wait3A_915 = tpu.memref_slice %arg3[%dma_wait3A_913, %dma_wait3A_914] : memref<100000x64xf32, #tpu.memory_space<hbm>> -> memref<8x64xf32, #tpu.memory_space<hbm>>
      %dma_wait3A_916 = arith.constant 0 : i32
      %dma_wait3A_917 = arith.constant 0 : i32
      %dma_wait3A_918 = tpu.memref_slice %arg4[%dma_wait3A_916, %dma_wait3A_917] : memref<168x64xf32, #tpu.memory_space<vmem>> -> memref<8x64xf32, #tpu.memory_space<vmem>>
      tpu.wait_dma2 semaphore(%arg16 : memref<!tpu.dma_semaphore, #tpu.memory_space<semaphore_mem>>) src(%dma_wait3A_918 : memref<8x64xf32, #tpu.memory_space<vmem>>) dst(%dma_wait3A_915 : memref<8x64xf32, #tpu.memory_space<hbm>>)
    } else {
    }
    return
  }
}

</mosaic_0001>

<sc_bundles>
// kernel: kernel.3.cloned.1.call-start
scs
__scs_entry_jumppad:
0x0: {  	(pc) =	sbr.rel $0x88, $3  }
0x1: {  	(tag) =	ssettag $0x0;
	lr =	simm.s32 $0x1  }
0x2: {  	[smem:$0x3FA0] =	sst lr;
	_ =	strace $0xD0000000  }
0x3: {  	_ = 	snop  }
0x4: {  	_ = 	snop  }
0x5: {  	_ = 	snop  }
0x6: {  	_ = 	snop  }
0x7: {  	_ = 	snop  }
__scs_overlays_trampoline_lowered:
0x8: {  	[smem:$0x3FAF] =	sst s0  }
0x9: {  	[smem:$0x3FB0] =	sst s1  }
0xa: {  	[smem:$0x3FB1] =	sst s2  }
0xb: {  	[smem:$0x3FB2] =	sst s3  }
0xc: {  	[smem:$0x3FB3] =	sst s4  }
0xd: {  	[smem:$0x3FB4] =	sst s5  }
0xe: {  	[smem:$0x3FB5] =	sst s6  }
0xf: {  	[smem:$0x3FB6] =	sst s7  }
0x10: {  	[smem:$0x3FB7] =	sst s8  }
0x11: {  	[smem:$0x3FB8] =	sst s9;
	s0 =	simm.s32 @!p0 $0x0  }
0x12: {  	s1 =	sld [smem:$0x3F9E];
	s0 =	simm.s32 @p0 $0x1  }
0x13: {  	[smem:$0x3FB9] =	sst s0;
	s0 =	simm.s32 @!p1 $0x0  }
0x14: {  	s2 =	sld [smem:$0x3F9D];
	s0 =	simm.s32 @p1 $0x1  }
0x15: {  	[smem:$0x3FBA] =	sst s0;
	s0 =	simm.s32 @!p2 $0x0  }
0x16: {  	s3 =	sld [smem:$0x3FDB];
	s0 =	simm.s32 @p2 $0x1  }
0x17: {  	s4 =	simm.s32 $0x1BF5;
	[smem:$0x3FBC] =	sst s0  }
0x18: {  	s0 =	sld [smem:$0x3F9F];
	_ =	swait.ge [sflag:s4], $0x0  }
0x19: {  	s7 =	sld [smem:$0x3FA0]  }
0x1a: {  	s8 =	sadd.s32 $0xFFFFE003, lr  }
0x1b: {  	s9 =	sadd.s32 $0xFFFFFEF7, lr;
	s5 =	simm.s32 $0xFFFFFFFF;
	p2 =	slt.u32 s8, $0xFFFFF086  }
0x1c: {  	p1 =	slt.u32 s9, $0xF7A;
	s5 =	simm.s32 @!p2 $0x0  }
0x1d: {  	s5 =	simm.s32 @p1 $0x1;
	p0 =	seq.s32 s7, s2  }
0x1e: {  	s7 =	smul.u32 @!p0 $0xF7A, s2;
	p2 =	seq.s32 @!p0 s5, $0x0  }
0x1f: {  	s9 =	smul.u32 $0xF7A, s1;
	s8 =	simm.s32 @!p0 $0x1BF5;
	p2 =	por !p2, p0  }
0x20: {  	[sflag:s8] =	ssyncset.s32 @!p0 $0xFFFFF086;
	s6 =	sadd.s32 @!p0 s3, s7;
	s7 =	simm.s32 @!p0 $0x108  }
0x21: {  	s3 =	sadd.s32 s3, s9;
	s6 =	sadd.s32 @!p0 $0x88, s6;
	s7 =	simm.s32 @p2 $0x1082  }
0x22: {  	[simem:s7], [sflag:s8] =	dma.local @!p0 [hbm:s6], $0xF7A  }
0x23: {  	s9 =	sor.u32 $0xD0000000, s2;
	s6 =	simm.s32 $0x108;
	_ =	swait.ge @!p0 [sflag:s8], $0x0  }
0x24: {  	s3 =	sadd.s32 $0x88, s3;
	s6 =	simm.s32 @!p1 $0x1082;
	[sflag:s4] =	ssyncset.s32 $0xFFFFF086  }
0x25: {  	[simem:s6], [sflag:s4] =	dma.local [hbm:s3], $0xF7A  }
0x26: {  	[smem:$0x3FA0] =	sst s1;
	(tag) =	ssettag s2;
	_ =	strace s9  }
0x27: {  	s1 =	sld [smem:$0x3FB0]  }
0x28: {  	s2 =	sld [smem:$0x3FB1]  }
0x29: {  	s4 =	sld [smem:$0x3FB3]  }
0x2a: {  	p0 =	seq.s32 s5, $0x0;
	s5 =	sld [smem:$0x3FB4]  }
0x2b: {  	s6 =	sld [smem:$0x3FB5]  }
0x2c: {  	s7 =	sld [smem:$0x3FB6]  }
0x2d: {  	s3 =	simm.s32 $0x108;
	s8 =	sld [smem:$0x3FB7]  }
0x2e: {  	s3 =	simm.s32 @!p0 $0x1082;
	s9 =	sld [smem:$0x3FB8]  }
0x2f: {  	lr =	sadd.s32 s0, s3;
	s0 =	sld [smem:$0x3FAF]  }
0x30: {  	s3 =	sld [smem:$0x3FB2]  }
0x31: {  	[smem:$0x3FBB] =	sst s10  }
0x32: {  	s10 =	sld [smem:$0x3FB9];
	_ =	sdelay $0x3  }
0x33: {  	p0 =	seq.s32 s10, $0x1;
	s10 =	sld [smem:$0x3FBB];
	_ =	sdelay $0x3  }
0x34: {  	[smem:$0x3FBB] =	sst s10  }
0x35: {  	s10 =	sld [smem:$0x3FBA];
	_ =	sdelay $0x3  }
0x36: {  	p1 =	seq.s32 s10, $0x1;
	s10 =	sld [smem:$0x3FBB];
	_ =	sdelay $0x3  }
0x37: {  	[smem:$0x3FBB] =	sst s10  }
0x38: {  	s10 =	sld [smem:$0x3FBC]  }
0x39: {  	_ = 	snop;
	(pc) =	sbr.ind lr, $3  }
0x3a: {  	_ = 	snop  }
0x3b: {  	_ = 	snop  }
0x3c: {  	p2 =	seq.s32 s10, $0x1;
	s10 =	sld [smem:$0x3FBB]  }
0x3d: {  	_ =	shalt  }
0x3e: {  	_ =	shalt  }
0x3f: {  	_ =	shalt  }
0x40: {  	_ =	shalt  }
0x41: {  	_ =	shalt  }
0x42: {  	_ =	shalt  }
0x43: {  	_ =	shalt  }
0x44: {  	_ =	shalt  }
0x45: {  	_ =	shalt  }
0x46: {  	_ =	shalt  }
0x47: {  	_ =	shalt  }
0x48: {  	_ =	shalt  }
0x49: {  	_ =	shalt  }
0x4a: {  	_ =	shalt  }
0x4b: {  	_ =	shalt  }
0x4c: {  	_ =	shalt  }
0x4d: {  	_ =	shalt  }
0x4e: {  	_ =	shalt  }
0x4f: {  	_ =	shalt  }
0x50: {  	_ =	shalt  }
0x51: {  	_ =	shalt  }
0x52: {  	_ =	shalt  }
0x53: {  	_ =	shalt  }
0x54: {  	_ =	shalt  }
0x55: {  	_ =	shalt  }
0x56: {  	_ =	shalt  }
0x57: {  	_ =	shalt  }
0x58: {  	_ =	shalt  }
0x59: {  	_ =	shalt  }
0x5a: {  	_ =	shalt  }
0x5b: {  	_ =	shalt  }
0x5c: {  	_ =	shalt  }
0x5d: {  	_ =	shalt  }
0x5e: {  	_ =	shalt  }
0x5f: {  	_ =	shalt  }
0x60: {  	_ =	shalt  }
0x61: {  	_ =	shalt  }
0x62: {  	_ =	shalt  }
0x63: {  	_ =	shalt  }
0x64: {  	_ =	shalt  }
0x65: {  	_ =	shalt  }
0x66: {  	_ =	shalt  }
0x67: {  	_ =	shalt  }
0x68: {  	_ =	shalt  }
0x69: {  	_ =	shalt  }
0x6a: {  	_ =	shalt  }
0x6b: {  	_ =	shalt  }
0x6c: {  	_ =	shalt  }
0x6d: {  	_ =	shalt  }
0x6e: {  	_ =	shalt  }
0x6f: {  	_ =	shalt  }
0x70: {  	_ =	shalt  }
0x71: {  	_ =	shalt  }
0x72: {  	_ =	shalt  }
0x73: {  	_ =	shalt  }
0x74: {  	_ =	shalt  }
0x75: {  	_ =	shalt  }
0x76: {  	_ =	shalt  }
0x77: {  	_ =	shalt  }
0x78: {  	_ =	shalt  }
0x79: {  	_ =	shalt  }
0x7a: {  	_ =	shalt  }
0x7b: {  	_ =	shalt  }
0x7c: {  	_ =	shalt  }
0x7d: {  	_ =	shalt  }
0x7e: {  	_ =	shalt  }
0x7f: {  	_ =	shalt  }
0x80: {  	_ =	shalt  }
0x81: {  	_ =	shalt  }
0x82: {  	_ =	shalt  }
0x83: {  	_ =	shalt  }
0x84: {  	_ =	shalt  }
0x85: {  	_ =	shalt  }
0x86: {  	_ =	shalt  }
0x87: {  	_ =	shalt  }
.Lfunc_end0:
.L_simem_size_0:
called_computation_lowered:
.L_overlay_start_0:
0x88: {  	s2 =	sld [smem:$0x3FD9]  }
0x89: {  	s3 =	sld [smem:$0x3FFE];
	_ =	sdelay $0x1  }
0x8a: {  	s1 =	srdreg.scid  }
0x8b: {  	s0 =	sand.u32 $0x1, s1  }
0x8c: {  	s16 =	sshll.u32 s0, $0xA;
	s2 =	sadd.s32 s3, s2  }
0x8d: {  	s2 =	sadd.s32 s2, s16  }
0x8e: {  	[smem:$0x3FC7] =	sst s2  }
0x8f: {  	_ = 	snop  }
0x90: {  	(tm) =	ssettm $0x1  }
0x91: {  	s17 =	sld [smem:$0x3FFB];
	_ =	sdelay $0x3  }
0x92: {  	_ =	strace s17  }
0x93: {  	s2 =	sld [smem:$0x3FFC];
	_ =	sdelay $0x3  }
0x94: {  	_ =	strace s2  }
0x95: {  	s2 =	sld [smem:$0x3FFD];
	_ =	sdelay $0x3  }
0x96: {  	_ =	strace s2  }
0x97: {  	_ =	strace $0x8FFFFFFF  }
0x98: {  	s18 =	sld [smem:$0x3FDB];
	_ =	sdelay $0x1  }
0x99: {  	s19 =	simm.s32 $_scs_section_size  }
0x9a: {  	s4 =	simm.s32 $_size__tile_overlayer_lowered;
	s5 =	simm.s32 $_tile_overlayer_lowered  }
0x9b: {  	s22 =	simm.s32 $0x1BFF;
	s21 =	sshll.u32 s5, $0x1;
	s2 =	sadd.s32 s19, s18  }
0x9c: {  	s6 =	simm.s32 $0x0;
	s20 =	sshll.u32 s4, $0x1;
	s4 =	sadd.s32 s21, s2  }
0x9d: {  	[timem:s6], [sflag:s22] =	dma.local [hbm:s4], s20  }
0x9e: {  	_ =	swait.ge [sflag:s22], s20  }
0x9f: {  	s3 =	ssub.s32 $0x0, s20;
	[sflag:s22] =	ssyncset.done $0x0  }
0xa0: {  	[sflag:s22] =	ssyncadd.s32 s3;
	_ =	sdelay $0x1  }
0xa1: {  	s23 =	simm.s32 $0x1B8B  }
0xa2: {  	_ =	swait.ge [sflag:s23], $0x1  }
0xa3: {  	[sflag:s23] =	ssyncset.done $0x0  }
0xa4: {  	s25 =	simm.s32 $0x1B8E;
	s24 =	sld [smem:$0x3FFE];
	[sflag:s23] =	ssyncadd.s32 $0xFFFFFFFF  }
0xa5: {  	s26 =	simm.s32 $execute0_lowered;
	[smem:$0x3FD2] =	sst s25  }
0xa6: {  	s4 =	sshll.u32 s26, $0x1;
	_ =	strace $0x80000046;
	[dreg:$0x1] =	wrdreg $0xFFFFFFFF  }
0xa7: {  	s28 =	simm.s32 $_size_execute0_lowered;
	s2 =	sadd.s32 s2, s4;
	[dreg:$0x0] =	wrdreg $0x0  }
0xa8: {  	s4 =	sshll.u32 s28, $0x1;
	[dreg:$0x2] =	wrdreg s2  }
0xa9: {  	[dreg:$0x3] =	wrdreg s4  }
0xaa: {  	[dreg:$0x4] =	wrdreg $0xC0  }
0xab: {  	_ =	task [dreg:s6], $0x5FFFF  }
0xac: {  	[dreg:$0x1] =	wrdreg $0xFFFFFFFF  }
0xad: {  	[dreg:$0x0] =	wrdreg $0x60  }
0xae: {  	[dreg:$0x2] =	wrdreg s24  }
0xaf: {  	[dreg:$0x3] =	wrdreg $0x9  }
0xb0: {  	_ =	task.clear_ibuf [dreg:s6], $0x4FFFF;
	_ =	strace $0x90000046  }
0xb1: {  	s29 =	simm.s32 $0x9;
	_ =	strace $0x80000048  }
0xb2: {  	_ =	swait.ge [sflag:s29], $0x1  }
0xb3: {  	[sflag:s29] =	ssyncadd.s32 $0xFFFFFFFF  }
0xb4: {  	_ =	strace $0x90000048  }
0xb5: {  	_ =	sfence  }
0xb6: {  	s30 =	sld [smem:$0x0];
	_ =	sdelay $0x2  }
0xb7: {  	s31 =	sshll.u32 s1, $0xD;
	s1 =	sshrl.u32 s1, $0x2  }
0xb8: {  	s3 =	sand.u32 $0x4000, s31;
	s1 =	sadd.s32 s1, s30  }
0xb9: {  	s0 =	sor.u32 s3, s0;
	s1 =	sshll.u32 s1, $0x11  }
0xba: {  	s0 =	sor.u32 s1, s0  }
0xbb: {  	s0 =	sadd.s32 $0x8F2B, s0  }
0xbc: {  	[sflag:s0] =	ssyncadd.remote.s32 $0x1  }
0xbd: {  	_ =	sfence.sel $0xFFFF  }
0xbe: {  	[dreg:$0x0] =	wrdreg $0xFFFFFFFF;
	(pc) =	sbr.abs _section_cstart, $3  }
0xbf: {  	[dreg:$0x1] =	wrdreg $0xFFFFFFFF  }
0xc0: {  	_ =	task.clear_ibuf [dreg:s6], $0x2FFFF;
	_ =	strace $0x9FFFFFFF  }
0xc1: {  	(tm) =	ssettm $0x7FFFFFFF  }
tec
execute0_lowered:
.L_overlay_start_1:
0x0: {  	(tag) =	ssettag $0x1  }
0x1: {  	s1 =	srdreg.scid;
	s3 =	stileid.u32  }
0x2: {  	s1 =	sand.u32 $0x1, s1;
	s3 =	sshll.u32 s3, $0x1  }
0x3: {  	s5 =	sor.u32 s1, s3  }
0x4: {  	s0 =	rddreg [dreg:$0x0];
	s2 =	simm.s32 $0x0;
	s3 =	smul.u32 $0x61C00, s5  }
0x5: {  	[smem:$0x7FF] =	sst s2;
	s4 =	sadd.s32 $0x400, s0;
	s7 =	smul.u32 $0xC380, s5  }
0x6: {  	_ =	strace $0x80000047;
	s6 =	ssub.s32 $0x2, s1;
	s1 =	sadd.s32 $0x186E00, s0  }
0x7: {  	s8 =	sshrl.u32 s6, $0x1;
	s9 =	sshrl.u32 s3, $0x3;
	s24 =	sadd.s32 s4, s7  }
0x8: {  	s7 =	sadd.s32 s1, s7;
	[dreg:$0x2] =	wrdreg s24;
	s25 =	sadd.s32 $0xA80, s9  }
0x9: {  	[dreg:$0x4] =	wrdreg s7;
	s10 =	sadd.s32 $0x1500, s9;
	s26 =	sadd.s32 s4, s25  }
0xa: {  	s3 =	ssub.s32 s6, s8;
	s11 =	sadd.s32 s4, s10;
	[dreg:$0x3] =	wrdreg s26  }
0xb: {  	s12 =	sadd.s32 $0x1F80, s9;
	s6 =	sadd.s32 s1, s25;
	[dreg:$0x5] =	wrdreg s11  }
0xc: {  	s13 =	sadd.s32 s4, s12;
	[dreg:$0x6] =	wrdreg s6  }
0xd: {  	s14 =	sadd.s32 $0x2A00, s9;
	s7 =	sadd.s32 s1, s10;
	[dreg:$0x7] =	wrdreg s13  }
0xe: {  	s16 =	sadd.s32 $0x3480, s9;
	s15 =	sadd.s32 s4, s14;
	[dreg:$0x8] =	wrdreg s7  }
0xf: {  	s18 =	sadd.s32 $0x3F00, s9;
	s17 =	sadd.s32 s4, s16;
	[dreg:$0x9] =	wrdreg s15  }
0x10: {  	s20 =	sadd.s32 $0x4980, s9;
	s19 =	sadd.s32 s4, s18;
	[dreg:$0xb] =	wrdreg s17  }
0x11: {  	s22 =	sadd.s32 $0x5400, s9;
	s21 =	sadd.s32 s4, s20;
	[dreg:$0xd] =	wrdreg s19  }
0x12: {  	s24 =	sadd.s32 s4, s22;
	[dreg:$0xf] =	wrdreg s21  }
0x13: {  	s23 =	sadd.s32 $0x5E80, s9;
	s25 =	sadd.s32 s1, s22;
	[dreg:$0x12] =	wrdreg s24  }
0x14: {  	p0 =	seq.s32 s5, $0x1F;
	s5 =	sadd.s32 s1, s23;
	[dreg:$0x13] =	wrdreg s25  }
0x15: {  	s6 =	sadd.s32 s1, s12;
	[dreg:$0x15] =	wrdreg s5  }
0x16: {  	s7 =	sadd.s32 s1, s14;
	[dreg:$0xa] =	wrdreg s6  }
0x17: {  	s26 =	sadd.s32 s4, s23;
	[dreg:$0xc] =	wrdreg s7  }
0x18: {  	s17 =	sadd.s32 $0x17BB00, s0;
	[dreg:$0x14] =	wrdreg s26  }
0x19: {  	s19 =	sadd.s32 $0x17C580, s0;
	[dreg:$0x18] =	wrdreg s17  }
0x1a: {  	s21 =	sadd.s32 $0x17D000, s0;
	[dreg:$0x1b] =	wrdreg s19  }
0x1b: {  	s23 =	sadd.s32 $0x302F80, s0;
	[dreg:$0x1d] =	wrdreg s21  }
0x1c: {  	s24 =	sadd.s32 $0x17DA80, s0;
	[dreg:$0x1f] =	wrdreg s23  }
0x1d: {  	s25 =	sadd.s32 $0x303A00, s0;
	[smem:$0x7DB] =	sst s24  }
0x1e: {  	s6 =	sadd.s32 s1, s16;
	[smem:$0x7DD] =	sst s25  }
0x1f: {  	s7 =	sadd.s32 s1, s18;
	[dreg:$0xe] =	wrdreg s6  }
0x20: {  	s16 =	sadd.s32 $0x17B080, s0;
	[dreg:$0x10] =	wrdreg s7  }
0x21: {  	s15 =	sadd.s32 $0x7380, s9;
	s18 =	sadd.s32 $0x301A80, s0;
	[dreg:$0x17] =	wrdreg s16  }
0x22: {  	s22 =	sadd.s32 s4, s15;
	[dreg:$0x1a] =	wrdreg s18  }
0x23: {  	s26 =	sadd.s32 $0x17E500, s0;
	[dreg:$0x1e] =	wrdreg s22  }
0x24: {  	s8 =	sadd.s32 $0x8880, s9;
	s17 =	sadd.s32 $0x304F00, s0;
	[smem:$0x7DE] =	sst s26  }
0x25: {  	s19 =	sadd.s32 s4, s8;
	[smem:$0x7E3] =	sst s17  }
0x26: {  	s21 =	sadd.s32 $0x180480, s0;
	[smem:$0x7E5] =	sst s19  }
0x27: {  	s23 =	sadd.s32 $0x306400, s0;
	[smem:$0x7E7] =	sst s21  }
0x28: {  	s10 =	sadd.s32 $0x9300, s9;
	s24 =	sadd.s32 $0x180F00, s0;
	[smem:$0x7E9] =	sst s23  }
0x29: {  	s25 =	sadd.s32 s4, s10;
	[smem:$0x7EA] =	sst s24  }
0x2a: {  	s6 =	sadd.s32 s1, s20;
	[smem:$0x7EB] =	sst s25  }
0x2b: {  	s20 =	sadd.s32 $0x302500, s0;
	[dreg:$0x11] =	wrdreg s6  }
0x2c: {  	s28 =	simm.s32 $0x4;
	s18 =	sadd.s32 $0x17FA00, s0;
	[dreg:$0x1c] =	wrdreg s20  }
0x2d: {  	s29 =	simm.s32 $0x1A400;
	s22 =	sadd.s32 s1, s8;
	[smem:$0x7E4] =	sst s18  }
0x2e: {  	s30 =	simm.s32 $0x5;
	s26 =	sadd.s32 $0x306E80, s0;
	[smem:$0x7E8] =	sst s22  }
0x2f: {  	s31 =	simm.s32 $0x7;
	s8 =	sadd.s32 s1, s10;
	[smem:$0x7EC] =	sst s26  }
0x30: {  	s11 =	sadd.s32 $0x9D80, s9;
	s10 =	sadd.s32 $0x182400, s0;
	[smem:$0x7EE] =	sst s8  }
0x31: {  	s17 =	sadd.s32 s1, s11;
	s19 =	sadd.s32 $0x183900, s0;
	[smem:$0x7F0] =	sst s10  }
0x32: {  	s12 =	sadd.s32 $0xA800, s9;
	s21 =	sadd.s32 $0x309880, s0;
	[smem:$0x7F4] =	sst s17  }
0x33: {  	s13 =	sadd.s32 $0xB280, s9;
	s24 =	sadd.s32 $0x30A300, s0;
	[smem:$0x7F6] =	sst s19  }
0x34: {  	s23 =	sadd.s32 s1, s12;
	s25 =	sadd.s32 $0x184E00, s0;
	[smem:$0x7F8] =	sst s21  }
0x35: {  	s7 =	sadd.s32 $0x7E00, s9;
	s20 =	sadd.s32 $0x305980, s0;
	[smem:$0x7FA] =	sst s23  }
0x36: {  	s6 =	sadd.s32 $0x6900, s9;
	s18 =	sadd.s32 $0x308E00, s0;
	[smem:$0x7FB] =	sst s24  }
0x37: {  	s16 =	sadd.s32 s1, s7;
	s22 =	sadd.s32 $0x184380, s0;
	[smem:$0x7FC] =	sst s25  }
0x38: {  	s26 =	sadd.s32 s4, s13;
	s8 =	sadd.s32 $0x30AD80, s0;
	[smem:$0x7E2] =	sst s16  }
0x39: {  	s13 =	sadd.s32 s1, s13;
	s17 =	sadd.s32 $0x30CD00, s0;
	[smem:$0x7E6] =	sst s20  }
0x3a: {  	s19 =	smax.u32 s3, $0x1;
	s21 =	simm.s32 $0x1;
	[smem:$0x7F5] =	sst s18  }
0x3b: {  	s23 =	simm.s32 $0x2;
	s24 =	simm.s32 $0xFC00;
	[smem:$0x7F9] =	sst s22  }
0x3c: {  	s25 =	simm.s32 $0x3;
	s14 =	sadd.s32 s4, s6;
	[smem:$0x7FD] =	sst s26  }
0x3d: {  	s5 =	sadd.s32 s1, s6;
	s6 =	sadd.s32 s1, s15;
	[dreg:$0x16] =	wrdreg s14  }
0x3e: {  	s15 =	sadd.s32 $0x17EF80, s0;
	s16 =	sadd.s32 $0x182E80, s0;
	[dreg:$0x19] =	wrdreg s5  }
0x3f: {  	s20 =	sadd.s32 s4, s12;
	s12 =	sadd.s32 $0x186300, s0;
	[smem:$0x7DC] =	sst s6  }
0x40: {  	s3 =	simm.s32 $0x9;
	s18 =	sadd.s32 $0x30D780, s0;
	[smem:$0x7E1] =	sst s15  }
0x41: {  	s22 =	simm.s32 $0xA800;
	s5 =	sadd.s32 $0xBD00, s9;
	[smem:$0x7F3] =	sst s16  }
0x42: {  	s9 =	sadd.s32 s4, s7;
	s14 =	sadd.s32 $0x304480, s0;
	[smem:$0x7F7] =	sst s20  }
0x43: {  	s26 =	simm.s32 $0x15000;
	s7 =	sadd.s32 $0x181980, s0;
	[smem:$0x7DF] =	sst s9  }
0x44: {  	s15 =	sadd.s32 $0x308380, s0;
	s20 =	simm.s32 $0x5400;
	[smem:$0x7E0] =	sst s14  }
0x45: {  	s6 =	simm.s32 $0xC;
	[smem:$0x7ED] =	sst s7;
	s9 =	sadd.s32 $0x307900, s0  }
.Ltmp0:
0x46: {  	s14 =	sadd.s32 s4, s11;
	[smem:$0x7F2] =	sst s15;
	(pc) =	sbr.rel .LBB2_1-.Ltmp0, $4  }
0x47: {  	s10 =	sadd.s32 s4, s5;
	s11 =	sadd.s32 $0x30B800, s0;
	s15 =	sadd.s32 $0x186D80, s0  }
0x48: {  	s16 =	sadd.s32 s1, s5;
	s1 =	simm.s32 $0x8;
	[smem:$0x7EF] =	sst s9  }
0x49: {  	s4 =	simm.s32 $0xA;
	s5 =	simm.s32 $0xB;
	[smem:$0x7F1] =	sst s14  }
0x4a: {  	s9 =	sadd.s32 $0x185880, s0;
	s14 =	sadd.s32 $0x30C280, s0;
	s0 =	simm.s32 $0x6  }
.LBB2_3:
0x4b: {  	s7 =	rddreg [dreg:$0x17]  }
0x4c: {  	[tilespmem:s2], [sflag:$0x1] =	stream.linear.gather [hbm4b:s7+s2], $0x5400, $0x38;
	[tilespmem:$0x1F800] =	vst v63  }
0x4d: {  	s7 =	rddreg [dreg:$0x18]  }
0x4e: {  	[tilespmem:s20], [sflag:$0x2] =	stream.linear.gather [hbm4b:s7+s2], $0x5400, $0x38;
	[tilespmem:$0x1F800] =	vst v63  }
0x4f: {  	_ =	swait.ge [sflag:s21], $0x5400  }
0x50: {  	[sflag:s21] =	ssyncset.done $0x0  }
0x51: {  	s7 =	rddreg [dreg:$0x1a];
	[sflag:s21] =	ssyncadd.s32 $0xFFFFAC00  }
0x52: {  	[hbm4b:s7+s2] =	stream.linear.scatter [tilespmem:s2], [sflag:$0x7], $0x5400, $0x38;
	[tilespmem:$0x1F800] =	vst v63  }
0x53: {  	s7 =	rddreg [dreg:$0x1b]  }
0x54: {  	[tilespmem:s22], [sflag:$0x3] =	stream.linear.gather [hbm4b:s7+s2], $0x5400, $0x38;
	[tilespmem:$0x1F800] =	vst v63  }
0x55: {  	_ =	swait.ge [sflag:s23], $0x5400  }
0x56: {  	[sflag:s23] =	ssyncset.done $0x0  }
0x57: {  	s7 =	rddreg [dreg:$0x1c];
	[sflag:s23] =	ssyncadd.s32 $0xFFFFAC00  }
0x58: {  	[hbm4b:s7+s2] =	stream.linear.scatter [tilespmem:s20], [sflag:$0x8], $0x5400, $0x38;
	[tilespmem:$0x1F800] =	vst v63  }
0x59: {  	s7 =	rddreg [dreg:$0x1d]  }
0x5a: {  	[tilespmem:s24], [sflag:$0x4] =	stream.linear.gather [hbm4b:s7+s2], $0x5400, $0x38;
	[tilespmem:$0x1F800] =	vst v63  }
0x5b: {  	_ =	swait.ge [sflag:s25], $0x5400  }
0x5c: {  	[sflag:s25] =	ssyncset.done $0x0  }
0x5d: {  	s7 =	rddreg [dreg:$0x1f];
	[sflag:s25] =	ssyncadd.s32 $0xFFFFAC00  }
0x5e: {  	[hbm4b:s7+s2] =	stream.linear.scatter [tilespmem:s22], [sflag:$0x9], $0x5400, $0x38;
	[tilespmem:$0x1F800] =	vst v63  }
0x5f: {  	s7 =	sld [smem:$0x7DB];
	_ =	sdelay $0x2  }
0x60: {  	[tilespmem:s26], [sflag:$0x5] =	stream.linear.gather [hbm4b:s7+s2], $0x5400, $0x38;
	[tilespmem:$0x1F800] =	vst v63  }
0x61: {  	_ =	swait.ge [sflag:s28], $0x5400  }
0x62: {  	s7 =	sld [smem:$0x7DD]  }
0x63: {  	[sflag:s28] =	ssyncset.done $0x0  }
0x64: {  	[sflag:s28] =	ssyncadd.s32 $0xFFFFAC00  }
0x65: {  	[hbm4b:s7+s2] =	stream.linear.scatter [tilespmem:s24], [sflag:$0xA], $0x5400, $0x38;
	[tilespmem:$0x1F800] =	vst v63  }
0x66: {  	s7 =	sld [smem:$0x7DE];
	_ =	sdelay $0x2  }
0x67: {  	[tilespmem:s29], [sflag:$0x6] =	stream.linear.gather [hbm4b:s7+s2], $0x5400, $0x38;
	[tilespmem:$0x1F800] =	vst v63  }
0x68: {  	_ =	swait.ge [sflag:s30], $0x5400  }
0x69: {  	s7 =	sld [smem:$0x7E0]  }
0x6a: {  	[sflag:s30] =	ssyncset.done $0x0  }
0x6b: {  	[sflag:s30] =	ssyncadd.s32 $0xFFFFAC00  }
0x6c: {  	[hbm4b:s7+s2] =	stream.linear.scatter [tilespmem:s26], [sflag:$0xB], $0x5400, $0x38;
	[tilespmem:$0x1F800] =	vst v63  }
0x6d: {  	_ =	swait.ge [sflag:s31], $0x5400  }
0x6e: {  	s7 =	sld [smem:$0x7E1]  }
0x6f: {  	[sflag:s31] =	ssyncset.done $0x0  }
0x70: {  	[sflag:s31] =	ssyncadd.s32 $0xFFFFAC00  }
0x71: {  	[tilespmem:s2], [sflag:$0x1] =	stream.linear.gather [hbm4b:s7+s2], $0x5400, $0x38;
	[tilespmem:$0x1F800] =	vst v63  }
0x72: {  	_ =	swait.ge [sflag:s0], $0x5400  }
0x73: {  	s7 =	sld [smem:$0x7E3]  }
0x74: {  	[sflag:s0] =	ssyncset.done $0x0  }
0x75: {  	[sflag:s0] =	ssyncadd.s32 $0xFFFFAC00  }
0x76: {  	[hbm4b:s7+s2] =	stream.linear.scatter [tilespmem:s29], [sflag:$0xC], $0x5400, $0x38;
	[tilespmem:$0x1F800] =	vst v63  }
0x77: {  	_ =	swait.ge [sflag:s1], $0x5400  }
0x78: {  	s7 =	sld [smem:$0x7E4]  }
0x79: {  	[sflag:s1] =	ssyncset.done $0x0  }
0x7a: {  	[sflag:s1] =	ssyncadd.s32 $0xFFFFAC00  }
0x7b: {  	[tilespmem:s20], [sflag:$0x2] =	stream.linear.gather [hbm4b:s7+s2], $0x5400, $0x38;
	[tilespmem:$0x1F800] =	vst v63  }
0x7c: {  	_ =	swait.ge [sflag:s21], $0x5400  }
0x7d: {  	s7 =	sld [smem:$0x7E6]  }
0x7e: {  	[sflag:s21] =	ssyncset.done $0x0  }
0x7f: {  	[sflag:s21] =	ssyncadd.s32 $0xFFFFAC00  }
0x80: {  	[hbm4b:s7+s2] =	stream.linear.scatter [tilespmem:s2], [sflag:$0x7], $0x5400, $0x38;
	[tilespmem:$0x1F800] =	vst v63  }
0x81: {  	_ =	swait.ge [sflag:s3], $0x5400  }
0x82: {  	s7 =	sld [smem:$0x7E7]  }
0x83: {  	[sflag:s3] =	ssyncset.done $0x0  }
0x84: {  	[sflag:s3] =	ssyncadd.s32 $0xFFFFAC00  }
0x85: {  	[tilespmem:s22], [sflag:$0x3] =	stream.linear.gather [hbm4b:s7+s2], $0x5400, $0x38;
	[tilespmem:$0x1F800] =	vst v63  }
0x86: {  	_ =	swait.ge [sflag:s23], $0x5400  }
0x87: {  	s7 =	sld [smem:$0x7E9]  }
0x88: {  	[sflag:s23] =	ssyncset.done $0x0  }
0x89: {  	[sflag:s23] =	ssyncadd.s32 $0xFFFFAC00  }
0x8a: {  	[hbm4b:s7+s2] =	stream.linear.scatter [tilespmem:s20], [sflag:$0x8], $0x5400, $0x38;
	[tilespmem:$0x1F800] =	vst v63  }
0x8b: {  	_ =	swait.ge [sflag:s4], $0x5400  }
0x8c: {  	s7 =	sld [smem:$0x7EA]  }
0x8d: {  	[sflag:s4] =	ssyncset.done $0x0  }
0x8e: {  	[sflag:s4] =	ssyncadd.s32 $0xFFFFAC00  }
0x8f: {  	[tilespmem:s24], [sflag:$0x4] =	stream.linear.gather [hbm4b:s7+s2], $0x5400, $0x38;
	[tilespmem:$0x1F800] =	vst v63  }
0x90: {  	_ =	swait.ge [sflag:s25], $0x5400  }
0x91: {  	s7 =	sld [smem:$0x7EC]  }
0x92: {  	[sflag:s25] =	ssyncset.done $0x0  }
0x93: {  	[sflag:s25] =	ssyncadd.s32 $0xFFFFAC00  }
0x94: {  	[hbm4b:s7+s2] =	stream.linear.scatter [tilespmem:s22], [sflag:$0x9], $0x5400, $0x38;
	[tilespmem:$0x1F800] =	vst v63  }
0x95: {  	_ =	swait.ge [sflag:s5], $0x5400  }
0x96: {  	s7 =	sld [smem:$0x7ED]  }
0x97: {  	[sflag:s5] =	ssyncset.done $0x0  }
0x98: {  	[sflag:s5] =	ssyncadd.s32 $0xFFFFAC00  }
0x99: {  	[tilespmem:s26], [sflag:$0x5] =	stream.linear.gather [hbm4b:s7+s2], $0x5400, $0x38;
	[tilespmem:$0x1F800] =	vst v63  }
0x9a: {  	_ =	swait.ge [sflag:s28], $0x5400  }
0x9b: {  	s7 =	sld [smem:$0x7EF]  }
0x9c: {  	[sflag:s28] =	ssyncset.done $0x0  }
0x9d: {  	[sflag:s28] =	ssyncadd.s32 $0xFFFFAC00  }
0x9e: {  	[hbm4b:s7+s2] =	stream.linear.scatter [tilespmem:s24], [sflag:$0xA], $0x5400, $0x38;
	[tilespmem:$0x1F800] =	vst v63  }
0x9f: {  	_ =	swait.ge [sflag:s6], $0x5400  }
0xa0: {  	s7 =	sld [smem:$0x7F0]  }
0xa1: {  	[sflag:s6] =	ssyncset.done $0x0  }
0xa2: {  	[sflag:s6] =	ssyncadd.s32 $0xFFFFAC00  }
0xa3: {  	[tilespmem:s29], [sflag:$0x6] =	stream.linear.gather [hbm4b:s7+s2], $0x5400, $0x38;
	[tilespmem:$0x1F800] =	vst v63  }
0xa4: {  	_ =	swait.ge [sflag:s30], $0x5400  }
0xa5: {  	s7 =	sld [smem:$0x7F2]  }
0xa6: {  	[sflag:s30] =	ssyncset.done $0x0  }
0xa7: {  	[sflag:s30] =	ssyncadd.s32 $0xFFFFAC00  }
0xa8: {  	[hbm4b:s7+s2] =	stream.linear.scatter [tilespmem:s26], [sflag:$0xB], $0x5400, $0x38;
	[tilespmem:$0x1F800] =	vst v63  }
0xa9: {  	_ =	swait.ge [sflag:s31], $0x5400  }
0xaa: {  	s7 =	sld [smem:$0x7F3]  }
0xab: {  	[sflag:s31] =	ssyncset.done $0x0  }
0xac: {  	[sflag:s31] =	ssyncadd.s32 $0xFFFFAC00  }
0xad: {  	[tilespmem:s2], [sflag:$0x1] =	stream.linear.gather [hbm4b:s7+s2], $0x5400, $0x38;
	[tilespmem:$0x1F800] =	vst v63  }
0xae: {  	_ =	swait.ge [sflag:s0], $0x5400  }
0xaf: {  	s7 =	sld [smem:$0x7F5]  }
0xb0: {  	[sflag:s0] =	ssyncset.done $0x0  }
0xb1: {  	[sflag:s0] =	ssyncadd.s32 $0xFFFFAC00  }
0xb2: {  	[hbm4b:s7+s2] =	stream.linear.scatter [tilespmem:s29], [sflag:$0xC], $0x5400, $0x38;
	[tilespmem:$0x1F800] =	vst v63  }
0xb3: {  	_ =	swait.ge [sflag:s1], $0x5400  }
0xb4: {  	s7 =	sld [smem:$0x7F6]  }
0xb5: {  	[sflag:s1] =	ssyncset.done $0x0  }
0xb6: {  	[sflag:s1] =	ssyncadd.s32 $0xFFFFAC00  }
0xb7: {  	[tilespmem:s20], [sflag:$0x2] =	stream.linear.gather [hbm4b:s7+s2], $0x5400, $0x38;
	[tilespmem:$0x1F800] =	vst v63  }
0xb8: {  	_ =	swait.ge [sflag:s21], $0x5400  }
0xb9: {  	s7 =	sld [smem:$0x7F8]  }
0xba: {  	[sflag:s21] =	ssyncset.done $0x0  }
0xbb: {  	[sflag:s21] =	ssyncadd.s32 $0xFFFFAC00  }
0xbc: {  	[hbm4b:s7+s2] =	stream.linear.scatter [tilespmem:s2], [sflag:$0x7], $0x5400, $0x38;
	[tilespmem:$0x1F800] =	vst v63  }
0xbd: {  	_ =	swait.ge [sflag:s3], $0x5400  }
0xbe: {  	s7 =	sld [smem:$0x7F9]  }
0xbf: {  	[sflag:s3] =	ssyncset.done $0x0  }
0xc0: {  	[sflag:s3] =	ssyncadd.s32 $0xFFFFAC00  }
0xc1: {  	[tilespmem:s22], [sflag:$0x3] =	stream.linear.gather [hbm4b:s7+s2], $0x5400, $0x38;
	[tilespmem:$0x1F800] =	vst v63  }
0xc2: {  	_ =	swait.ge [sflag:s23], $0x5400  }
0xc3: {  	s7 =	sld [smem:$0x7FB]  }
0xc4: {  	[sflag:s23] =	ssyncset.done $0x0  }
0xc5: {  	[sflag:s23] =	ssyncadd.s32 $0xFFFFAC00  }
0xc6: {  	[hbm4b:s7+s2] =	stream.linear.scatter [tilespmem:s20], [sflag:$0x8], $0x5400, $0x38;
	[tilespmem:$0x1F800] =	vst v63  }
0xc7: {  	_ =	swait.ge [sflag:s4], $0x5400  }
0xc8: {  	s7 =	sld [smem:$0x7FC]  }
0xc9: {  	[sflag:s4] =	ssyncset.done $0x0  }
0xca: {  	[sflag:s4] =	ssyncadd.s32 $0xFFFFAC00  }
0xcb: {  	[tilespmem:s24], [sflag:$0x4] =	stream.linear.gather [hbm4b:s7+s2], $0x5400, $0x38;
	[tilespmem:$0x1F800] =	vst v63  }
0xcc: {  	_ =	swait.ge [sflag:s25], $0x5400  }
0xcd: {  	[sflag:s25] =	ssyncset.done $0x0  }
0xce: {  	[sflag:s25] =	ssyncadd.s32 $0xFFFFAC00  }
0xcf: {  	[hbm4b:s8+s2] =	stream.linear.scatter [tilespmem:s22], [sflag:$0x9], $0x5400, $0x38;
	[tilespmem:$0x1F800] =	vst v63  }
0xd0: {  	_ =	swait.ge [sflag:s5], $0x5400  }
0xd1: {  	[sflag:s5] =	ssyncset.done $0x0  }
0xd2: {  	[sflag:s5] =	ssyncadd.s32 $0xFFFFAC00  }
0xd3: {  	[tilespmem:s26], [sflag:$0x5] =	stream.linear.gather [hbm4b:s9+s2], $0x5400, $0x38;
	[tilespmem:$0x1F800] =	vst v63  }
0xd4: {  	_ =	swait.ge [sflag:s28], $0x5400  }
0xd5: {  	[sflag:s28] =	ssyncset.done $0x0  }
0xd6: {  	[sflag:s28] =	ssyncadd.s32 $0xFFFFAC00  }
0xd7: {  	[hbm4b:s11+s2] =	stream.linear.scatter [tilespmem:s24], [sflag:$0xA], $0x5400, $0x38;
	[tilespmem:$0x1F800] =	vst v63  }
0xd8: {  	_ =	swait.ge [sflag:s6], $0x5400  }
0xd9: {  	[sflag:s6] =	ssyncset.done $0x0  }
0xda: {  	[sflag:s6] =	ssyncadd.s32 $0xFFFFAC00  }
0xdb: {  	[tilespmem:s29], [sflag:$0x6] =	stream.linear.gather [hbm4b:s12+s2], $0x5400, $0x38;
	[tilespmem:$0x1F800] =	vst v63  }
0xdc: {  	_ =	swait.ge [sflag:s30], $0x5400  }
0xdd: {  	[sflag:s30] =	ssyncset.done $0x0  }
0xde: {  	[sflag:s30] =	ssyncadd.s32 $0xFFFFAC00  }
0xdf: {  	[hbm4b:s14+s2] =	stream.linear.scatter [tilespmem:s26], [sflag:$0xB], $0x5400, $0x38;
	[tilespmem:$0x1F800] =	vst v63  }
0xe0: {  	_ =	swait.ge [sflag:s31], $0x5400  }
0xe1: {  	[sflag:s31] =	ssyncset.done $0x0  }
0xe2: {  	[sflag:s31] =	ssyncadd.s32 $0xFFFFAC00  }
0xe3: {  	[tilespmem:s2], [sflag:$0x1] =	stream.linear.gather [hbm4b:s15+s2], $0x400, $0x38;
	[tilespmem:$0x1F800] =	vst v63  }
0xe4: {  	_ =	swait.ge [sflag:s0], $0x5400  }
0xe5: {  	[sflag:s0] =	ssyncset.done $0x0  }
0xe6: {  	[sflag:s0] =	ssyncadd.s32 $0xFFFFAC00  }
0xe7: {  	[hbm4b:s17+s2] =	stream.linear.scatter [tilespmem:s29], [sflag:$0xC], $0x5400, $0x38;
	[tilespmem:$0x1F800] =	vst v63  }
0xe8: {  	_ =	swait.ge [sflag:s21], $0x400  }
0xe9: {  	[sflag:s21] =	ssyncset.done $0x0  }
0xea: {  	[sflag:s21] =	ssyncadd.s32 $0xFFFFFC00  }
0xeb: {  	[hbm4b:s18+s2] =	stream.linear.scatter [tilespmem:s2], [sflag:$0x7], $0x400, $0x38;
	[tilespmem:$0x1F800] =	vst v63  }
0xec: {  	_ =	swait.ge [sflag:s1], $0x5400  }
0xed: {  	[sflag:s1] =	ssyncset.done $0x0  }
0xee: {  	[sflag:s1] =	ssyncadd.s32 $0xFFFFAC00  }
0xef: {  	_ =	swait.ge [sflag:s3], $0x5400  }
0xf0: {  	[sflag:s3] =	ssyncset.done $0x0  }
0xf1: {  	[sflag:s3] =	ssyncadd.s32 $0xFFFFAC00  }
0xf2: {  	_ =	swait.ge [sflag:s4], $0x5400  }
0xf3: {  	[sflag:s4] =	ssyncset.done $0x0  }
0xf4: {  	[sflag:s4] =	ssyncadd.s32 $0xFFFFAC00  }
0xf5: {  	_ =	swait.ge [sflag:s5], $0x5400  }
0xf6: {  	[sflag:s5] =	ssyncset.done $0x0  }
0xf7: {  	[sflag:s5] =	ssyncadd.s32 $0xFFFFAC00  }
0xf8: {  	_ =	swait.ge [sflag:s6], $0x5400  }
0xf9: {  	[sflag:s6] =	ssyncset.done $0x0  }
0xfa: {  	[sflag:s6] =	ssyncadd.s32 $0xFFFFAC00  }
0xfb: {  	_ =	swait.ge [sflag:s31], $0x400  }
0xfc: {  	[sflag:s31] =	ssyncset.done $0x0  }
0xfd: {  	[sflag:s31] =	ssyncadd.s32 $0xFFFFFC00  }
.LBB2_4:
0xfe: {  	s19 =	sadd.s32 $0xFFFFFFFF, s19  }
0xff: {  	p1 =	sne.s32 s19, $0x0  }
.Ltmp1:
0x100: {  	_ = 	snop;
	(pc) =	sbr.rel @!p1 .LBB2_5-.Ltmp1, $1  }
0x101: {  	_ =	sdelay $0x3  }
.LBB2_1:
.Ltmp2:
0x102: {  	(pc) =	sbr.rel @p0 .LBB2_3-.Ltmp2, $1  }
0x103: {  	_ =	sdelay $0x3  }
0x104: {  	s7 =	rddreg [dreg:$0x2]  }
0x105: {  	[tilespmem:s2], [sflag:$0x1] =	stream.linear.gather [hbm4b:s7+s2], $0x5400, $0x38;
	[tilespmem:$0x1F800] =	vst v63  }
0x106: {  	s7 =	rddreg [dreg:$0x3]  }
0x107: {  	[tilespmem:s20], [sflag:$0x2] =	stream.linear.gather [hbm4b:s7+s2], $0x5400, $0x38;
	[tilespmem:$0x1F800] =	vst v63  }
0x108: {  	_ =	swait.ge [sflag:s21], $0x5400  }
0x109: {  	[sflag:s21] =	ssyncset.done $0x0  }
0x10a: {  	s7 =	rddreg [dreg:$0x4];
	[sflag:s21] =	ssyncadd.s32 $0xFFFFAC00  }
0x10b: {  	[hbm4b:s7+s2] =	stream.linear.scatter [tilespmem:s2], [sflag:$0x7], $0x5400, $0x38;
	[tilespmem:$0x1F800] =	vst v63  }
0x10c: {  	s7 =	rddreg [dreg:$0x5]  }
0x10d: {  	[tilespmem:s22], [sflag:$0x3] =	stream.linear.gather [hbm4b:s7+s2], $0x5400, $0x38;
	[tilespmem:$0x1F800] =	vst v63  }
0x10e: {  	_ =	swait.ge [sflag:s23], $0x5400  }
0x10f: {  	[sflag:s23] =	ssyncset.done $0x0  }
0x110: {  	s7 =	rddreg [dreg:$0x6];
	[sflag:s23] =	ssyncadd.s32 $0xFFFFAC00  }
0x111: {  	[hbm4b:s7+s2] =	stream.linear.scatter [tilespmem:s20], [sflag:$0x8], $0x5400, $0x38;
	[tilespmem:$0x1F800] =	vst v63  }
0x112: {  	s7 =	rddreg [dreg:$0x7]  }
0x113: {  	[tilespmem:s24], [sflag:$0x4] =	stream.linear.gather [hbm4b:s7+s2], $0x5400, $0x38;
	[tilespmem:$0x1F800] =	vst v63  }
0x114: {  	_ =	swait.ge [sflag:s25], $0x5400  }
0x115: {  	[sflag:s25] =	ssyncset.done $0x0  }
0x116: {  	s7 =	rddreg [dreg:$0x8];
	[sflag:s25] =	ssyncadd.s32 $0xFFFFAC00  }
0x117: {  	[hbm4b:s7+s2] =	stream.linear.scatter [tilespmem:s22], [sflag:$0x9], $0x5400, $0x38;
	[tilespmem:$0x1F800] =	vst v63  }
0x118: {  	s7 =	rddreg [dreg:$0x9]  }
0x119: {  	[tilespmem:s26], [sflag:$0x5] =	stream.linear.gather [hbm4b:s7+s2], $0x5400, $0x38;
	[tilespmem:$0x1F800] =	vst v63  }
0x11a: {  	_ =	swait.ge [sflag:s28], $0x5400  }
0x11b: {  	[sflag:s28] =	ssyncset.done $0x0  }
0x11c: {  	s7 =	rddreg [dreg:$0xa];
	[sflag:s28] =	ssyncadd.s32 $0xFFFFAC00  }
0x11d: {  	[hbm4b:s7+s2] =	stream.linear.scatter [tilespmem:s24], [sflag:$0xA], $0x5400, $0x38;
	[tilespmem:$0x1F800] =	vst v63  }
0x11e: {  	s7 =	rddreg [dreg:$0xb]  }
0x11f: {  	[tilespmem:s29], [sflag:$0x6] =	stream.linear.gather [hbm4b:s7+s2], $0x5400, $0x38;
	[tilespmem:$0x1F800] =	vst v63  }
0x120: {  	_ =	swait.ge [sflag:s30], $0x5400  }
0x121: {  	[sflag:s30] =	ssyncset.done $0x0  }
0x122: {  	s7 =	rddreg [dreg:$0xc];
	[sflag:s30] =	ssyncadd.s32 $0xFFFFAC00  }
0x123: {  	[hbm4b:s7+s2] =	stream.linear.scatter [tilespmem:s26], [sflag:$0xB], $0x5400, $0x38;
	[tilespmem:$0x1F800] =	vst v63  }
0x124: {  	_ =	swait.ge [sflag:s31], $0x5400  }
0x125: {  	[sflag:s31] =	ssyncset.done $0x0  }
0x126: {  	s7 =	rddreg [dreg:$0xd];
	[sflag:s31] =	ssyncadd.s32 $0xFFFFAC00  }
0x127: {  	[tilespmem:s2], [sflag:$0x1] =	stream.linear.gather [hbm4b:s7+s2], $0x5400, $0x38;
	[tilespmem:$0x1F800] =	vst v63  }
0x128: {  	_ =	swait.ge [sflag:s0], $0x5400  }
0x129: {  	[sflag:s0] =	ssyncset.done $0x0  }
0x12a: {  	s7 =	rddreg [dreg:$0xe];
	[sflag:s0] =	ssyncadd.s32 $0xFFFFAC00  }
0x12b: {  	[hbm4b:s7+s2] =	stream.linear.scatter [tilespmem:s29], [sflag:$0xC], $0x5400, $0x38;
	[tilespmem:$0x1F800] =	vst v63  }
0x12c: {  	_ =	swait.ge [sflag:s1], $0x5400  }
0x12d: {  	[sflag:s1] =	ssyncset.done $0x0  }
0x12e: {  	s7 =	rddreg [dreg:$0xf];
	[sflag:s1] =	ssyncadd.s32 $0xFFFFAC00  }
0x12f: {  	[tilespmem:s20], [sflag:$0x2] =	stream.linear.gather [hbm4b:s7+s2], $0x5400, $0x38;
	[tilespmem:$0x1F800] =	vst v63  }
0x130: {  	_ =	swait.ge [sflag:s21], $0x5400  }
0x131: {  	[sflag:s21] =	ssyncset.done $0x0  }
0x132: {  	s7 =	rddreg [dreg:$0x10];
	[sflag:s21] =	ssyncadd.s32 $0xFFFFAC00  }
0x133: {  	[hbm4b:s7+s2] =	stream.linear.scatter [tilespmem:s2], [sflag:$0x7], $0x5400, $0x38;
	[tilespmem:$0x1F800] =	vst v63  }
0x134: {  	_ =	swait.ge [sflag:s3], $0x5400  }
0x135: {  	[sflag:s3] =	ssyncset.done $0x0  }
0x136: {  	s7 =	rddreg [dreg:$0x12];
	[sflag:s3] =	ssyncadd.s32 $0xFFFFAC00  }
0x137: {  	[tilespmem:s22], [sflag:$0x3] =	stream.linear.gather [hbm4b:s7+s2], $0x5400, $0x38;
	[tilespmem:$0x1F800] =	vst v63  }
0x138: {  	_ =	swait.ge [sflag:s23], $0x5400  }
0x139: {  	[sflag:s23] =	ssyncset.done $0x0  }
0x13a: {  	s7 =	rddreg [dreg:$0x11];
	[sflag:s23] =	ssyncadd.s32 $0xFFFFAC00  }
0x13b: {  	[hbm4b:s7+s2] =	stream.linear.scatter [tilespmem:s20], [sflag:$0x8], $0x5400, $0x38;
	[tilespmem:$0x1F800] =	vst v63  }
0x13c: {  	_ =	swait.ge [sflag:s4], $0x5400  }
0x13d: {  	[sflag:s4] =	ssyncset.done $0x0  }
0x13e: {  	s7 =	rddreg [dreg:$0x14];
	[sflag:s4] =	ssyncadd.s32 $0xFFFFAC00  }
0x13f: {  	[tilespmem:s24], [sflag:$0x4] =	stream.linear.gather [hbm4b:s7+s2], $0x5400, $0x38;
	[tilespmem:$0x1F800] =	vst v63  }
0x140: {  	_ =	swait.ge [sflag:s25], $0x5400  }
0x141: {  	[sflag:s25] =	ssyncset.done $0x0  }
0x142: {  	s7 =	rddreg [dreg:$0x13];
	[sflag:s25] =	ssyncadd.s32 $0xFFFFAC00  }
0x143: {  	[hbm4b:s7+s2] =	stream.linear.scatter [tilespmem:s22], [sflag:$0x9], $0x5400, $0x38;
	[tilespmem:$0x1F800] =	vst v63  }
0x144: {  	_ =	swait.ge [sflag:s5], $0x5400  }
0x145: {  	[sflag:s5] =	ssyncset.done $0x0  }
0x146: {  	s7 =	rddreg [dreg:$0x16];
	[sflag:s5] =	ssyncadd.s32 $0xFFFFAC00  }
0x147: {  	[tilespmem:s26], [sflag:$0x5] =	stream.linear.gather [hbm4b:s7+s2], $0x5400, $0x38;
	[tilespmem:$0x1F800] =	vst v63  }
0x148: {  	_ =	swait.ge [sflag:s28], $0x5400  }
0x149: {  	[sflag:s28] =	ssyncset.done $0x0  }
0x14a: {  	s7 =	rddreg [dreg:$0x15];
	[sflag:s28] =	ssyncadd.s32 $0xFFFFAC00  }
0x14b: {  	[hbm4b:s7+s2] =	stream.linear.scatter [tilespmem:s24], [sflag:$0xA], $0x5400, $0x38;
	[tilespmem:$0x1F800] =	vst v63  }
0x14c: {  	_ =	swait.ge [sflag:s6], $0x5400  }
0x14d: {  	[sflag:s6] =	ssyncset.done $0x0  }
0x14e: {  	s7 =	rddreg [dreg:$0x1e];
	[sflag:s6] =	ssyncadd.s32 $0xFFFFAC00  }
0x14f: {  	[tilespmem:s29], [sflag:$0x6] =	stream.linear.gather [hbm4b:s7+s2], $0x5400, $0x38;
	[tilespmem:$0x1F800] =	vst v63  }
0x150: {  	_ =	swait.ge [sflag:s30], $0x5400  }
0x151: {  	[sflag:s30] =	ssyncset.done $0x0  }
0x152: {  	s7 =	rddreg [dreg:$0x19];
	[sflag:s30] =	ssyncadd.s32 $0xFFFFAC00  }
0x153: {  	[hbm4b:s7+s2] =	stream.linear.scatter [tilespmem:s26], [sflag:$0xB], $0x5400, $0x38;
	[tilespmem:$0x1F800] =	vst v63  }
0x154: {  	_ =	swait.ge [sflag:s31], $0x5400  }
0x155: {  	s7 =	sld [smem:$0x7DF]  }
0x156: {  	[sflag:s31] =	ssyncset.done $0x0  }
0x157: {  	[sflag:s31] =	ssyncadd.s32 $0xFFFFAC00  }
0x158: {  	[tilespmem:s2], [sflag:$0x1] =	stream.linear.gather [hbm4b:s7+s2], $0x5400, $0x38;
	[tilespmem:$0x1F800] =	vst v63  }
0x159: {  	_ =	swait.ge [sflag:s0], $0x5400  }
0x15a: {  	s7 =	sld [smem:$0x7DC]  }
0x15b: {  	[sflag:s0] =	ssyncset.done $0x0  }
0x15c: {  	[sflag:s0] =	ssyncadd.s32 $0xFFFFAC00  }
0x15d: {  	[hbm4b:s7+s2] =	stream.linear.scatter [tilespmem:s29], [sflag:$0xC], $0x5400, $0x38;
	[tilespmem:$0x1F800] =	vst v63  }
0x15e: {  	_ =	swait.ge [sflag:s1], $0x5400  }
0x15f: {  	s7 =	sld [smem:$0x7E5]  }
0x160: {  	[sflag:s1] =	ssyncset.done $0x0  }
0x161: {  	[sflag:s1] =	ssyncadd.s32 $0xFFFFAC00  }
0x162: {  	[tilespmem:s20], [sflag:$0x2] =	stream.linear.gather [hbm4b:s7+s2], $0x5400, $0x38;
	[tilespmem:$0x1F800] =	vst v63  }
0x163: {  	_ =	swait.ge [sflag:s21], $0x5400  }
0x164: {  	s7 =	sld [smem:$0x7E2]  }
0x165: {  	[sflag:s21] =	ssyncset.done $0x0  }
0x166: {  	[sflag:s21] =	ssyncadd.s32 $0xFFFFAC00  }
0x167: {  	[hbm4b:s7+s2] =	stream.linear.scatter [tilespmem:s2], [sflag:$0x7], $0x5400, $0x38;
	[tilespmem:$0x1F800] =	vst v63  }
0x168: {  	_ =	swait.ge [sflag:s3], $0x5400  }
0x169: {  	s7 =	sld [smem:$0x7EB]  }
0x16a: {  	[sflag:s3] =	ssyncset.done $0x0  }
0x16b: {  	[sflag:s3] =	ssyncadd.s32 $0xFFFFAC00  }
0x16c: {  	[tilespmem:s22], [sflag:$0x3] =	stream.linear.gather [hbm4b:s7+s2], $0x5400, $0x38;
	[tilespmem:$0x1F800] =	vst v63  }
0x16d: {  	_ =	swait.ge [sflag:s23], $0x5400  }
0x16e: {  	s7 =	sld [smem:$0x7E8]  }
0x16f: {  	[sflag:s23] =	ssyncset.done $0x0  }
0x170: {  	[sflag:s23] =	ssyncadd.s32 $0xFFFFAC00  }
0x171: {  	[hbm4b:s7+s2] =	stream.linear.scatter [tilespmem:s20], [sflag:$0x8], $0x5400, $0x38;
	[tilespmem:$0x1F800] =	vst v63  }
0x172: {  	_ =	swait.ge [sflag:s4], $0x5400  }
0x173: {  	s7 =	sld [smem:$0x7F1]  }
0x174: {  	[sflag:s4] =	ssyncset.done $0x0  }
0x175: {  	[sflag:s4] =	ssyncadd.s32 $0xFFFFAC00  }
0x176: {  	[tilespmem:s24], [sflag:$0x4] =	stream.linear.gather [hbm4b:s7+s2], $0x5400, $0x38;
	[tilespmem:$0x1F800] =	vst v63  }
0x177: {  	_ =	swait.ge [sflag:s25], $0x5400  }
0x178: {  	s7 =	sld [smem:$0x7EE]  }
0x179: {  	[sflag:s25] =	ssyncset.done $0x0  }
0x17a: {  	[sflag:s25] =	ssyncadd.s32 $0xFFFFAC00  }
0x17b: {  	[hbm4b:s7+s2] =	stream.linear.scatter [tilespmem:s22], [sflag:$0x9], $0x5400, $0x38;
	[tilespmem:$0x1F800] =	vst v63  }
0x17c: {  	_ =	swait.ge [sflag:s5], $0x5400  }
0x17d: {  	s7 =	sld [smem:$0x7F7]  }
0x17e: {  	[sflag:s5] =	ssyncset.done $0x0  }
0x17f: {  	[sflag:s5] =	ssyncadd.s32 $0xFFFFAC00  }
0x180: {  	[tilespmem:s26], [sflag:$0x5] =	stream.linear.gather [hbm4b:s7+s2], $0x5400, $0x38;
	[tilespmem:$0x1F800] =	vst v63  }
0x181: {  	_ =	swait.ge [sflag:s28], $0x5400  }
0x182: {  	s7 =	sld [smem:$0x7F4]  }
0x183: {  	[sflag:s28] =	ssyncset.done $0x0  }
0x184: {  	[sflag:s28] =	ssyncadd.s32 $0xFFFFAC00  }
0x185: {  	[hbm4b:s7+s2] =	stream.linear.scatter [tilespmem:s24], [sflag:$0xA], $0x5400, $0x38;
	[tilespmem:$0x1F800] =	vst v63  }
0x186: {  	_ =	swait.ge [sflag:s6], $0x5400  }
0x187: {  	s7 =	sld [smem:$0x7FD]  }
0x188: {  	[sflag:s6] =	ssyncset.done $0x0  }
0x189: {  	[sflag:s6] =	ssyncadd.s32 $0xFFFFAC00  }
0x18a: {  	[tilespmem:s29], [sflag:$0x6] =	stream.linear.gather [hbm4b:s7+s2], $0x5400, $0x38;
	[tilespmem:$0x1F800] =	vst v63  }
0x18b: {  	_ =	swait.ge [sflag:s30], $0x5400  }
0x18c: {  	s7 =	sld [smem:$0x7FA]  }
0x18d: {  	[sflag:s30] =	ssyncset.done $0x0  }
0x18e: {  	[sflag:s30] =	ssyncadd.s32 $0xFFFFAC00  }
0x18f: {  	[hbm4b:s7+s2] =	stream.linear.scatter [tilespmem:s26], [sflag:$0xB], $0x5400, $0x38;
	[tilespmem:$0x1F800] =	vst v63  }
0x190: {  	_ =	swait.ge [sflag:s31], $0x5400  }
0x191: {  	[sflag:s31] =	ssyncset.done $0x0  }
0x192: {  	[sflag:s31] =	ssyncadd.s32 $0xFFFFAC00  }
0x193: {  	[tilespmem:s2], [sflag:$0x1] =	stream.linear.gather [hbm4b:s10+s2], $0x3400, $0x38;
	[tilespmem:$0x1F800] =	vst v63  }
0x194: {  	_ =	swait.ge [sflag:s0], $0x5400  }
0x195: {  	[sflag:s0] =	ssyncset.done $0x0  }
0x196: {  	[sflag:s0] =	ssyncadd.s32 $0xFFFFAC00  }
0x197: {  	[hbm4b:s13+s2] =	stream.linear.scatter [tilespmem:s29], [sflag:$0xC], $0x5400, $0x38;
	[tilespmem:$0x1F800] =	vst v63  }
0x198: {  	_ =	swait.ge [sflag:s21], $0x3400  }
0x199: {  	[sflag:s21] =	ssyncset.done $0x0  }
0x19a: {  	[sflag:s21] =	ssyncadd.s32 $0xFFFFCC00  }
0x19b: {  	[hbm4b:s16+s2] =	stream.linear.scatter [tilespmem:s2], [sflag:$0x7], $0x3400, $0x38;
	[tilespmem:$0x1F800] =	vst v63  }
0x19c: {  	_ =	swait.ge [sflag:s1], $0x5400  }
0x19d: {  	[sflag:s1] =	ssyncset.done $0x0  }
0x19e: {  	[sflag:s1] =	ssyncadd.s32 $0xFFFFAC00  }
0x19f: {  	_ =	swait.ge [sflag:s3], $0x5400  }
0x1a0: {  	[sflag:s3] =	ssyncset.done $0x0  }
0x1a1: {  	[sflag:s3] =	ssyncadd.s32 $0xFFFFAC00  }
0x1a2: {  	_ =	swait.ge [sflag:s4], $0x5400  }
0x1a3: {  	[sflag:s4] =	ssyncset.done $0x0  }
0x1a4: {  	[sflag:s4] =	ssyncadd.s32 $0xFFFFAC00  }
0x1a5: {  	_ =	swait.ge [sflag:s5], $0x5400  }
0x1a6: {  	[sflag:s5] =	ssyncset.done $0x0  }
0x1a7: {  	[sflag:s5] =	ssyncadd.s32 $0xFFFFAC00  }
0x1a8: {  	_ =	swait.ge [sflag:s6], $0x5400  }
.Ltmp3:
0x1a9: {  	[sflag:s6] =	ssyncset.done $0x0;
	(pc) =	sbr.rel .LBB2_4-.Ltmp3, $4  }
0x1aa: {  	[sflag:s6] =	ssyncadd.s32 $0xFFFFAC00  }
0x1ab: {  	_ =	swait.ge [sflag:s31], $0x3400  }
0x1ac: {  	[sflag:s31] =	ssyncset.done $0x0  }
0x1ad: {  	[sflag:s31] =	ssyncadd.s32 $0xFFFFCC00  }
.LBB2_5:
0x1ae: {  	_ =	sfence.sel $0x180000  }
0x1af: {  	[bflag:$0x0] =	sbarrier.arrive $0xFFFF  }
0x1b0: {  	_ =	strace $0x90000047  }
0x1b1: {  	s0 =	stileid.u32;
	[bflag:$0x2] =	sbarrier.arrive $0xFFFF  }
0x1b2: {  	p0 =	sne.s32 s0, $0x0;
	s0 =	rddreg [dreg:$0x1]  }
0x1b3: {  	s0 =	sadd.s32 @!p0 $0x100000, s0  }
0x1b4: {  	[sflag:s0] =	ssyncadd.tile.s32 @!p0 $0x1;
	_ =	shalt  }
.Lfunc_end2:
_tile_overlayer_lowered:
.L_overlay_start_2:
0x1b5: {  	(tag) =	ssettag $0x2  }
0x1b6: {  	s0 =	rddreg [dreg:$0x0];
	s2 =	stileid.u32  }
0x1b7: {  	s1 =	rddreg [dreg:$0x1];
	p0 =	sne.s32 s2, $0x0  }
0x1b8: {  	s3 =	rddreg [dreg:$0x2];
	[bflag:$0x3] =	sbarrier.arrive $0xFFFF;
	s2 =	simm.s32 @!p0 $0x1C0D  }
0x1b9: {  	[timem:s3], [sflag:s2] =	dma.local @!p0 [hbm:s0], s1  }
0x1ba: {  	s0 =	simm.s32 @!p0 $0xD  }
0x1bb: {  	_ =	swait.ge @!p0 [sflag:s0], s1  }
0x1bc: {  	s1 =	ssub.s32 @!p0 $0x0, s1;
	[sflag:s0] =	ssyncset.done @!p0 $0x0  }
0x1bd: {  	[sflag:s0] =	ssyncadd.s32 @!p0 s1  }
0x1be: {  	[bflag:$0x3] =	sbarrier.arrive $0xFFFF  }
0x1bf: {  	_ =	shalt  }

</sc_bundles>
